<compile_context>
chip_gen: v7x
topology: tpu7x:2x2x1
jax: 0.10.2.dev20260603
libtpu: 0.0.44.dev20260713+nightly
codegen_flags: <defaults>
</compile_context>

<pallas_src>
import functools

import jax
import jax.numpy as jnp
from jax import lax
from jax.experimental import pallas as pl
from jax.experimental.pallas import tpu as pltpu
from jax.experimental.pallas import tpu_sc as plsc

_SIZES = (65536, 262144)
_R = 1048576
_HDIM = 4
_OUT = 32

_NC, _NS = 2, 16
_NW = _NC * _NS
_RPW = _R // _NW
_CB = 1024
_G = _CB // 128
_NCHUNK = _RPW // _CB
_GP128 = _R // 128
_HALF_G = _GP128 // 2
_RPWH = _RPW // 2
_NCHUNKH = _RPWH // _CB


def _sc_gather(ta0, ta1, ta2, ta3, tb0, tb1, tb2, tb3, ma3, mb3):
    mesh = plsc.VectorSubcoreMesh(core_axis_name="c", subcore_axis_name="s")

    @functools.partial(
        pl.kernel,
        mesh=mesh,
        out_type=jax.ShapeDtypeStruct((8, _HALF_G, 128), jnp.float32),
        scratch_types=[
            pltpu.VMEM((2, 8, _G, 128), jnp.int32),
            pltpu.VMEM((2, 8, _G, 128), jnp.float32),
            pltpu.SemaphoreType.DMA,
            pltpu.SemaphoreType.DMA,
            pltpu.SemaphoreType.DMA,
            pltpu.VMEM_SHARED((_SIZES[0],), jnp.float32),
            pltpu.VMEM_SHARED((_SIZES[0],), jnp.float32),
            pltpu.VMEM_SHARED((_SIZES[0],), jnp.float32),
            pltpu.VMEM_SHARED((_SIZES[0],), jnp.float32),
            pltpu.VMEM_SHARED((_SIZES[1],), jnp.float32),
            pltpu.VMEM_SHARED((_SIZES[1],), jnp.float32),
            pltpu.VMEM_SHARED((_SIZES[1],), jnp.float32),
            pltpu.VMEM_SHARED((_SIZES[1],), jnp.float32),
        ],
    )
    def k(a0, a1, a2, a3, b0, b1, b2, b3, ma, mb, feat_hbm, idx_v, g_v, sem,
          msem, wsem, s0, s1, s2, s3, s4, s5, s6, s7):
        hbm_tables = (a0, a1, a2, a3, b0, b1, b2, b3)
        tables = (s0, s1, s2, s3, s4, s5, s6, s7)
        sid = lax.axis_index("s")
        wid = sid * _NC + lax.axis_index("c")

        boff = (0, 87424, 174848)
        blen = (87424, 87424, 87296)
        for j in range(4):
            @pl.when(sid == j)
            def _():
                pltpu.sync_copy(hbm_tables[j], tables[j])
        for j in range(4):
            for t in range(3):
                @pl.when(sid == 4 + j * 3 + t)
                def _():
                    pltpu.sync_copy(
                        hbm_tables[4 + j].at[pl.ds(boff[t], blen[t])],
                        tables[4 + j].at[pl.ds(boff[t], blen[t])])
        plsc.subcore_barrier()

        gb0 = wid * (_RPWH // 128)

        def start_maps(ci, buf):
            gbase = gb0 + ci * _G
            pltpu.async_copy(ma.at[:, pl.ds(gbase, _G)],
                             idx_v.at[buf, pl.ds(0, 4)], msem)
            pltpu.async_copy(mb.at[:, pl.ds(gbase, _G)],
                             idx_v.at[buf, pl.ds(4, 4)], msem)

        def drain_maps(buf):
            pltpu.make_async_copy(ma.at[:, pl.ds(0, _G)],
                                  idx_v.at[buf, pl.ds(0, 4)], msem).wait()
            pltpu.make_async_copy(mb.at[:, pl.ds(0, _G)],
                                  idx_v.at[buf, pl.ds(4, 4)], msem).wait()

        def drain_feat(buf):
            pltpu.make_async_copy(g_v.at[buf],
                                  feat_hbm.at[:, pl.ds(0, _G)], wsem).wait()

        start_maps(0, 0)

        def chunk(ci, carry):
            buf = lax.rem(ci, 2)
            nbuf = lax.rem(ci + 1, 2)

            @pl.when(ci + 1 < _NCHUNKH)
            def _():
                start_maps(ci + 1, nbuf)

            drain_maps(buf)

            @pl.when(ci >= 2)
            def _():
                drain_feat(buf)

            def grp(g, c2):
                copies = [
                    pltpu.async_copy(tables[j].at[idx_v.at[buf, j, g]],
                                     g_v.at[buf, j, g], sem)
                    for j in range(8)
                ]
                for cp in copies:
                    cp.wait()
                return c2

            lax.fori_loop(0, _G, grp, 0)
            gbase = gb0 + ci * _G
            pltpu.async_copy(g_v.at[buf], feat_hbm.at[:, pl.ds(gbase, _G)],
                             wsem)
            return carry

        lax.fori_loop(0, _NCHUNKH, chunk, 0)
        drain_feat(0)
        drain_feat(1)

    return k(ta0, ta1, ta2, ta3, tb0, tb1, tb2, tb3, ma3, mb3)


_GBLK = 128
_BR = _GBLK * 128


def _mm_body(w_ref, ft_ref, *rest):
    o_ref = rest[-1]
    ft = ft_ref[...].reshape(8, _BR)
    o_ref[...] = lax.dot_general(
        w_ref[...], ft, (((0,), (0,)), ((), ())),
        preferred_element_type=jnp.float32)


_NBH = _R // 2 // _BR


def _mm_t_first(feat3, W):
    return pl.pallas_call(
        _mm_body,
        grid=(_NBH,),
        in_specs=[
            pl.BlockSpec((8, _OUT), lambda i: (0, 0)),
            pl.BlockSpec((8, _GBLK, 128), lambda i: (0, i, 0)),
        ],
        out_specs=pl.BlockSpec((_OUT, _BR), lambda i: (0, i)),
        out_shape=jax.ShapeDtypeStruct((_OUT, _R), jnp.float32),
    )(W, feat3)


def _mm_t_second(feat3, W, out_t):
    return pl.pallas_call(
        _mm_body,
        grid=(_NBH,),
        in_specs=[
            pl.BlockSpec((8, _OUT), lambda i: (0, 0)),
            pl.BlockSpec((8, _GBLK, 128), lambda i: (0, i, 0)),
            pl.BlockSpec(memory_space=pltpu.MemorySpace.HBM),
        ],
        out_specs=pl.BlockSpec((_OUT, _BR), lambda i: (0, i + _NBH)),
        out_shape=jax.ShapeDtypeStruct((_OUT, _R), jnp.float32),
        input_output_aliases={2: 0},
    )(W, feat3, out_t)


def kernel(codes, map_a, map_b, W):
    ca = codes[:_SIZES[0]].T
    cb = codes[_SIZES[0]:].T
    h = _R // 2
    maA = map_a[:h].T.reshape(_HDIM, _HALF_G, 128)
    mbA = map_b[:h].T.reshape(_HDIM, _HALF_G, 128)
    maB = map_a[h:].T.reshape(_HDIM, _HALF_G, 128)
    mbB = map_b[h:].T.reshape(_HDIM, _HALF_G, 128)
    featA = _sc_gather(ca[0], ca[1], ca[2], ca[3],
                       cb[0], cb[1], cb[2], cb[3], maA, mbA)
    featB = _sc_gather(ca[0], ca[1], ca[2], ca[3],
                       cb[0], cb[1], cb[2], cb[3], maB, mbB)
    out_t = _mm_t_first(featA, W)
    out_t = _mm_t_second(featB, W, out_t)
    return out_t.T

# --- scband reference (transcript-rebuilt; emitter-appended) ---
"""Pipeline reference for scband-gshash-encoding-73443940761815 (READ-ONLY COPY).

The authoritative reference and input builder live on the scoring server;
editing this copy changes nothing except your own understanding.
"""

import jax, jax.numpy as jnp
import numpy as np

SIZES = [65536, 262144]
RESO = 1048576
HDIM = 4
OUT_DIM = 32

def setup_inputs(seed: int = 0) -> dict:
    key = jax.random.key(seed)
    k1, k2, k3, k4 = jax.random.split(key, 4)
    total = sum(SIZES)
    codes = jax.random.uniform(k1, (total, HDIM), minval=-1.0, maxval=1.0, dtype=jnp.float32)
    map_a = jax.random.randint(k2, (RESO, HDIM), 0, SIZES[0], dtype=jnp.int32)
    map_b = jax.random.randint(k3, (RESO, HDIM), 0, SIZES[1], dtype=jnp.int32)
    fan_in = len(SIZES) * HDIM
    W = jax.random.uniform(k4, (fan_in, OUT_DIM), minval=-1.0/np.sqrt(fan_in), maxval=1.0/np.sqrt(fan_in), dtype=jnp.float32)
    return {"codes": codes, "map_a": map_a, "map_b": map_b, "W": W}

def reference(codes, map_a, map_b, W):
    # split concatenated codebooks per hash level (torch.split(self.codes, self.sizes))
    code_a = codes[:SIZES[0]]
    code_b = codes[SIZES[0]:SIZES[0] + SIZES[1]]
    # per-dimension hashed gather: stack([code[map[:, i], i] for i in range(hashmap_dim)], dim=-1)
    out_a = jnp.stack([code_a[map_a[:, i], i] for i in range(HDIM)], axis=-1)
    out_b = jnp.stack([code_b[map_b[:, i], i] for i in range(HDIM)], axis=-1)
    outs = jnp.concatenate([out_a, out_b], axis=1)
    # mlp head: Linear(len(hashmap_size_list)*hashmap_dim -> output_dim, bias=False)
    outs = outs @ W
    return outs

if __name__ == "__main__":
    import jax
    _d = setup_inputs()
    print(jax.jit(kernel)(*tuple(_d.values())))

</pallas_src>

<mosaic_0001>
#map = affine_map<(d0, d1) -> (0)>
#map1 = affine_map<(d0, d1) -> (0, 0, 0)>
module attributes {stable_mosaic.version = 14 : i64} {
  func.func @k(%arg0: i32, %arg1: i32, %arg2: memref<65536xf32, #tpu.memory_space<hbm>>, %arg3: memref<65536xf32, #tpu.memory_space<hbm>>, %arg4: memref<65536xf32, #tpu.memory_space<hbm>>, %arg5: memref<65536xf32, #tpu.memory_space<hbm>>, %arg6: memref<262144xf32, #tpu.memory_space<hbm>>, %arg7: memref<262144xf32, #tpu.memory_space<hbm>>, %arg8: memref<262144xf32, #tpu.memory_space<hbm>>, %arg9: memref<262144xf32, #tpu.memory_space<hbm>>, %arg10: memref<4x4096x128xi32, #tpu.memory_space<hbm>>, %arg11: memref<4x4096x128xi32, #tpu.memory_space<hbm>>, %arg12: memref<8x4096x128xf32, #tpu.memory_space<hbm>>, %arg13: memref<2x8x8x128xi32, #tpu.memory_space<vmem>>, %arg14: memref<2x8x8x128xf32, #tpu.memory_space<vmem>>, %arg15: memref<!tpu.dma_semaphore, #tpu.memory_space<semaphore_mem>>, %arg16: memref<!tpu.dma_semaphore, #tpu.memory_space<semaphore_mem>>, %arg17: memref<!tpu.dma_semaphore, #tpu.memory_space<semaphore_mem>>, %arg18: memref<65536xf32, #tpu.memory_space<vmem_shared>>, %arg19: memref<65536xf32, #tpu.memory_space<vmem_shared>>, %arg20: memref<65536xf32, #tpu.memory_space<vmem_shared>>, %arg21: memref<65536xf32, #tpu.memory_space<vmem_shared>>, %arg22: memref<262144xf32, #tpu.memory_space<vmem_shared>>, %arg23: memref<262144xf32, #tpu.memory_space<vmem_shared>>, %arg24: memref<262144xf32, #tpu.memory_space<vmem_shared>>, %arg25: memref<262144xf32, #tpu.memory_space<vmem_shared>>) attributes {dimension_semantics = [#tpu.dimension_semantics<core_parallel>, #tpu.dimension_semantics<subcore_parallel>], iteration_bounds = array<i64: 2, 16>, scalar_prefetch = 0 : i64, scratch_operands = 13 : i64, tpu.core_type = #tpu.core_type<sc_vector_subcore>, window_params = [{transform_indices = #map}, {transform_indices = #map}, {transform_indices = #map}, {transform_indices = #map}, {transform_indices = #map}, {transform_indices = #map}, {transform_indices = #map}, {transform_indices = #map}, {transform_indices = #map1}, {transform_indices = #map1}, {transform_indices = #map1}]} {
    %mul3A = arith.constant 2 : i32
    %mul3A_0 = arith.muli %arg1, %mul3A : i32
    %add3A = arith.addi %mul3A_0, %arg0 : i32
    %eq3A = arith.constant 0 : i32
    %eq3A_1 = arith.cmpi eq, %arg1, %eq3A : i32
    %convert_element_type3A = arith.extui %eq3A_1 : i1 to i32
    %cond3A = arith.constant 0 : i32
    %cond3A_2 = arith.cmpi ne, %convert_element_type3A, %cond3A : i32
    scf.if %cond3A_2 {
      "tpu.region"() ({
        %run_scoped3A = tpu.sem_alloc : memref<!tpu.dma_semaphore, #tpu.memory_space<semaphore_mem>>
        tpu.enqueue_dma source(%arg2 : memref<65536xf32, #tpu.memory_space<hbm>>) target(%arg18 : memref<65536xf32, #tpu.memory_space<vmem_shared>>) target_semaphore(%run_scoped3A : memref<!tpu.dma_semaphore, #tpu.memory_space<semaphore_mem>>)
        tpu.wait_dma2 semaphore(%run_scoped3A : memref<!tpu.dma_semaphore, #tpu.memory_space<semaphore_mem>>) src(%arg2 : memref<65536xf32, #tpu.memory_space<hbm>>) dst(%arg18 : memref<65536xf32, #tpu.memory_space<vmem_shared>>)
        tpu.yield
      }) : () -> ()
    } else {
    }
    %eq3A_3 = arith.constant 1 : i32
    %eq3A_4 = arith.cmpi eq, %arg1, %eq3A_3 : i32
    %convert_element_type3A_5 = arith.extui %eq3A_4 : i1 to i32
    %cond3A_6 = arith.constant 0 : i32
    %cond3A_7 = arith.cmpi ne, %convert_element_type3A_5, %cond3A_6 : i32
    scf.if %cond3A_7 {
      "tpu.region"() ({
        %run_scoped3A = tpu.sem_alloc : memref<!tpu.dma_semaphore, #tpu.memory_space<semaphore_mem>>
        tpu.enqueue_dma source(%arg3 : memref<65536xf32, #tpu.memory_space<hbm>>) target(%arg19 : memref<65536xf32, #tpu.memory_space<vmem_shared>>) target_semaphore(%run_scoped3A : memref<!tpu.dma_semaphore, #tpu.memory_space<semaphore_mem>>)
        tpu.wait_dma2 semaphore(%run_scoped3A : memref<!tpu.dma_semaphore, #tpu.memory_space<semaphore_mem>>) src(%arg3 : memref<65536xf32, #tpu.memory_space<hbm>>) dst(%arg19 : memref<65536xf32, #tpu.memory_space<vmem_shared>>)
        tpu.yield
      }) : () -> ()
    } else {
    }
    %eq3A_8 = arith.constant 2 : i32
    %eq3A_9 = arith.cmpi eq, %arg1, %eq3A_8 : i32
    %convert_element_type3A_10 = arith.extui %eq3A_9 : i1 to i32
    %cond3A_11 = arith.constant 0 : i32
    %cond3A_12 = arith.cmpi ne, %convert_element_type3A_10, %cond3A_11 : i32
    scf.if %cond3A_12 {
      "tpu.region"() ({
        %run_scoped3A = tpu.sem_alloc : memref<!tpu.dma_semaphore, #tpu.memory_space<semaphore_mem>>
        tpu.enqueue_dma source(%arg4 : memref<65536xf32, #tpu.memory_space<hbm>>) target(%arg20 : memref<65536xf32, #tpu.memory_space<vmem_shared>>) target_semaphore(%run_scoped3A : memref<!tpu.dma_semaphore, #tpu.memory_space<semaphore_mem>>)
        tpu.wait_dma2 semaphore(%run_scoped3A : memref<!tpu.dma_semaphore, #tpu.memory_space<semaphore_mem>>) src(%arg4 : memref<65536xf32, #tpu.memory_space<hbm>>) dst(%arg20 : memref<65536xf32, #tpu.memory_space<vmem_shared>>)
        tpu.yield
      }) : () -> ()
    } else {
    }
    %eq3A_13 = arith.constant 3 : i32
    %eq3A_14 = arith.cmpi eq, %arg1, %eq3A_13 : i32
    %convert_element_type3A_15 = arith.extui %eq3A_14 : i1 to i32
    %cond3A_16 = arith.constant 0 : i32
    %cond3A_17 = arith.cmpi ne, %convert_element_type3A_15, %cond3A_16 : i32
    scf.if %cond3A_17 {
      "tpu.region"() ({
        %run_scoped3A = tpu.sem_alloc : memref<!tpu.dma_semaphore, #tpu.memory_space<semaphore_mem>>
        tpu.enqueue_dma source(%arg5 : memref<65536xf32, #tpu.memory_space<hbm>>) target(%arg21 : memref<65536xf32, #tpu.memory_space<vmem_shared>>) target_semaphore(%run_scoped3A : memref<!tpu.dma_semaphore, #tpu.memory_space<semaphore_mem>>)
        tpu.wait_dma2 semaphore(%run_scoped3A : memref<!tpu.dma_semaphore, #tpu.memory_space<semaphore_mem>>) src(%arg5 : memref<65536xf32, #tpu.memory_space<hbm>>) dst(%arg21 : memref<65536xf32, #tpu.memory_space<vmem_shared>>)
        tpu.yield
      }) : () -> ()
    } else {
    }
    %eq3A_18 = arith.constant 4 : i32
    %eq3A_19 = arith.cmpi eq, %arg1, %eq3A_18 : i32
    %convert_element_type3A_20 = arith.extui %eq3A_19 : i1 to i32
    %cond3A_21 = arith.constant 0 : i32
    %cond3A_22 = arith.cmpi ne, %convert_element_type3A_20, %cond3A_21 : i32
    scf.if %cond3A_22 {
      "tpu.region"() ({
        %run_scoped3A = tpu.sem_alloc : memref<!tpu.dma_semaphore, #tpu.memory_space<semaphore_mem>>
        %dma_start3A_157 = arith.constant 0 : i32
        %dma_start3A_158 = tpu.memref_slice %arg22[%dma_start3A_157] : memref<262144xf32, #tpu.memory_space<vmem_shared>> -> memref<87424xf32, #tpu.memory_space<vmem_shared>>
        %dma_start3A_159 = arith.constant 0 : i32
        %dma_start3A_160 = tpu.memref_slice %arg6[%dma_start3A_159] : memref<262144xf32, #tpu.memory_space<hbm>> -> memref<87424xf32, #tpu.memory_space<hbm>>
        tpu.enqueue_dma source(%dma_start3A_160 : memref<87424xf32, #tpu.memory_space<hbm>>) target(%dma_start3A_158 : memref<87424xf32, #tpu.memory_space<vmem_shared>>) target_semaphore(%run_scoped3A : memref<!tpu.dma_semaphore, #tpu.memory_space<semaphore_mem>>)
        %dma_wait3A_161 = arith.constant 0 : i32
        %dma_wait3A_162 = tpu.memref_slice %arg22[%dma_wait3A_161] : memref<262144xf32, #tpu.memory_space<vmem_shared>> -> memref<87424xf32, #tpu.memory_space<vmem_shared>>
        %dma_wait3A_163 = arith.constant 0 : i32
        %dma_wait3A_164 = tpu.memref_slice %arg6[%dma_wait3A_163] : memref<262144xf32, #tpu.memory_space<hbm>> -> memref<87424xf32, #tpu.memory_space<hbm>>
        tpu.wait_dma2 semaphore(%run_scoped3A : memref<!tpu.dma_semaphore, #tpu.memory_space<semaphore_mem>>) src(%dma_wait3A_164 : memref<87424xf32, #tpu.memory_space<hbm>>) dst(%dma_wait3A_162 : memref<87424xf32, #tpu.memory_space<vmem_shared>>)
        tpu.yield
      }) : () -> ()
    } else {
    }
    %eq3A_23 = arith.constant 5 : i32
    %eq3A_24 = arith.cmpi eq, %arg1, %eq3A_23 : i32
    %convert_element_type3A_25 = arith.extui %eq3A_24 : i1 to i32
    %cond3A_26 = arith.constant 0 : i32
    %cond3A_27 = arith.cmpi ne, %convert_element_type3A_25, %cond3A_26 : i32
    scf.if %cond3A_27 {
      "tpu.region"() ({
        %run_scoped3A = tpu.sem_alloc : memref<!tpu.dma_semaphore, #tpu.memory_space<semaphore_mem>>
        %dma_start3A_157 = arith.constant 87424 : i32
        %dma_start3A_158 = tpu.memref_slice %arg22[%dma_start3A_157] : memref<262144xf32, #tpu.memory_space<vmem_shared>> -> memref<87424xf32, #tpu.memory_space<vmem_shared>>
        %dma_start3A_159 = arith.constant 87424 : i32
        %dma_start3A_160 = tpu.memref_slice %arg6[%dma_start3A_159] : memref<262144xf32, #tpu.memory_space<hbm>> -> memref<87424xf32, #tpu.memory_space<hbm>>
        tpu.enqueue_dma source(%dma_start3A_160 : memref<87424xf32, #tpu.memory_space<hbm>>) target(%dma_start3A_158 : memref<87424xf32, #tpu.memory_space<vmem_shared>>) target_semaphore(%run_scoped3A : memref<!tpu.dma_semaphore, #tpu.memory_space<semaphore_mem>>)
        %dma_wait3A_161 = arith.constant 87424 : i32
        %dma_wait3A_162 = tpu.memref_slice %arg22[%dma_wait3A_161] : memref<262144xf32, #tpu.memory_space<vmem_shared>> -> memref<87424xf32, #tpu.memory_space<vmem_shared>>
        %dma_wait3A_163 = arith.constant 87424 : i32
        %dma_wait3A_164 = tpu.memref_slice %arg6[%dma_wait3A_163] : memref<262144xf32, #tpu.memory_space<hbm>> -> memref<87424xf32, #tpu.memory_space<hbm>>
        tpu.wait_dma2 semaphore(%run_scoped3A : memref<!tpu.dma_semaphore, #tpu.memory_space<semaphore_mem>>) src(%dma_wait3A_164 : memref<87424xf32, #tpu.memory_space<hbm>>) dst(%dma_wait3A_162 : memref<87424xf32, #tpu.memory_space<vmem_shared>>)
        tpu.yield
      }) : () -> ()
    } else {
    }
    %eq3A_28 = arith.constant 6 : i32
    %eq3A_29 = arith.cmpi eq, %arg1, %eq3A_28 : i32
    %convert_element_type3A_30 = arith.extui %eq3A_29 : i1 to i32
    %cond3A_31 = arith.constant 0 : i32
    %cond3A_32 = arith.cmpi ne, %convert_element_type3A_30, %cond3A_31 : i32
    scf.if %cond3A_32 {
      "tpu.region"() ({
        %run_scoped3A = tpu.sem_alloc : memref<!tpu.dma_semaphore, #tpu.memory_space<semaphore_mem>>
        %dma_start3A_157 = arith.constant 174848 : i32
        %dma_start3A_158 = tpu.memref_slice %arg22[%dma_start3A_157] : memref<262144xf32, #tpu.memory_space<vmem_shared>> -> memref<87296xf32, #tpu.memory_space<vmem_shared>>
        %dma_start3A_159 = arith.constant 174848 : i32
        %dma_start3A_160 = tpu.memref_slice %arg6[%dma_start3A_159] : memref<262144xf32, #tpu.memory_space<hbm>> -> memref<87296xf32, #tpu.memory_space<hbm>>
        tpu.enqueue_dma source(%dma_start3A_160 : memref<87296xf32, #tpu.memory_space<hbm>>) target(%dma_start3A_158 : memref<87296xf32, #tpu.memory_space<vmem_shared>>) target_semaphore(%run_scoped3A : memref<!tpu.dma_semaphore, #tpu.memory_space<semaphore_mem>>)
        %dma_wait3A_161 = arith.constant 174848 : i32
        %dma_wait3A_162 = tpu.memref_slice %arg22[%dma_wait3A_161] : memref<262144xf32, #tpu.memory_space<vmem_shared>> -> memref<87296xf32, #tpu.memory_space<vmem_shared>>
        %dma_wait3A_163 = arith.constant 174848 : i32
        %dma_wait3A_164 = tpu.memref_slice %arg6[%dma_wait3A_163] : memref<262144xf32, #tpu.memory_space<hbm>> -> memref<87296xf32, #tpu.memory_space<hbm>>
        tpu.wait_dma2 semaphore(%run_scoped3A : memref<!tpu.dma_semaphore, #tpu.memory_space<semaphore_mem>>) src(%dma_wait3A_164 : memref<87296xf32, #tpu.memory_space<hbm>>) dst(%dma_wait3A_162 : memref<87296xf32, #tpu.memory_space<vmem_shared>>)
        tpu.yield
      }) : () -> ()
    } else {
    }
    %eq3A_33 = arith.constant 7 : i32
    %eq3A_34 = arith.cmpi eq, %arg1, %eq3A_33 : i32
    %convert_element_type3A_35 = arith.extui %eq3A_34 : i1 to i32
    %cond3A_36 = arith.constant 0 : i32
    %cond3A_37 = arith.cmpi ne, %convert_element_type3A_35, %cond3A_36 : i32
    scf.if %cond3A_37 {
      "tpu.region"() ({
        %run_scoped3A = tpu.sem_alloc : memref<!tpu.dma_semaphore, #tpu.memory_space<semaphore_mem>>
        %dma_start3A_157 = arith.constant 0 : i32
        %dma_start3A_158 = tpu.memref_slice %arg23[%dma_start3A_157] : memref<262144xf32, #tpu.memory_space<vmem_shared>> -> memref<87424xf32, #tpu.memory_space<vmem_shared>>
        %dma_start3A_159 = arith.constant 0 : i32
        %dma_start3A_160 = tpu.memref_slice %arg7[%dma_start3A_159] : memref<262144xf32, #tpu.memory_space<hbm>> -> memref<87424xf32, #tpu.memory_space<hbm>>
        tpu.enqueue_dma source(%dma_start3A_160 : memref<87424xf32, #tpu.memory_space<hbm>>) target(%dma_start3A_158 : memref<87424xf32, #tpu.memory_space<vmem_shared>>) target_semaphore(%run_scoped3A : memref<!tpu.dma_semaphore, #tpu.memory_space<semaphore_mem>>)
        %dma_wait3A_161 = arith.constant 0 : i32
        %dma_wait3A_162 = tpu.memref_slice %arg23[%dma_wait3A_161] : memref<262144xf32, #tpu.memory_space<vmem_shared>> -> memref<87424xf32, #tpu.memory_space<vmem_shared>>
        %dma_wait3A_163 = arith.constant 0 : i32
        %dma_wait3A_164 = tpu.memref_slice %arg7[%dma_wait3A_163] : memref<262144xf32, #tpu.memory_space<hbm>> -> memref<87424xf32, #tpu.memory_space<hbm>>
        tpu.wait_dma2 semaphore(%run_scoped3A : memref<!tpu.dma_semaphore, #tpu.memory_space<semaphore_mem>>) src(%dma_wait3A_164 : memref<87424xf32, #tpu.memory_space<hbm>>) dst(%dma_wait3A_162 : memref<87424xf32, #tpu.memory_space<vmem_shared>>)
        tpu.yield
      }) : () -> ()
    } else {
    }
    %eq3A_38 = arith.constant 8 : i32
    %eq3A_39 = arith.cmpi eq, %arg1, %eq3A_38 : i32
    %convert_element_type3A_40 = arith.extui %eq3A_39 : i1 to i32
    %cond3A_41 = arith.constant 0 : i32
    %cond3A_42 = arith.cmpi ne, %convert_element_type3A_40, %cond3A_41 : i32
    scf.if %cond3A_42 {
      "tpu.region"() ({
        %run_scoped3A = tpu.sem_alloc : memref<!tpu.dma_semaphore, #tpu.memory_space<semaphore_mem>>
        %dma_start3A_157 = arith.constant 87424 : i32
        %dma_start3A_158 = tpu.memref_slice %arg23[%dma_start3A_157] : memref<262144xf32, #tpu.memory_space<vmem_shared>> -> memref<87424xf32, #tpu.memory_space<vmem_shared>>
        %dma_start3A_159 = arith.constant 87424 : i32
        %dma_start3A_160 = tpu.memref_slice %arg7[%dma_start3A_159] : memref<262144xf32, #tpu.memory_space<hbm>> -> memref<87424xf32, #tpu.memory_space<hbm>>
        tpu.enqueue_dma source(%dma_start3A_160 : memref<87424xf32, #tpu.memory_space<hbm>>) target(%dma_start3A_158 : memref<87424xf32, #tpu.memory_space<vmem_shared>>) target_semaphore(%run_scoped3A : memref<!tpu.dma_semaphore, #tpu.memory_space<semaphore_mem>>)
        %dma_wait3A_161 = arith.constant 87424 : i32
        %dma_wait3A_162 = tpu.memref_slice %arg23[%dma_wait3A_161] : memref<262144xf32, #tpu.memory_space<vmem_shared>> -> memref<87424xf32, #tpu.memory_space<vmem_shared>>
        %dma_wait3A_163 = arith.constant 87424 : i32
        %dma_wait3A_164 = tpu.memref_slice %arg7[%dma_wait3A_163] : memref<262144xf32, #tpu.memory_space<hbm>> -> memref<87424xf32, #tpu.memory_space<hbm>>
        tpu.wait_dma2 semaphore(%run_scoped3A : memref<!tpu.dma_semaphore, #tpu.memory_space<semaphore_mem>>) src(%dma_wait3A_164 : memref<87424xf32, #tpu.memory_space<hbm>>) dst(%dma_wait3A_162 : memref<87424xf32, #tpu.memory_space<vmem_shared>>)
        tpu.yield
      }) : () -> ()
    } else {
    }
    %eq3A_43 = arith.constant 9 : i32
    %eq3A_44 = arith.cmpi eq, %arg1, %eq3A_43 : i32
    %convert_element_type3A_45 = arith.extui %eq3A_44 : i1 to i32
    %cond3A_46 = arith.constant 0 : i32
    %cond3A_47 = arith.cmpi ne, %convert_element_type3A_45, %cond3A_46 : i32
    scf.if %cond3A_47 {
      "tpu.region"() ({
        %run_scoped3A = tpu.sem_alloc : memref<!tpu.dma_semaphore, #tpu.memory_space<semaphore_mem>>
        %dma_start3A_157 = arith.constant 174848 : i32
        %dma_start3A_158 = tpu.memref_slice %arg23[%dma_start3A_157] : memref<262144xf32, #tpu.memory_space<vmem_shared>> -> memref<87296xf32, #tpu.memory_space<vmem_shared>>
        %dma_start3A_159 = arith.constant 174848 : i32
        %dma_start3A_160 = tpu.memref_slice %arg7[%dma_start3A_159] : memref<262144xf32, #tpu.memory_space<hbm>> -> memref<87296xf32, #tpu.memory_space<hbm>>
        tpu.enqueue_dma source(%dma_start3A_160 : memref<87296xf32, #tpu.memory_space<hbm>>) target(%dma_start3A_158 : memref<87296xf32, #tpu.memory_space<vmem_shared>>) target_semaphore(%run_scoped3A : memref<!tpu.dma_semaphore, #tpu.memory_space<semaphore_mem>>)
        %dma_wait3A_161 = arith.constant 174848 : i32
        %dma_wait3A_162 = tpu.memref_slice %arg23[%dma_wait3A_161] : memref<262144xf32, #tpu.memory_space<vmem_shared>> -> memref<87296xf32, #tpu.memory_space<vmem_shared>>
        %dma_wait3A_163 = arith.constant 174848 : i32
        %dma_wait3A_164 = tpu.memref_slice %arg7[%dma_wait3A_163] : memref<262144xf32, #tpu.memory_space<hbm>> -> memref<87296xf32, #tpu.memory_space<hbm>>
        tpu.wait_dma2 semaphore(%run_scoped3A : memref<!tpu.dma_semaphore, #tpu.memory_space<semaphore_mem>>) src(%dma_wait3A_164 : memref<87296xf32, #tpu.memory_space<hbm>>) dst(%dma_wait3A_162 : memref<87296xf32, #tpu.memory_space<vmem_shared>>)
        tpu.yield
      }) : () -> ()
    } else {
    }
    %eq3A_48 = arith.constant 10 : i32
    %eq3A_49 = arith.cmpi eq, %arg1, %eq3A_48 : i32
    %convert_element_type3A_50 = arith.extui %eq3A_49 : i1 to i32
    %cond3A_51 = arith.constant 0 : i32
    %cond3A_52 = arith.cmpi ne, %convert_element_type3A_50, %cond3A_51 : i32
    scf.if %cond3A_52 {
      "tpu.region"() ({
        %run_scoped3A = tpu.sem_alloc : memref<!tpu.dma_semaphore, #tpu.memory_space<semaphore_mem>>
        %dma_start3A_157 = arith.constant 0 : i32
        %dma_start3A_158 = tpu.memref_slice %arg24[%dma_start3A_157] : memref<262144xf32, #tpu.memory_space<vmem_shared>> -> memref<87424xf32, #tpu.memory_space<vmem_shared>>
        %dma_start3A_159 = arith.constant 0 : i32
        %dma_start3A_160 = tpu.memref_slice %arg8[%dma_start3A_159] : memref<262144xf32, #tpu.memory_space<hbm>> -> memref<87424xf32, #tpu.memory_space<hbm>>
        tpu.enqueue_dma source(%dma_start3A_160 : memref<87424xf32, #tpu.memory_space<hbm>>) target(%dma_start3A_158 : memref<87424xf32, #tpu.memory_space<vmem_shared>>) target_semaphore(%run_scoped3A : memref<!tpu.dma_semaphore, #tpu.memory_space<semaphore_mem>>)
        %dma_wait3A_161 = arith.constant 0 : i32
        %dma_wait3A_162 = tpu.memref_slice %arg24[%dma_wait3A_161] : memref<262144xf32, #tpu.memory_space<vmem_shared>> -> memref<87424xf32, #tpu.memory_space<vmem_shared>>
        %dma_wait3A_163 = arith.constant 0 : i32
        %dma_wait3A_164 = tpu.memref_slice %arg8[%dma_wait3A_163] : memref<262144xf32, #tpu.memory_space<hbm>> -> memref<87424xf32, #tpu.memory_space<hbm>>
        tpu.wait_dma2 semaphore(%run_scoped3A : memref<!tpu.dma_semaphore, #tpu.memory_space<semaphore_mem>>) src(%dma_wait3A_164 : memref<87424xf32, #tpu.memory_space<hbm>>) dst(%dma_wait3A_162 : memref<87424xf32, #tpu.memory_space<vmem_shared>>)
        tpu.yield
      }) : () -> ()
    } else {
    }
    %eq3A_53 = arith.constant 11 : i32
    %eq3A_54 = arith.cmpi eq, %arg1, %eq3A_53 : i32
    %convert_element_type3A_55 = arith.extui %eq3A_54 : i1 to i32
    %cond3A_56 = arith.constant 0 : i32
    %cond3A_57 = arith.cmpi ne, %convert_element_type3A_55, %cond3A_56 : i32
    scf.if %cond3A_57 {
      "tpu.region"() ({
        %run_scoped3A = tpu.sem_alloc : memref<!tpu.dma_semaphore, #tpu.memory_space<semaphore_mem>>
        %dma_start3A_157 = arith.constant 87424 : i32
        %dma_start3A_158 = tpu.memref_slice %arg24[%dma_start3A_157] : memref<262144xf32, #tpu.memory_space<vmem_shared>> -> memref<87424xf32, #tpu.memory_space<vmem_shared>>
        %dma_start3A_159 = arith.constant 87424 : i32
        %dma_start3A_160 = tpu.memref_slice %arg8[%dma_start3A_159] : memref<262144xf32, #tpu.memory_space<hbm>> -> memref<87424xf32, #tpu.memory_space<hbm>>
        tpu.enqueue_dma source(%dma_start3A_160 : memref<87424xf32, #tpu.memory_space<hbm>>) target(%dma_start3A_158 : memref<87424xf32, #tpu.memory_space<vmem_shared>>) target_semaphore(%run_scoped3A : memref<!tpu.dma_semaphore, #tpu.memory_space<semaphore_mem>>)
        %dma_wait3A_161 = arith.constant 87424 : i32
        %dma_wait3A_162 = tpu.memref_slice %arg24[%dma_wait3A_161] : memref<262144xf32, #tpu.memory_space<vmem_shared>> -> memref<87424xf32, #tpu.memory_space<vmem_shared>>
        %dma_wait3A_163 = arith.constant 87424 : i32
        %dma_wait3A_164 = tpu.memref_slice %arg8[%dma_wait3A_163] : memref<262144xf32, #tpu.memory_space<hbm>> -> memref<87424xf32, #tpu.memory_space<hbm>>
        tpu.wait_dma2 semaphore(%run_scoped3A : memref<!tpu.dma_semaphore, #tpu.memory_space<semaphore_mem>>) src(%dma_wait3A_164 : memref<87424xf32, #tpu.memory_space<hbm>>) dst(%dma_wait3A_162 : memref<87424xf32, #tpu.memory_space<vmem_shared>>)
        tpu.yield
      }) : () -> ()
    } else {
    }
    %eq3A_58 = arith.constant 12 : i32
    %eq3A_59 = arith.cmpi eq, %arg1, %eq3A_58 : i32
    %convert_element_type3A_60 = arith.extui %eq3A_59 : i1 to i32
    %cond3A_61 = arith.constant 0 : i32
    %cond3A_62 = arith.cmpi ne, %convert_element_type3A_60, %cond3A_61 : i32
    scf.if %cond3A_62 {
      "tpu.region"() ({
        %run_scoped3A = tpu.sem_alloc : memref<!tpu.dma_semaphore, #tpu.memory_space<semaphore_mem>>
        %dma_start3A_157 = arith.constant 174848 : i32
        %dma_start3A_158 = tpu.memref_slice %arg24[%dma_start3A_157] : memref<262144xf32, #tpu.memory_space<vmem_shared>> -> memref<87296xf32, #tpu.memory_space<vmem_shared>>
        %dma_start3A_159 = arith.constant 174848 : i32
        %dma_start3A_160 = tpu.memref_slice %arg8[%dma_start3A_159] : memref<262144xf32, #tpu.memory_space<hbm>> -> memref<87296xf32, #tpu.memory_space<hbm>>
        tpu.enqueue_dma source(%dma_start3A_160 : memref<87296xf32, #tpu.memory_space<hbm>>) target(%dma_start3A_158 : memref<87296xf32, #tpu.memory_space<vmem_shared>>) target_semaphore(%run_scoped3A : memref<!tpu.dma_semaphore, #tpu.memory_space<semaphore_mem>>)
        %dma_wait3A_161 = arith.constant 174848 : i32
        %dma_wait3A_162 = tpu.memref_slice %arg24[%dma_wait3A_161] : memref<262144xf32, #tpu.memory_space<vmem_shared>> -> memref<87296xf32, #tpu.memory_space<vmem_shared>>
        %dma_wait3A_163 = arith.constant 174848 : i32
        %dma_wait3A_164 = tpu.memref_slice %arg8[%dma_wait3A_163] : memref<262144xf32, #tpu.memory_space<hbm>> -> memref<87296xf32, #tpu.memory_space<hbm>>
        tpu.wait_dma2 semaphore(%run_scoped3A : memref<!tpu.dma_semaphore, #tpu.memory_space<semaphore_mem>>) src(%dma_wait3A_164 : memref<87296xf32, #tpu.memory_space<hbm>>) dst(%dma_wait3A_162 : memref<87296xf32, #tpu.memory_space<vmem_shared>>)
        tpu.yield
      }) : () -> ()
    } else {
    }
    %eq3A_63 = arith.constant 13 : i32
    %eq3A_64 = arith.cmpi eq, %arg1, %eq3A_63 : i32
    %convert_element_type3A_65 = arith.extui %eq3A_64 : i1 to i32
    %cond3A_66 = arith.constant 0 : i32
    %cond3A_67 = arith.cmpi ne, %convert_element_type3A_65, %cond3A_66 : i32
    scf.if %cond3A_67 {
      "tpu.region"() ({
        %run_scoped3A = tpu.sem_alloc : memref<!tpu.dma_semaphore, #tpu.memory_space<semaphore_mem>>
        %dma_start3A_157 = arith.constant 0 : i32
        %dma_start3A_158 = tpu.memref_slice %arg25[%dma_start3A_157] : memref<262144xf32, #tpu.memory_space<vmem_shared>> -> memref<87424xf32, #tpu.memory_space<vmem_shared>>
        %dma_start3A_159 = arith.constant 0 : i32
        %dma_start3A_160 = tpu.memref_slice %arg9[%dma_start3A_159] : memref<262144xf32, #tpu.memory_space<hbm>> -> memref<87424xf32, #tpu.memory_space<hbm>>
        tpu.enqueue_dma source(%dma_start3A_160 : memref<87424xf32, #tpu.memory_space<hbm>>) target(%dma_start3A_158 : memref<87424xf32, #tpu.memory_space<vmem_shared>>) target_semaphore(%run_scoped3A : memref<!tpu.dma_semaphore, #tpu.memory_space<semaphore_mem>>)
        %dma_wait3A_161 = arith.constant 0 : i32
        %dma_wait3A_162 = tpu.memref_slice %arg25[%dma_wait3A_161] : memref<262144xf32, #tpu.memory_space<vmem_shared>> -> memref<87424xf32, #tpu.memory_space<vmem_shared>>
        %dma_wait3A_163 = arith.constant 0 : i32
        %dma_wait3A_164 = tpu.memref_slice %arg9[%dma_wait3A_163] : memref<262144xf32, #tpu.memory_space<hbm>> -> memref<87424xf32, #tpu.memory_space<hbm>>
        tpu.wait_dma2 semaphore(%run_scoped3A : memref<!tpu.dma_semaphore, #tpu.memory_space<semaphore_mem>>) src(%dma_wait3A_164 : memref<87424xf32, #tpu.memory_space<hbm>>) dst(%dma_wait3A_162 : memref<87424xf32, #tpu.memory_space<vmem_shared>>)
        tpu.yield
      }) : () -> ()
    } else {
    }
    %eq3A_68 = arith.constant 14 : i32
    %eq3A_69 = arith.cmpi eq, %arg1, %eq3A_68 : i32
    %convert_element_type3A_70 = arith.extui %eq3A_69 : i1 to i32
    %cond3A_71 = arith.constant 0 : i32
    %cond3A_72 = arith.cmpi ne, %convert_element_type3A_70, %cond3A_71 : i32
    scf.if %cond3A_72 {
      "tpu.region"() ({
        %run_scoped3A = tpu.sem_alloc : memref<!tpu.dma_semaphore, #tpu.memory_space<semaphore_mem>>
        %dma_start3A_157 = arith.constant 87424 : i32
        %dma_start3A_158 = tpu.memref_slice %arg25[%dma_start3A_157] : memref<262144xf32, #tpu.memory_space<vmem_shared>> -> memref<87424xf32, #tpu.memory_space<vmem_shared>>
        %dma_start3A_159 = arith.constant 87424 : i32
        %dma_start3A_160 = tpu.memref_slice %arg9[%dma_start3A_159] : memref<262144xf32, #tpu.memory_space<hbm>> -> memref<87424xf32, #tpu.memory_space<hbm>>
        tpu.enqueue_dma source(%dma_start3A_160 : memref<87424xf32, #tpu.memory_space<hbm>>) target(%dma_start3A_158 : memref<87424xf32, #tpu.memory_space<vmem_shared>>) target_semaphore(%run_scoped3A : memref<!tpu.dma_semaphore, #tpu.memory_space<semaphore_mem>>)
        %dma_wait3A_161 = arith.constant 87424 : i32
        %dma_wait3A_162 = tpu.memref_slice %arg25[%dma_wait3A_161] : memref<262144xf32, #tpu.memory_space<vmem_shared>> -> memref<87424xf32, #tpu.memory_space<vmem_shared>>
        %dma_wait3A_163 = arith.constant 87424 : i32
        %dma_wait3A_164 = tpu.memref_slice %arg9[%dma_wait3A_163] : memref<262144xf32, #tpu.memory_space<hbm>> -> memref<87424xf32, #tpu.memory_space<hbm>>
        tpu.wait_dma2 semaphore(%run_scoped3A : memref<!tpu.dma_semaphore, #tpu.memory_space<semaphore_mem>>) src(%dma_wait3A_164 : memref<87424xf32, #tpu.memory_space<hbm>>) dst(%dma_wait3A_162 : memref<87424xf32, #tpu.memory_space<vmem_shared>>)
        tpu.yield
      }) : () -> ()
    } else {
    }
    %eq3A_73 = arith.constant 15 : i32
    %eq3A_74 = arith.cmpi eq, %arg1, %eq3A_73 : i32
    %convert_element_type3A_75 = arith.extui %eq3A_74 : i1 to i32
    %cond3A_76 = arith.constant 0 : i32
    %cond3A_77 = arith.cmpi ne, %convert_element_type3A_75, %cond3A_76 : i32
    scf.if %cond3A_77 {
      "tpu.region"() ({
        %run_scoped3A = tpu.sem_alloc : memref<!tpu.dma_semaphore, #tpu.memory_space<semaphore_mem>>
        %dma_start3A_157 = arith.constant 174848 : i32
        %dma_start3A_158 = tpu.memref_slice %arg25[%dma_start3A_157] : memref<262144xf32, #tpu.memory_space<vmem_shared>> -> memref<87296xf32, #tpu.memory_space<vmem_shared>>
        %dma_start3A_159 = arith.constant 174848 : i32
        %dma_start3A_160 = tpu.memref_slice %arg9[%dma_start3A_159] : memref<262144xf32, #tpu.memory_space<hbm>> -> memref<87296xf32, #tpu.memory_space<hbm>>
        tpu.enqueue_dma source(%dma_start3A_160 : memref<87296xf32, #tpu.memory_space<hbm>>) target(%dma_start3A_158 : memref<87296xf32, #tpu.memory_space<vmem_shared>>) target_semaphore(%run_scoped3A : memref<!tpu.dma_semaphore, #tpu.memory_space<semaphore_mem>>)
        %dma_wait3A_161 = arith.constant 174848 : i32
        %dma_wait3A_162 = tpu.memref_slice %arg25[%dma_wait3A_161] : memref<262144xf32, #tpu.memory_space<vmem_shared>> -> memref<87296xf32, #tpu.memory_space<vmem_shared>>
        %dma_wait3A_163 = arith.constant 174848 : i32
        %dma_wait3A_164 = tpu.memref_slice %arg9[%dma_wait3A_163] : memref<262144xf32, #tpu.memory_space<hbm>> -> memref<87296xf32, #tpu.memory_space<hbm>>
        tpu.wait_dma2 semaphore(%run_scoped3A : memref<!tpu.dma_semaphore, #tpu.memory_space<semaphore_mem>>) src(%dma_wait3A_164 : memref<87296xf32, #tpu.memory_space<hbm>>) dst(%dma_wait3A_162 : memref<87296xf32, #tpu.memory_space<vmem_shared>>)
        tpu.yield
      }) : () -> ()
    } else {
    }
    %barrier3A = arith.constant 0 : index
    tpu.barrier barrier_id(%barrier3A)
    %mul3A_78 = arith.constant 128 : i32
    %mul3A_79 = arith.muli %add3A, %mul3A_78 : i32
    %add3A_80 = arith.constant 0 : i32
    %add3A_81 = arith.addi %mul3A_79, %add3A_80 : i32
    %dma_start3A = arith.constant 0 : i32
    %dma_start3A_82 = arith.constant 0 : i32
    %dma_start3A_83 = arith.constant 0 : i32
    %dma_start3A_84 = arith.constant 0 : i32
    %dma_start3A_85 = tpu.memref_slice %arg13[%dma_start3A, %dma_start3A_82, %dma_start3A_83, %dma_start3A_84] : memref<2x8x8x128xi32, #tpu.memory_space<vmem>> -> memref<1x4x8x128xi32, #tpu.memory_space<vmem>>
    %dma_start3A_86 = tpu.memref_squeeze %dma_start3A_85 : memref<1x4x8x128xi32, #tpu.memory_space<vmem>> -> memref<4x8x128xi32, #tpu.memory_space<vmem>>
    %dma_start3A_87 = arith.constant 0 : i32
    %dma_start3A_88 = arith.constant 0 : i32
    %dma_start3A_89 = tpu.memref_slice %arg10[%dma_start3A_87, %add3A_81, %dma_start3A_88] : memref<4x4096x128xi32, #tpu.memory_space<hbm>> -> memref<4x8x128xi32, #tpu.memory_space<hbm>>
    %dma_start3A_90 = arith.constant 0 : i32
    %dma_start3A_91 = arith.constant 0 : i32
    %dma_start3A_92 = arith.constant 0 : i32
    %dma_start3A_93 = tpu.memref_slice %arg13[%dma_start3A, %dma_start3A_90, %dma_start3A_91, %dma_start3A_92] : memref<2x8x8x128xi32, #tpu.memory_space<vmem>> -> memref<1x4x8x128xi32, #tpu.memory_space<vmem>>
    %dma_start3A_94 = tpu.memref_squeeze %dma_start3A_93 : memref<1x4x8x128xi32, #tpu.memory_space<vmem>> -> memref<4x8x128xi32, #tpu.memory_space<vmem>>
    %dma_start3A_95 = arith.constant 0 : i32
    %dma_start3A_96 = arith.constant 0 : i32
    %dma_start3A_97 = tpu.memref_slice %arg10[%dma_start3A_95, %add3A_81, %dma_start3A_96] : memref<4x4096x128xi32, #tpu.memory_space<hbm>> -> memref<4x8x128xi32, #tpu.memory_space<hbm>>
    tpu.enqueue_dma source(%dma_start3A_97 : memref<4x8x128xi32, #tpu.memory_space<hbm>>) target(%dma_start3A_94 : memref<4x8x128xi32, #tpu.memory_space<vmem>>) target_semaphore(%arg16 : memref<!tpu.dma_semaphore, #tpu.memory_space<semaphore_mem>>)
    %dma_start3A_98 = arith.constant 0 : i32
    %dma_start3A_99 = arith.constant 4 : i32
    %dma_start3A_100 = arith.constant 0 : i32
    %dma_start3A_101 = arith.constant 0 : i32
    %dma_start3A_102 = tpu.memref_slice %arg13[%dma_start3A_98, %dma_start3A_99, %dma_start3A_100, %dma_start3A_101] : memref<2x8x8x128xi32, #tpu.memory_space<vmem>> -> memref<1x4x8x128xi32, #tpu.memory_space<vmem>>
    %dma_start3A_103 = tpu.memref_squeeze %dma_start3A_102 : memref<1x4x8x128xi32, #tpu.memory_space<vmem>> -> memref<4x8x128xi32, #tpu.memory_space<vmem>>
    %dma_start3A_104 = arith.constant 0 : i32
    %dma_start3A_105 = arith.constant 0 : i32
    %dma_start3A_106 = tpu.memref_slice %arg11[%dma_start3A_104, %add3A_81, %dma_start3A_105] : memref<4x4096x128xi32, #tpu.memory_space<hbm>> -> memref<4x8x128xi32, #tpu.memory_space<hbm>>
    %dma_start3A_107 = arith.constant 4 : i32
    %dma_start3A_108 = arith.constant 0 : i32
    %dma_start3A_109 = arith.constant 0 : i32
    %dma_start3A_110 = tpu.memref_slice %arg13[%dma_start3A_98, %dma_start3A_107, %dma_start3A_108, %dma_start3A_109] : memref<2x8x8x128xi32, #tpu.memory_space<vmem>> -> memref<1x4x8x128xi32, #tpu.memory_space<vmem>>
    %dma_start3A_111 = tpu.memref_squeeze %dma_start3A_110 : memref<1x4x8x128xi32, #tpu.memory_space<vmem>> -> memref<4x8x128xi32, #tpu.memory_space<vmem>>
    %dma_start3A_112 = arith.constant 0 : i32
    %dma_start3A_113 = arith.constant 0 : i32
    %dma_start3A_114 = tpu.memref_slice %arg11[%dma_start3A_112, %add3A_81, %dma_start3A_113] : memref<4x4096x128xi32, #tpu.memory_space<hbm>> -> memref<4x8x128xi32, #tpu.memory_space<hbm>>
    tpu.enqueue_dma source(%dma_start3A_114 : memref<4x8x128xi32, #tpu.memory_space<hbm>>) target(%dma_start3A_111 : memref<4x8x128xi32, #tpu.memory_space<vmem>>) target_semaphore(%arg16 : memref<!tpu.dma_semaphore, #tpu.memory_space<semaphore_mem>>)
    %scan3A = arith.constant 0 : i32
    %scan3A_115 = arith.constant 0 : i32
    %scan3A_116 = arith.constant 16 : i32
    %scan3A_117 = arith.addi %scan3A_115, %scan3A_116 : i32
    %scan3A_118 = arith.constant 1 : i32
    scf.for %scan3A_157 = %scan3A_115 to %scan3A_117 step %scan3A_118  : i32 {
      %rem3A = arith.constant 2 : i32
      %rem3A_158 = arith.remsi %scan3A_157, %rem3A : i32
      %add3A_159 = arith.constant 1 : i32
      %add3A_160 = arith.addi %scan3A_157, %add3A_159 : i32
      %rem3A_161 = arith.constant 2 : i32
      %rem3A_162 = arith.remsi %add3A_160, %rem3A_161 : i32
      %add3A_163 = arith.constant 1 : i32
      %add3A_164 = arith.addi %scan3A_157, %add3A_163 : i32
      %lt3A = arith.constant 16 : i32
      %lt3A_165 = arith.cmpi slt, %add3A_164, %lt3A : i32
      %convert_element_type3A_166 = arith.extui %lt3A_165 : i1 to i32
      %cond3A_167 = arith.constant 0 : i32
      %cond3A_168 = arith.cmpi ne, %convert_element_type3A_166, %cond3A_167 : i32
      scf.if %cond3A_168 {
        %add3A_234 = arith.constant 1 : i32
        %add3A_235 = arith.addi %scan3A_157, %add3A_234 : i32
        %mul3A_236 = arith.constant 8 : i32
        %mul3A_237 = arith.muli %add3A_235, %mul3A_236 : i32
        %add3A_238 = arith.addi %mul3A_79, %mul3A_237 : i32
        %dma_start3A_239 = arith.constant 0 : i32
        %dma_start3A_240 = arith.constant 0 : i32
        %dma_start3A_241 = arith.constant 0 : i32
        %dma_start3A_242 = tpu.memref_slice %arg13[%rem3A_162, %dma_start3A_239, %dma_start3A_240, %dma_start3A_241] : memref<2x8x8x128xi32, #tpu.memory_space<vmem>> -> memref<1x4x8x128xi32, #tpu.memory_space<vmem>>
        %dma_start3A_243 = tpu.memref_squeeze %dma_start3A_242 : memref<1x4x8x128xi32, #tpu.memory_space<vmem>> -> memref<4x8x128xi32, #tpu.memory_space<vmem>>
        %dma_start3A_244 = arith.constant 0 : i32
        %dma_start3A_245 = arith.constant 0 : i32
        %dma_start3A_246 = tpu.memref_slice %arg10[%dma_start3A_244, %add3A_238, %dma_start3A_245] : memref<4x4096x128xi32, #tpu.memory_space<hbm>> -> memref<4x8x128xi32, #tpu.memory_space<hbm>>
        %dma_start3A_247 = arith.constant 0 : i32
        %dma_start3A_248 = arith.constant 0 : i32
        %dma_start3A_249 = arith.constant 0 : i32
        %dma_start3A_250 = tpu.memref_slice %arg13[%rem3A_162, %dma_start3A_247, %dma_start3A_248, %dma_start3A_249] : memref<2x8x8x128xi32, #tpu.memory_space<vmem>> -> memref<1x4x8x128xi32, #tpu.memory_space<vmem>>
        %dma_start3A_251 = tpu.memref_squeeze %dma_start3A_250 : memref<1x4x8x128xi32, #tpu.memory_space<vmem>> -> memref<4x8x128xi32, #tpu.memory_space<vmem>>
        %dma_start3A_252 = arith.constant 0 : i32
        %dma_start3A_253 = arith.constant 0 : i32
        %dma_start3A_254 = tpu.memref_slice %arg10[%dma_start3A_252, %add3A_238, %dma_start3A_253] : memref<4x4096x128xi32, #tpu.memory_space<hbm>> -> memref<4x8x128xi32, #tpu.memory_space<hbm>>
        tpu.enqueue_dma source(%dma_start3A_254 : memref<4x8x128xi32, #tpu.memory_space<hbm>>) target(%dma_start3A_251 : memref<4x8x128xi32, #tpu.memory_space<vmem>>) target_semaphore(%arg16 : memref<!tpu.dma_semaphore, #tpu.memory_space<semaphore_mem>>)
        %dma_start3A_255 = arith.constant 4 : i32
        %dma_start3A_256 = arith.constant 0 : i32
        %dma_start3A_257 = arith.constant 0 : i32
        %dma_start3A_258 = tpu.memref_slice %arg13[%rem3A_162, %dma_start3A_255, %dma_start3A_256, %dma_start3A_257] : memref<2x8x8x128xi32, #tpu.memory_space<vmem>> -> memref<1x4x8x128xi32, #tpu.memory_space<vmem>>
        %dma_start3A_259 = tpu.memref_squeeze %dma_start3A_258 : memref<1x4x8x128xi32, #tpu.memory_space<vmem>> -> memref<4x8x128xi32, #tpu.memory_space<vmem>>
        %dma_start3A_260 = arith.constant 0 : i32
        %dma_start3A_261 = arith.constant 0 : i32
        %dma_start3A_262 = tpu.memref_slice %arg11[%dma_start3A_260, %add3A_238, %dma_start3A_261] : memref<4x4096x128xi32, #tpu.memory_space<hbm>> -> memref<4x8x128xi32, #tpu.memory_space<hbm>>
        %dma_start3A_263 = arith.constant 4 : i32
        %dma_start3A_264 = arith.constant 0 : i32
        %dma_start3A_265 = arith.constant 0 : i32
        %dma_start3A_266 = tpu.memref_slice %arg13[%rem3A_162, %dma_start3A_263, %dma_start3A_264, %dma_start3A_265] : memref<2x8x8x128xi32, #tpu.memory_space<vmem>> -> memref<1x4x8x128xi32, #tpu.memory_space<vmem>>
        %dma_start3A_267 = tpu.memref_squeeze %dma_start3A_266 : memref<1x4x8x128xi32, #tpu.memory_space<vmem>> -> memref<4x8x128xi32, #tpu.memory_space<vmem>>
        %dma_start3A_268 = arith.constant 0 : i32
        %dma_start3A_269 = arith.constant 0 : i32
        %dma_start3A_270 = tpu.memref_slice %arg11[%dma_start3A_268, %add3A_238, %dma_start3A_269] : memref<4x4096x128xi32, #tpu.memory_space<hbm>> -> memref<4x8x128xi32, #tpu.memory_space<hbm>>
        tpu.enqueue_dma source(%dma_start3A_270 : memref<4x8x128xi32, #tpu.memory_space<hbm>>) target(%dma_start3A_267 : memref<4x8x128xi32, #tpu.memory_space<vmem>>) target_semaphore(%arg16 : memref<!tpu.dma_semaphore, #tpu.memory_space<semaphore_mem>>)
      } else {
      }
      %dma_wait3A_169 = arith.constant 0 : i32
      %dma_wait3A_170 = arith.constant 0 : i32
      %dma_wait3A_171 = arith.constant 0 : i32
      %dma_wait3A_172 = tpu.memref_slice %arg13[%rem3A_158, %dma_wait3A_169, %dma_wait3A_170, %dma_wait3A_171] : memref<2x8x8x128xi32, #tpu.memory_space<vmem>> -> memref<1x4x8x128xi32, #tpu.memory_space<vmem>>
      %dma_wait3A_173 = tpu.memref_squeeze %dma_wait3A_172 : memref<1x4x8x128xi32, #tpu.memory_space<vmem>> -> memref<4x8x128xi32, #tpu.memory_space<vmem>>
      %dma_wait3A_174 = arith.constant 0 : i32
      %dma_wait3A_175 = arith.constant 0 : i32
      %dma_wait3A_176 = arith.constant 0 : i32
      %dma_wait3A_177 = tpu.memref_slice %arg10[%dma_wait3A_174, %dma_wait3A_175, %dma_wait3A_176] : memref<4x4096x128xi32, #tpu.memory_space<hbm>> -> memref<4x8x128xi32, #tpu.memory_space<hbm>>
      %dma_wait3A_178 = arith.constant 0 : i32
      %dma_wait3A_179 = arith.constant 0 : i32
      %dma_wait3A_180 = arith.constant 0 : i32
      %dma_wait3A_181 = tpu.memref_slice %arg13[%rem3A_158, %dma_wait3A_178, %dma_wait3A_179, %dma_wait3A_180] : memref<2x8x8x128xi32, #tpu.memory_space<vmem>> -> memref<1x4x8x128xi32, #tpu.memory_space<vmem>>
      %dma_wait3A_182 = tpu.memref_squeeze %dma_wait3A_181 : memref<1x4x8x128xi32, #tpu.memory_space<vmem>> -> memref<4x8x128xi32, #tpu.memory_space<vmem>>
      %dma_wait3A_183 = arith.constant 0 : i32
      %dma_wait3A_184 = arith.constant 0 : i32
      %dma_wait3A_185 = arith.constant 0 : i32
      %dma_wait3A_186 = tpu.memref_slice %arg10[%dma_wait3A_183, %dma_wait3A_184, %dma_wait3A_185] : memref<4x4096x128xi32, #tpu.memory_space<hbm>> -> memref<4x8x128xi32, #tpu.memory_space<hbm>>
      tpu.wait_dma2 semaphore(%arg16 : memref<!tpu.dma_semaphore, #tpu.memory_space<semaphore_mem>>) src(%dma_wait3A_186 : memref<4x8x128xi32, #tpu.memory_space<hbm>>) dst(%dma_wait3A_182 : memref<4x8x128xi32, #tpu.memory_space<vmem>>)
      %dma_wait3A_187 = arith.constant 4 : i32
      %dma_wait3A_188 = arith.constant 0 : i32
      %dma_wait3A_189 = arith.constant 0 : i32
      %dma_wait3A_190 = tpu.memref_slice %arg13[%rem3A_158, %dma_wait3A_187, %dma_wait3A_188, %dma_wait3A_189] : memref<2x8x8x128xi32, #tpu.memory_space<vmem>> -> memref<1x4x8x128xi32, #tpu.memory_space<vmem>>
      %dma_wait3A_191 = tpu.memref_squeeze %dma_wait3A_190 : memref<1x4x8x128xi32, #tpu.memory_space<vmem>> -> memref<4x8x128xi32, #tpu.memory_space<vmem>>
      %dma_wait3A_192 = arith.constant 0 : i32
      %dma_wait3A_193 = arith.constant 0 : i32
      %dma_wait3A_194 = arith.constant 0 : i32
      %dma_wait3A_195 = tpu.memref_slice %arg11[%dma_wait3A_192, %dma_wait3A_193, %dma_wait3A_194] : memref<4x4096x128xi32, #tpu.memory_space<hbm>> -> memref<4x8x128xi32, #tpu.memory_space<hbm>>
      %dma_wait3A_196 = arith.constant 4 : i32
      %dma_wait3A_197 = arith.constant 0 : i32
      %dma_wait3A_198 = arith.constant 0 : i32
      %dma_wait3A_199 = tpu.memref_slice %arg13[%rem3A_158, %dma_wait3A_196, %dma_wait3A_197, %dma_wait3A_198] : memref<2x8x8x128xi32, #tpu.memory_space<vmem>> -> memref<1x4x8x128xi32, #tpu.memory_space<vmem>>
      %dma_wait3A_200 = tpu.memref_squeeze %dma_wait3A_199 : memref<1x4x8x128xi32, #tpu.memory_space<vmem>> -> memref<4x8x128xi32, #tpu.memory_space<vmem>>
      %dma_wait3A_201 = arith.constant 0 : i32
      %dma_wait3A_202 = arith.constant 0 : i32
      %dma_wait3A_203 = arith.constant 0 : i32
      %dma_wait3A_204 = tpu.memref_slice %arg11[%dma_wait3A_201, %dma_wait3A_202, %dma_wait3A_203] : memref<4x4096x128xi32, #tpu.memory_space<hbm>> -> memref<4x8x128xi32, #tpu.memory_space<hbm>>
      tpu.wait_dma2 semaphore(%arg16 : memref<!tpu.dma_semaphore, #tpu.memory_space<semaphore_mem>>) src(%dma_wait3A_204 : memref<4x8x128xi32, #tpu.memory_space<hbm>>) dst(%dma_wait3A_200 : memref<4x8x128xi32, #tpu.memory_space<vmem>>)
      %ge3A = arith.constant 2 : i32
      %ge3A_205 = arith.cmpi sge, %scan3A_157, %ge3A : i32
      %convert_element_type3A_206 = arith.extui %ge3A_205 : i1 to i32
      %cond3A_207 = arith.constant 0 : i32
      %cond3A_208 = arith.cmpi ne, %convert_element_type3A_206, %cond3A_207 : i32
      scf.if %cond3A_208 {
        %dma_wait3A_234 = arith.constant 0 : i32
        %dma_wait3A_235 = arith.constant 0 : i32
        %dma_wait3A_236 = arith.constant 0 : i32
        %dma_wait3A_237 = tpu.memref_slice %arg14[%rem3A_158, %dma_wait3A_234, %dma_wait3A_235, %dma_wait3A_236] : memref<2x8x8x128xf32, #tpu.memory_space<vmem>> -> memref<1x8x8x128xf32, #tpu.memory_space<vmem>>
        %dma_wait3A_238 = tpu.memref_squeeze %dma_wait3A_237 : memref<1x8x8x128xf32, #tpu.memory_space<vmem>> -> memref<8x8x128xf32, #tpu.memory_space<vmem>>
        %dma_wait3A_239 = arith.constant 0 : i32
        %dma_wait3A_240 = arith.constant 0 : i32
        %dma_wait3A_241 = arith.constant 0 : i32
        %dma_wait3A_242 = tpu.memref_slice %arg12[%dma_wait3A_239, %dma_wait3A_240, %dma_wait3A_241] : memref<8x4096x128xf32, #tpu.memory_space<hbm>> -> memref<8x8x128xf32, #tpu.memory_space<hbm>>
        %dma_wait3A_243 = arith.constant 0 : i32
        %dma_wait3A_244 = arith.constant 0 : i32
        %dma_wait3A_245 = arith.constant 0 : i32
        %dma_wait3A_246 = tpu.memref_slice %arg12[%dma_wait3A_243, %dma_wait3A_244, %dma_wait3A_245] : memref<8x4096x128xf32, #tpu.memory_space<hbm>> -> memref<8x8x128xf32, #tpu.memory_space<hbm>>
        %dma_wait3A_247 = arith.constant 0 : i32
        %dma_wait3A_248 = arith.constant 0 : i32
        %dma_wait3A_249 = arith.constant 0 : i32
        %dma_wait3A_250 = tpu.memref_slice %arg14[%rem3A_158, %dma_wait3A_247, %dma_wait3A_248, %dma_wait3A_249] : memref<2x8x8x128xf32, #tpu.memory_space<vmem>> -> memref<1x8x8x128xf32, #tpu.memory_space<vmem>>
        %dma_wait3A_251 = tpu.memref_squeeze %dma_wait3A_250 : memref<1x8x8x128xf32, #tpu.memory_space<vmem>> -> memref<8x8x128xf32, #tpu.memory_space<vmem>>
        tpu.wait_dma2 semaphore(%arg17 : memref<!tpu.dma_semaphore, #tpu.memory_space<semaphore_mem>>) src(%dma_wait3A_251 : memref<8x8x128xf32, #tpu.memory_space<vmem>>) dst(%dma_wait3A_246 : memref<8x8x128xf32, #tpu.memory_space<hbm>>)
      } else {
      }
      %scan3A_209 = arith.constant 0 : i32
      %scan3A_210 = arith.constant 0 : i32
      %scan3A_211 = arith.constant 8 : i32
      %scan3A_212 = arith.addi %scan3A_210, %scan3A_211 : i32
      %scan3A_213 = arith.constant 1 : i32
      scf.for %scan3A_234 = %scan3A_210 to %scan3A_212 step %scan3A_213  : i32 {
        %dma_start3A_235 = arith.constant 0 : i32
        %dma_start3A_236 = arith.constant 0 : i32
        %dma_start3A_237 = arith.constant 0 : i32
        %dma_start3A_238 = tpu.memref_slice %arg14[%rem3A_158, %dma_start3A_236, %scan3A_234, %dma_start3A_237] : memref<2x8x8x128xf32, #tpu.memory_space<vmem>> -> memref<1x1x1x128xf32, #tpu.memory_space<vmem>>
        %dma_start3A_239 = tpu.memref_squeeze %dma_start3A_238 : memref<1x1x1x128xf32, #tpu.memory_space<vmem>> -> memref<128xf32, #tpu.memory_space<vmem>>
        %dma_start3A_240 = arith.constant 0 : i32
        %dma_start3A_241 = tpu.memref_slice %arg13[%rem3A_158, %dma_start3A_235, %scan3A_234, %dma_start3A_240] : memref<2x8x8x128xi32, #tpu.memory_space<vmem>> -> memref<1x1x1x128xi32, #tpu.memory_space<vmem>>
        %dma_start3A_242 = tpu.memref_squeeze %dma_start3A_241 : memref<1x1x1x128xi32, #tpu.memory_space<vmem>> -> memref<128xi32, #tpu.memory_space<vmem>>
        %dma_start3A_243 = arith.constant 0 : i32
        %dma_start3A_244 = tpu.memref_slice %arg18[%dma_start3A_243] : memref<65536xf32, #tpu.memory_space<vmem_shared>> -> memref<65536xf32, #tpu.memory_space<vmem_shared>>
        tpu.enqueue_indirect_dma source(%dma_start3A_244 : memref<65536xf32, #tpu.memory_space<vmem_shared>>) target(%dma_start3A_239 : memref<128xf32, #tpu.memory_space<vmem>>) offsets(%dma_start3A_242 : memref<128xi32, #tpu.memory_space<vmem>>) semaphore(%arg15 : memref<!tpu.dma_semaphore, #tpu.memory_space<semaphore_mem>>)
        %dma_start3A_245 = arith.constant 1 : i32
        %dma_start3A_246 = arith.constant 1 : i32
        %dma_start3A_247 = arith.constant 0 : i32
        %dma_start3A_248 = tpu.memref_slice %arg14[%rem3A_158, %dma_start3A_246, %scan3A_234, %dma_start3A_247] : memref<2x8x8x128xf32, #tpu.memory_space<vmem>> -> memref<1x1x1x128xf32, #tpu.memory_space<vmem>>
        %dma_start3A_249 = tpu.memref_squeeze %dma_start3A_248 : memref<1x1x1x128xf32, #tpu.memory_space<vmem>> -> memref<128xf32, #tpu.memory_space<vmem>>
        %dma_start3A_250 = arith.constant 0 : i32
        %dma_start3A_251 = tpu.memref_slice %arg13[%rem3A_158, %dma_start3A_245, %scan3A_234, %dma_start3A_250] : memref<2x8x8x128xi32, #tpu.memory_space<vmem>> -> memref<1x1x1x128xi32, #tpu.memory_space<vmem>>
        %dma_start3A_252 = tpu.memref_squeeze %dma_start3A_251 : memref<1x1x1x128xi32, #tpu.memory_space<vmem>> -> memref<128xi32, #tpu.memory_space<vmem>>
        %dma_start3A_253 = arith.constant 0 : i32
        %dma_start3A_254 = tpu.memref_slice %arg19[%dma_start3A_253] : memref<65536xf32, #tpu.memory_space<vmem_shared>> -> memref<65536xf32, #tpu.memory_space<vmem_shared>>
        tpu.enqueue_indirect_dma source(%dma_start3A_254 : memref<65536xf32, #tpu.memory_space<vmem_shared>>) target(%dma_start3A_249 : memref<128xf32, #tpu.memory_space<vmem>>) offsets(%dma_start3A_252 : memref<128xi32, #tpu.memory_space<vmem>>) semaphore(%arg15 : memref<!tpu.dma_semaphore, #tpu.memory_space<semaphore_mem>>)
        %dma_start3A_255 = arith.constant 2 : i32
        %dma_start3A_256 = arith.constant 2 : i32
        %dma_start3A_257 = arith.constant 0 : i32
        %dma_start3A_258 = tpu.memref_slice %arg14[%rem3A_158, %dma_start3A_256, %scan3A_234, %dma_start3A_257] : memref<2x8x8x128xf32, #tpu.memory_space<vmem>> -> memref<1x1x1x128xf32, #tpu.memory_space<vmem>>
        %dma_start3A_259 = tpu.memref_squeeze %dma_start3A_258 : memref<1x1x1x128xf32, #tpu.memory_space<vmem>> -> memref<128xf32, #tpu.memory_space<vmem>>
        %dma_start3A_260 = arith.constant 0 : i32
        %dma_start3A_261 = tpu.memref_slice %arg13[%rem3A_158, %dma_start3A_255, %scan3A_234, %dma_start3A_260] : memref<2x8x8x128xi32, #tpu.memory_space<vmem>> -> memref<1x1x1x128xi32, #tpu.memory_space<vmem>>
        %dma_start3A_262 = tpu.memref_squeeze %dma_start3A_261 : memref<1x1x1x128xi32, #tpu.memory_space<vmem>> -> memref<128xi32, #tpu.memory_space<vmem>>
        %dma_start3A_263 = arith.constant 0 : i32
        %dma_start3A_264 = tpu.memref_slice %arg20[%dma_start3A_263] : memref<65536xf32, #tpu.memory_space<vmem_shared>> -> memref<65536xf32, #tpu.memory_space<vmem_shared>>
        tpu.enqueue_indirect_dma source(%dma_start3A_264 : memref<65536xf32, #tpu.memory_space<vmem_shared>>) target(%dma_start3A_259 : memref<128xf32, #tpu.memory_space<vmem>>) offsets(%dma_start3A_262 : memref<128xi32, #tpu.memory_space<vmem>>) semaphore(%arg15 : memref<!tpu.dma_semaphore, #tpu.memory_space<semaphore_mem>>)
        %dma_start3A_265 = arith.constant 3 : i32
        %dma_start3A_266 = arith.constant 3 : i32
        %dma_start3A_267 = arith.constant 0 : i32
        %dma_start3A_268 = tpu.memref_slice %arg14[%rem3A_158, %dma_start3A_266, %scan3A_234, %dma_start3A_267] : memref<2x8x8x128xf32, #tpu.memory_space<vmem>> -> memref<1x1x1x128xf32, #tpu.memory_space<vmem>>
        %dma_start3A_269 = tpu.memref_squeeze %dma_start3A_268 : memref<1x1x1x128xf32, #tpu.memory_space<vmem>> -> memref<128xf32, #tpu.memory_space<vmem>>
        %dma_start3A_270 = arith.constant 0 : i32
        %dma_start3A_271 = tpu.memref_slice %arg13[%rem3A_158, %dma_start3A_265, %scan3A_234, %dma_start3A_270] : memref<2x8x8x128xi32, #tpu.memory_space<vmem>> -> memref<1x1x1x128xi32, #tpu.memory_space<vmem>>
        %dma_start3A_272 = tpu.memref_squeeze %dma_start3A_271 : memref<1x1x1x128xi32, #tpu.memory_space<vmem>> -> memref<128xi32, #tpu.memory_space<vmem>>
        %dma_start3A_273 = arith.constant 0 : i32
        %dma_start3A_274 = tpu.memref_slice %arg21[%dma_start3A_273] : memref<65536xf32, #tpu.memory_space<vmem_shared>> -> memref<65536xf32, #tpu.memory_space<vmem_shared>>
        tpu.enqueue_indirect_dma source(%dma_start3A_274 : memref<65536xf32, #tpu.memory_space<vmem_shared>>) target(%dma_start3A_269 : memref<128xf32, #tpu.memory_space<vmem>>) offsets(%dma_start3A_272 : memref<128xi32, #tpu.memory_space<vmem>>) semaphore(%arg15 : memref<!tpu.dma_semaphore, #tpu.memory_space<semaphore_mem>>)
        %dma_start3A_275 = arith.constant 4 : i32
        %dma_start3A_276 = arith.constant 4 : i32
        %dma_start3A_277 = arith.constant 0 : i32
        %dma_start3A_278 = tpu.memref_slice %arg14[%rem3A_158, %dma_start3A_276, %scan3A_234, %dma_start3A_277] : memref<2x8x8x128xf32, #tpu.memory_space<vmem>> -> memref<1x1x1x128xf32, #tpu.memory_space<vmem>>
        %dma_start3A_279 = tpu.memref_squeeze %dma_start3A_278 : memref<1x1x1x128xf32, #tpu.memory_space<vmem>> -> memref<128xf32, #tpu.memory_space<vmem>>
        %dma_start3A_280 = arith.constant 0 : i32
        %dma_start3A_281 = tpu.memref_slice %arg13[%rem3A_158, %dma_start3A_275, %scan3A_234, %dma_start3A_280] : memref<2x8x8x128xi32, #tpu.memory_space<vmem>> -> memref<1x1x1x128xi32, #tpu.memory_space<vmem>>
        %dma_start3A_282 = tpu.memref_squeeze %dma_start3A_281 : memref<1x1x1x128xi32, #tpu.memory_space<vmem>> -> memref<128xi32, #tpu.memory_space<vmem>>
        %dma_start3A_283 = arith.constant 0 : i32
        %dma_start3A_284 = tpu.memref_slice %arg22[%dma_start3A_283] : memref<262144xf32, #tpu.memory_space<vmem_shared>> -> memref<262144xf32, #tpu.memory_space<vmem_shared>>
        tpu.enqueue_indirect_dma source(%dma_start3A_284 : memref<262144xf32, #tpu.memory_space<vmem_shared>>) target(%dma_start3A_279 : memref<128xf32, #tpu.memory_space<vmem>>) offsets(%dma_start3A_282 : memref<128xi32, #tpu.memory_space<vmem>>) semaphore(%arg15 : memref<!tpu.dma_semaphore, #tpu.memory_space<semaphore_mem>>)
        %dma_start3A_285 = arith.constant 5 : i32
        %dma_start3A_286 = arith.constant 5 : i32
        %dma_start3A_287 = arith.constant 0 : i32
        %dma_start3A_288 = tpu.memref_slice %arg14[%rem3A_158, %dma_start3A_286, %scan3A_234, %dma_start3A_287] : memref<2x8x8x128xf32, #tpu.memory_space<vmem>> -> memref<1x1x1x128xf32, #tpu.memory_space<vmem>>
        %dma_start3A_289 = tpu.memref_squeeze %dma_start3A_288 : memref<1x1x1x128xf32, #tpu.memory_space<vmem>> -> memref<128xf32, #tpu.memory_space<vmem>>
        %dma_start3A_290 = arith.constant 0 : i32
        %dma_start3A_291 = tpu.memref_slice %arg13[%rem3A_158, %dma_start3A_285, %scan3A_234, %dma_start3A_290] : memref<2x8x8x128xi32, #tpu.memory_space<vmem>> -> memref<1x1x1x128xi32, #tpu.memory_space<vmem>>
        %dma_start3A_292 = tpu.memref_squeeze %dma_start3A_291 : memref<1x1x1x128xi32, #tpu.memory_space<vmem>> -> memref<128xi32, #tpu.memory_space<vmem>>
        %dma_start3A_293 = arith.constant 0 : i32
        %dma_start3A_294 = tpu.memref_slice %arg23[%dma_start3A_293] : memref<262144xf32, #tpu.memory_space<vmem_shared>> -> memref<262144xf32, #tpu.memory_space<vmem_shared>>
        tpu.enqueue_indirect_dma source(%dma_start3A_294 : memref<262144xf32, #tpu.memory_space<vmem_shared>>) target(%dma_start3A_289 : memref<128xf32, #tpu.memory_space<vmem>>) offsets(%dma_start3A_292 : memref<128xi32, #tpu.memory_space<vmem>>) semaphore(%arg15 : memref<!tpu.dma_semaphore, #tpu.memory_space<semaphore_mem>>)
        %dma_start3A_295 = arith.constant 6 : i32
        %dma_start3A_296 = arith.constant 6 : i32
        %dma_start3A_297 = arith.constant 0 : i32
        %dma_start3A_298 = tpu.memref_slice %arg14[%rem3A_158, %dma_start3A_296, %scan3A_234, %dma_start3A_297] : memref<2x8x8x128xf32, #tpu.memory_space<vmem>> -> memref<1x1x1x128xf32, #tpu.memory_space<vmem>>
        %dma_start3A_299 = tpu.memref_squeeze %dma_start3A_298 : memref<1x1x1x128xf32, #tpu.memory_space<vmem>> -> memref<128xf32, #tpu.memory_space<vmem>>
        %dma_start3A_300 = arith.constant 0 : i32
        %dma_start3A_301 = tpu.memref_slice %arg13[%rem3A_158, %dma_start3A_295, %scan3A_234, %dma_start3A_300] : memref<2x8x8x128xi32, #tpu.memory_space<vmem>> -> memref<1x1x1x128xi32, #tpu.memory_space<vmem>>
        %dma_start3A_302 = tpu.memref_squeeze %dma_start3A_301 : memref<1x1x1x128xi32, #tpu.memory_space<vmem>> -> memref<128xi32, #tpu.memory_space<vmem>>
        %dma_start3A_303 = arith.constant 0 : i32
        %dma_start3A_304 = tpu.memref_slice %arg24[%dma_start3A_303] : memref<262144xf32, #tpu.memory_space<vmem_shared>> -> memref<262144xf32, #tpu.memory_space<vmem_shared>>
        tpu.enqueue_indirect_dma source(%dma_start3A_304 : memref<262144xf32, #tpu.memory_space<vmem_shared>>) target(%dma_start3A_299 : memref<128xf32, #tpu.memory_space<vmem>>) offsets(%dma_start3A_302 : memref<128xi32, #tpu.memory_space<vmem>>) semaphore(%arg15 : memref<!tpu.dma_semaphore, #tpu.memory_space<semaphore_mem>>)
        %dma_start3A_305 = arith.constant 7 : i32
        %dma_start3A_306 = arith.constant 7 : i32
        %dma_start3A_307 = arith.constant 0 : i32
        %dma_start3A_308 = tpu.memref_slice %arg14[%rem3A_158, %dma_start3A_306, %scan3A_234, %dma_start3A_307] : memref<2x8x8x128xf32, #tpu.memory_space<vmem>> -> memref<1x1x1x128xf32, #tpu.memory_space<vmem>>
        %dma_start3A_309 = tpu.memref_squeeze %dma_start3A_308 : memref<1x1x1x128xf32, #tpu.memory_space<vmem>> -> memref<128xf32, #tpu.memory_space<vmem>>
        %dma_start3A_310 = arith.constant 0 : i32
        %dma_start3A_311 = tpu.memref_slice %arg13[%rem3A_158, %dma_start3A_305, %scan3A_234, %dma_start3A_310] : memref<2x8x8x128xi32, #tpu.memory_space<vmem>> -> memref<1x1x1x128xi32, #tpu.memory_space<vmem>>
        %dma_start3A_312 = tpu.memref_squeeze %dma_start3A_311 : memref<1x1x1x128xi32, #tpu.memory_space<vmem>> -> memref<128xi32, #tpu.memory_space<vmem>>
        %dma_start3A_313 = arith.constant 0 : i32
        %dma_start3A_314 = tpu.memref_slice %arg25[%dma_start3A_313] : memref<262144xf32, #tpu.memory_space<vmem_shared>> -> memref<262144xf32, #tpu.memory_space<vmem_shared>>
        tpu.enqueue_indirect_dma source(%dma_start3A_314 : memref<262144xf32, #tpu.memory_space<vmem_shared>>) target(%dma_start3A_309 : memref<128xf32, #tpu.memory_space<vmem>>) offsets(%dma_start3A_312 : memref<128xi32, #tpu.memory_space<vmem>>) semaphore(%arg15 : memref<!tpu.dma_semaphore, #tpu.memory_space<semaphore_mem>>)
        %dma_wait3A_315 = arith.constant 0 : i32
        %dma_wait3A_316 = arith.constant 0 : i32
        %dma_wait3A_317 = arith.constant 0 : i32
        %dma_wait3A_318 = tpu.memref_slice %arg14[%rem3A_158, %dma_wait3A_316, %scan3A_234, %dma_wait3A_317] : memref<2x8x8x128xf32, #tpu.memory_space<vmem>> -> memref<1x1x1x128xf32, #tpu.memory_space<vmem>>
        %dma_wait3A_319 = tpu.memref_squeeze %dma_wait3A_318 : memref<1x1x1x128xf32, #tpu.memory_space<vmem>> -> memref<128xf32, #tpu.memory_space<vmem>>
        %dma_wait3A_320 = arith.constant 0 : i32
        %dma_wait3A_321 = tpu.memref_slice %arg13[%rem3A_158, %dma_wait3A_315, %scan3A_234, %dma_wait3A_320] : memref<2x8x8x128xi32, #tpu.memory_space<vmem>> -> memref<1x1x1x128xi32, #tpu.memory_space<vmem>>
        %dma_wait3A_322 = tpu.memref_squeeze %dma_wait3A_321 : memref<1x1x1x128xi32, #tpu.memory_space<vmem>> -> memref<128xi32, #tpu.memory_space<vmem>>
        %dma_wait3A_323 = arith.constant 0 : i32
        %dma_wait3A_324 = tpu.memref_slice %arg18[%dma_wait3A_323] : memref<65536xf32, #tpu.memory_space<vmem_shared>> -> memref<65536xf32, #tpu.memory_space<vmem_shared>>
        tpu.wait_indirect_dma semaphore(%arg15 : memref<!tpu.dma_semaphore, #tpu.memory_space<semaphore_mem>>) src(%dma_wait3A_324 : memref<65536xf32, #tpu.memory_space<vmem_shared>>) dst(%dma_wait3A_319 : memref<128xf32, #tpu.memory_space<vmem>>)
        %dma_wait3A_325 = arith.constant 1 : i32
        %dma_wait3A_326 = arith.constant 1 : i32
        %dma_wait3A_327 = arith.constant 0 : i32
        %dma_wait3A_328 = tpu.memref_slice %arg14[%rem3A_158, %dma_wait3A_326, %scan3A_234, %dma_wait3A_327] : memref<2x8x8x128xf32, #tpu.memory_space<vmem>> -> memref<1x1x1x128xf32, #tpu.memory_space<vmem>>
        %dma_wait3A_329 = tpu.memref_squeeze %dma_wait3A_328 : memref<1x1x1x128xf32, #tpu.memory_space<vmem>> -> memref<128xf32, #tpu.memory_space<vmem>>
        %dma_wait3A_330 = arith.constant 0 : i32
        %dma_wait3A_331 = tpu.memref_slice %arg13[%rem3A_158, %dma_wait3A_325, %scan3A_234, %dma_wait3A_330] : memref<2x8x8x128xi32, #tpu.memory_space<vmem>> -> memref<1x1x1x128xi32, #tpu.memory_space<vmem>>
        %dma_wait3A_332 = tpu.memref_squeeze %dma_wait3A_331 : memref<1x1x1x128xi32, #tpu.memory_space<vmem>> -> memref<128xi32, #tpu.memory_space<vmem>>
        %dma_wait3A_333 = arith.constant 0 : i32
        %dma_wait3A_334 = tpu.memref_slice %arg19[%dma_wait3A_333] : memref<65536xf32, #tpu.memory_space<vmem_shared>> -> memref<65536xf32, #tpu.memory_space<vmem_shared>>
        tpu.wait_indirect_dma semaphore(%arg15 : memref<!tpu.dma_semaphore, #tpu.memory_space<semaphore_mem>>) src(%dma_wait3A_334 : memref<65536xf32, #tpu.memory_space<vmem_shared>>) dst(%dma_wait3A_329 : memref<128xf32, #tpu.memory_space<vmem>>)
        %dma_wait3A_335 = arith.constant 2 : i32
        %dma_wait3A_336 = arith.constant 2 : i32
        %dma_wait3A_337 = arith.constant 0 : i32
        %dma_wait3A_338 = tpu.memref_slice %arg14[%rem3A_158, %dma_wait3A_336, %scan3A_234, %dma_wait3A_337] : memref<2x8x8x128xf32, #tpu.memory_space<vmem>> -> memref<1x1x1x128xf32, #tpu.memory_space<vmem>>
        %dma_wait3A_339 = tpu.memref_squeeze %dma_wait3A_338 : memref<1x1x1x128xf32, #tpu.memory_space<vmem>> -> memref<128xf32, #tpu.memory_space<vmem>>
        %dma_wait3A_340 = arith.constant 0 : i32
        %dma_wait3A_341 = tpu.memref_slice %arg13[%rem3A_158, %dma_wait3A_335, %scan3A_234, %dma_wait3A_340] : memref<2x8x8x128xi32, #tpu.memory_space<vmem>> -> memref<1x1x1x128xi32, #tpu.memory_space<vmem>>
        %dma_wait3A_342 = tpu.memref_squeeze %dma_wait3A_341 : memref<1x1x1x128xi32, #tpu.memory_space<vmem>> -> memref<128xi32, #tpu.memory_space<vmem>>
        %dma_wait3A_343 = arith.constant 0 : i32
        %dma_wait3A_344 = tpu.memref_slice %arg20[%dma_wait3A_343] : memref<65536xf32, #tpu.memory_space<vmem_shared>> -> memref<65536xf32, #tpu.memory_space<vmem_shared>>
        tpu.wait_indirect_dma semaphore(%arg15 : memref<!tpu.dma_semaphore, #tpu.memory_space<semaphore_mem>>) src(%dma_wait3A_344 : memref<65536xf32, #tpu.memory_space<vmem_shared>>) dst(%dma_wait3A_339 : memref<128xf32, #tpu.memory_space<vmem>>)
        %dma_wait3A_345 = arith.constant 3 : i32
        %dma_wait3A_346 = arith.constant 3 : i32
        %dma_wait3A_347 = arith.constant 0 : i32
        %dma_wait3A_348 = tpu.memref_slice %arg14[%rem3A_158, %dma_wait3A_346, %scan3A_234, %dma_wait3A_347] : memref<2x8x8x128xf32, #tpu.memory_space<vmem>> -> memref<1x1x1x128xf32, #tpu.memory_space<vmem>>
        %dma_wait3A_349 = tpu.memref_squeeze %dma_wait3A_348 : memref<1x1x1x128xf32, #tpu.memory_space<vmem>> -> memref<128xf32, #tpu.memory_space<vmem>>
        %dma_wait3A_350 = arith.constant 0 : i32
        %dma_wait3A_351 = tpu.memref_slice %arg13[%rem3A_158, %dma_wait3A_345, %scan3A_234, %dma_wait3A_350] : memref<2x8x8x128xi32, #tpu.memory_space<vmem>> -> memref<1x1x1x128xi32, #tpu.memory_space<vmem>>
        %dma_wait3A_352 = tpu.memref_squeeze %dma_wait3A_351 : memref<1x1x1x128xi32, #tpu.memory_space<vmem>> -> memref<128xi32, #tpu.memory_space<vmem>>
        %dma_wait3A_353 = arith.constant 0 : i32
        %dma_wait3A_354 = tpu.memref_slice %arg21[%dma_wait3A_353] : memref<65536xf32, #tpu.memory_space<vmem_shared>> -> memref<65536xf32, #tpu.memory_space<vmem_shared>>
        tpu.wait_indirect_dma semaphore(%arg15 : memref<!tpu.dma_semaphore, #tpu.memory_space<semaphore_mem>>) src(%dma_wait3A_354 : memref<65536xf32, #tpu.memory_space<vmem_shared>>) dst(%dma_wait3A_349 : memref<128xf32, #tpu.memory_space<vmem>>)
        %dma_wait3A_355 = arith.constant 4 : i32
        %dma_wait3A_356 = arith.constant 4 : i32
        %dma_wait3A_357 = arith.constant 0 : i32
        %dma_wait3A_358 = tpu.memref_slice %arg14[%rem3A_158, %dma_wait3A_356, %scan3A_234, %dma_wait3A_357] : memref<2x8x8x128xf32, #tpu.memory_space<vmem>> -> memref<1x1x1x128xf32, #tpu.memory_space<vmem>>
        %dma_wait3A_359 = tpu.memref_squeeze %dma_wait3A_358 : memref<1x1x1x128xf32, #tpu.memory_space<vmem>> -> memref<128xf32, #tpu.memory_space<vmem>>
        %dma_wait3A_360 = arith.constant 0 : i32
        %dma_wait3A_361 = tpu.memref_slice %arg13[%rem3A_158, %dma_wait3A_355, %scan3A_234, %dma_wait3A_360] : memref<2x8x8x128xi32, #tpu.memory_space<vmem>> -> memref<1x1x1x128xi32, #tpu.memory_space<vmem>>
        %dma_wait3A_362 = tpu.memref_squeeze %dma_wait3A_361 : memref<1x1x1x128xi32, #tpu.memory_space<vmem>> -> memref<128xi32, #tpu.memory_space<vmem>>
        %dma_wait3A_363 = arith.constant 0 : i32
        %dma_wait3A_364 = tpu.memref_slice %arg22[%dma_wait3A_363] : memref<262144xf32, #tpu.memory_space<vmem_shared>> -> memref<262144xf32, #tpu.memory_space<vmem_shared>>
        tpu.wait_indirect_dma semaphore(%arg15 : memref<!tpu.dma_semaphore, #tpu.memory_space<semaphore_mem>>) src(%dma_wait3A_364 : memref<262144xf32, #tpu.memory_space<vmem_shared>>) dst(%dma_wait3A_359 : memref<128xf32, #tpu.memory_space<vmem>>)
        %dma_wait3A_365 = arith.constant 5 : i32
        %dma_wait3A_366 = arith.constant 5 : i32
        %dma_wait3A_367 = arith.constant 0 : i32
        %dma_wait3A_368 = tpu.memref_slice %arg14[%rem3A_158, %dma_wait3A_366, %scan3A_234, %dma_wait3A_367] : memref<2x8x8x128xf32, #tpu.memory_space<vmem>> -> memref<1x1x1x128xf32, #tpu.memory_space<vmem>>
        %dma_wait3A_369 = tpu.memref_squeeze %dma_wait3A_368 : memref<1x1x1x128xf32, #tpu.memory_space<vmem>> -> memref<128xf32, #tpu.memory_space<vmem>>
        %dma_wait3A_370 = arith.constant 0 : i32
        %dma_wait3A_371 = tpu.memref_slice %arg13[%rem3A_158, %dma_wait3A_365, %scan3A_234, %dma_wait3A_370] : memref<2x8x8x128xi32, #tpu.memory_space<vmem>> -> memref<1x1x1x128xi32, #tpu.memory_space<vmem>>
        %dma_wait3A_372 = tpu.memref_squeeze %dma_wait3A_371 : memref<1x1x1x128xi32, #tpu.memory_space<vmem>> -> memref<128xi32, #tpu.memory_space<vmem>>
        %dma_wait3A_373 = arith.constant 0 : i32
        %dma_wait3A_374 = tpu.memref_slice %arg23[%dma_wait3A_373] : memref<262144xf32, #tpu.memory_space<vmem_shared>> -> memref<262144xf32, #tpu.memory_space<vmem_shared>>
        tpu.wait_indirect_dma semaphore(%arg15 : memref<!tpu.dma_semaphore, #tpu.memory_space<semaphore_mem>>) src(%dma_wait3A_374 : memref<262144xf32, #tpu.memory_space<vmem_shared>>) dst(%dma_wait3A_369 : memref<128xf32, #tpu.memory_space<vmem>>)
        %dma_wait3A_375 = arith.constant 6 : i32
        %dma_wait3A_376 = arith.constant 6 : i32
        %dma_wait3A_377 = arith.constant 0 : i32
        %dma_wait3A_378 = tpu.memref_slice %arg14[%rem3A_158, %dma_wait3A_376, %scan3A_234, %dma_wait3A_377] : memref<2x8x8x128xf32, #tpu.memory_space<vmem>> -> memref<1x1x1x128xf32, #tpu.memory_space<vmem>>
        %dma_wait3A_379 = tpu.memref_squeeze %dma_wait3A_378 : memref<1x1x1x128xf32, #tpu.memory_space<vmem>> -> memref<128xf32, #tpu.memory_space<vmem>>
        %dma_wait3A_380 = arith.constant 0 : i32
        %dma_wait3A_381 = tpu.memref_slice %arg13[%rem3A_158, %dma_wait3A_375, %scan3A_234, %dma_wait3A_380] : memref<2x8x8x128xi32, #tpu.memory_space<vmem>> -> memref<1x1x1x128xi32, #tpu.memory_space<vmem>>
        %dma_wait3A_382 = tpu.memref_squeeze %dma_wait3A_381 : memref<1x1x1x128xi32, #tpu.memory_space<vmem>> -> memref<128xi32, #tpu.memory_space<vmem>>
        %dma_wait3A_383 = arith.constant 0 : i32
        %dma_wait3A_384 = tpu.memref_slice %arg24[%dma_wait3A_383] : memref<262144xf32, #tpu.memory_space<vmem_shared>> -> memref<262144xf32, #tpu.memory_space<vmem_shared>>
        tpu.wait_indirect_dma semaphore(%arg15 : memref<!tpu.dma_semaphore, #tpu.memory_space<semaphore_mem>>) src(%dma_wait3A_384 : memref<262144xf32, #tpu.memory_space<vmem_shared>>) dst(%dma_wait3A_379 : memref<128xf32, #tpu.memory_space<vmem>>)
        %dma_wait3A_385 = arith.constant 7 : i32
        %dma_wait3A_386 = arith.constant 7 : i32
        %dma_wait3A_387 = arith.constant 0 : i32
        %dma_wait3A_388 = tpu.memref_slice %arg14[%rem3A_158, %dma_wait3A_386, %scan3A_234, %dma_wait3A_387] : memref<2x8x8x128xf32, #tpu.memory_space<vmem>> -> memref<1x1x1x128xf32, #tpu.memory_space<vmem>>
        %dma_wait3A_389 = tpu.memref_squeeze %dma_wait3A_388 : memref<1x1x1x128xf32, #tpu.memory_space<vmem>> -> memref<128xf32, #tpu.memory_space<vmem>>
        %dma_wait3A_390 = arith.constant 0 : i32
        %dma_wait3A_391 = tpu.memref_slice %arg13[%rem3A_158, %dma_wait3A_385, %scan3A_234, %dma_wait3A_390] : memref<2x8x8x128xi32, #tpu.memory_space<vmem>> -> memref<1x1x1x128xi32, #tpu.memory_space<vmem>>
        %dma_wait3A_392 = tpu.memref_squeeze %dma_wait3A_391 : memref<1x1x1x128xi32, #tpu.memory_space<vmem>> -> memref<128xi32, #tpu.memory_space<vmem>>
        %dma_wait3A_393 = arith.constant 0 : i32
        %dma_wait3A_394 = tpu.memref_slice %arg25[%dma_wait3A_393] : memref<262144xf32, #tpu.memory_space<vmem_shared>> -> memref<262144xf32, #tpu.memory_space<vmem_shared>>
        tpu.wait_indirect_dma semaphore(%arg15 : memref<!tpu.dma_semaphore, #tpu.memory_space<semaphore_mem>>) src(%dma_wait3A_394 : memref<262144xf32, #tpu.memory_space<vmem_shared>>) dst(%dma_wait3A_389 : memref<128xf32, #tpu.memory_space<vmem>>)
      }
      %scan3A_214 = arith.constant 8 : i32
      %mul3A_215 = arith.constant 8 : i32
      %mul3A_216 = arith.muli %scan3A_157, %mul3A_215 : i32
      %add3A_217 = arith.addi %mul3A_79, %mul3A_216 : i32
      %dma_start3A_218 = arith.constant 0 : i32
      %dma_start3A_219 = arith.constant 0 : i32
      %dma_start3A_220 = arith.constant 0 : i32
      %dma_start3A_221 = tpu.memref_slice %arg14[%rem3A_158, %dma_start3A_218, %dma_start3A_219, %dma_start3A_220] : memref<2x8x8x128xf32, #tpu.memory_space<vmem>> -> memref<1x8x8x128xf32, #tpu.memory_space<vmem>>
      %dma_start3A_222 = tpu.memref_squeeze %dma_start3A_221 : memref<1x8x8x128xf32, #tpu.memory_space<vmem>> -> memref<8x8x128xf32, #tpu.memory_space<vmem>>
      %dma_start3A_223 = arith.constant 0 : i32
      %dma_start3A_224 = arith.constant 0 : i32
      %dma_start3A_225 = tpu.memref_slice %arg12[%dma_start3A_223, %add3A_217, %dma_start3A_224] : memref<8x4096x128xf32, #tpu.memory_space<hbm>> -> memref<8x8x128xf32, #tpu.memory_space<hbm>>
      %dma_start3A_226 = arith.constant 0 : i32
      %dma_start3A_227 = arith.constant 0 : i32
      %dma_start3A_228 = tpu.memref_slice %arg12[%dma_start3A_226, %add3A_217, %dma_start3A_227] : memref<8x4096x128xf32, #tpu.memory_space<hbm>> -> memref<8x8x128xf32, #tpu.memory_space<hbm>>
      %dma_start3A_229 = arith.constant 0 : i32
      %dma_start3A_230 = arith.constant 0 : i32
      %dma_start3A_231 = arith.constant 0 : i32
      %dma_start3A_232 = tpu.memref_slice %arg14[%rem3A_158, %dma_start3A_229, %dma_start3A_230, %dma_start3A_231] : memref<2x8x8x128xf32, #tpu.memory_space<vmem>> -> memref<1x8x8x128xf32, #tpu.memory_space<vmem>>
      %dma_start3A_233 = tpu.memref_squeeze %dma_start3A_232 : memref<1x8x8x128xf32, #tpu.memory_space<vmem>> -> memref<8x8x128xf32, #tpu.memory_space<vmem>>
      tpu.enqueue_dma source(%dma_start3A_233 : memref<8x8x128xf32, #tpu.memory_space<vmem>>) target(%dma_start3A_228 : memref<8x8x128xf32, #tpu.memory_space<hbm>>) target_semaphore(%arg17 : memref<!tpu.dma_semaphore, #tpu.memory_space<semaphore_mem>>)
    }
    %scan3A_119 = arith.constant 16 : i32
    %dma_wait3A = arith.constant 0 : i32
    %dma_wait3A_120 = arith.constant 0 : i32
    %dma_wait3A_121 = arith.constant 0 : i32
    %dma_wait3A_122 = arith.constant 0 : i32
    %dma_wait3A_123 = tpu.memref_slice %arg14[%dma_wait3A, %dma_wait3A_120, %dma_wait3A_121, %dma_wait3A_122] : memref<2x8x8x128xf32, #tpu.memory_space<vmem>> -> memref<1x8x8x128xf32, #tpu.memory_space<vmem>>
    %dma_wait3A_124 = tpu.memref_squeeze %dma_wait3A_123 : memref<1x8x8x128xf32, #tpu.memory_space<vmem>> -> memref<8x8x128xf32, #tpu.memory_space<vmem>>
    %dma_wait3A_125 = arith.constant 0 : i32
    %dma_wait3A_126 = arith.constant 0 : i32
    %dma_wait3A_127 = arith.constant 0 : i32
    %dma_wait3A_128 = tpu.memref_slice %arg12[%dma_wait3A_125, %dma_wait3A_126, %dma_wait3A_127] : memref<8x4096x128xf32, #tpu.memory_space<hbm>> -> memref<8x8x128xf32, #tpu.memory_space<hbm>>
    %dma_wait3A_129 = arith.constant 0 : i32
    %dma_wait3A_130 = arith.constant 0 : i32
    %dma_wait3A_131 = arith.constant 0 : i32
    %dma_wait3A_132 = tpu.memref_slice %arg12[%dma_wait3A_129, %dma_wait3A_130, %dma_wait3A_131] : memref<8x4096x128xf32, #tpu.memory_space<hbm>> -> memref<8x8x128xf32, #tpu.memory_space<hbm>>
    %dma_wait3A_133 = arith.constant 0 : i32
    %dma_wait3A_134 = arith.constant 0 : i32
    %dma_wait3A_135 = arith.constant 0 : i32
    %dma_wait3A_136 = tpu.memref_slice %arg14[%dma_wait3A, %dma_wait3A_133, %dma_wait3A_134, %dma_wait3A_135] : memref<2x8x8x128xf32, #tpu.memory_space<vmem>> -> memref<1x8x8x128xf32, #tpu.memory_space<vmem>>
    %dma_wait3A_137 = tpu.memref_squeeze %dma_wait3A_136 : memref<1x8x8x128xf32, #tpu.memory_space<vmem>> -> memref<8x8x128xf32, #tpu.memory_space<vmem>>
    tpu.wait_dma2 semaphore(%arg17 : memref<!tpu.dma_semaphore, #tpu.memory_space<semaphore_mem>>) src(%dma_wait3A_137 : memref<8x8x128xf32, #tpu.memory_space<vmem>>) dst(%dma_wait3A_132 : memref<8x8x128xf32, #tpu.memory_space<hbm>>)
    %dma_wait3A_138 = arith.constant 1 : i32
    %dma_wait3A_139 = arith.constant 0 : i32
    %dma_wait3A_140 = arith.constant 0 : i32
    %dma_wait3A_141 = arith.constant 0 : i32
    %dma_wait3A_142 = tpu.memref_slice %arg14[%dma_wait3A_138, %dma_wait3A_139, %dma_wait3A_140, %dma_wait3A_141] : memref<2x8x8x128xf32, #tpu.memory_space<vmem>> -> memref<1x8x8x128xf32, #tpu.memory_space<vmem>>
    %dma_wait3A_143 = tpu.memref_squeeze %dma_wait3A_142 : memref<1x8x8x128xf32, #tpu.memory_space<vmem>> -> memref<8x8x128xf32, #tpu.memory_space<vmem>>
    %dma_wait3A_144 = arith.constant 0 : i32
    %dma_wait3A_145 = arith.constant 0 : i32
    %dma_wait3A_146 = arith.constant 0 : i32
    %dma_wait3A_147 = tpu.memref_slice %arg12[%dma_wait3A_144, %dma_wait3A_145, %dma_wait3A_146] : memref<8x4096x128xf32, #tpu.memory_space<hbm>> -> memref<8x8x128xf32, #tpu.memory_space<hbm>>
    %dma_wait3A_148 = arith.constant 0 : i32
    %dma_wait3A_149 = arith.constant 0 : i32
    %dma_wait3A_150 = arith.constant 0 : i32
    %dma_wait3A_151 = tpu.memref_slice %arg12[%dma_wait3A_148, %dma_wait3A_149, %dma_wait3A_150] : memref<8x4096x128xf32, #tpu.memory_space<hbm>> -> memref<8x8x128xf32, #tpu.memory_space<hbm>>
    %dma_wait3A_152 = arith.constant 0 : i32
    %dma_wait3A_153 = arith.constant 0 : i32
    %dma_wait3A_154 = arith.constant 0 : i32
    %dma_wait3A_155 = tpu.memref_slice %arg14[%dma_wait3A_138, %dma_wait3A_152, %dma_wait3A_153, %dma_wait3A_154] : memref<2x8x8x128xf32, #tpu.memory_space<vmem>> -> memref<1x8x8x128xf32, #tpu.memory_space<vmem>>
    %dma_wait3A_156 = tpu.memref_squeeze %dma_wait3A_155 : memref<1x8x8x128xf32, #tpu.memory_space<vmem>> -> memref<8x8x128xf32, #tpu.memory_space<vmem>>
    tpu.wait_dma2 semaphore(%arg17 : memref<!tpu.dma_semaphore, #tpu.memory_space<semaphore_mem>>) src(%dma_wait3A_156 : memref<8x8x128xf32, #tpu.memory_space<vmem>>) dst(%dma_wait3A_151 : memref<8x8x128xf32, #tpu.memory_space<hbm>>)
    return
  }
}

#map = affine_map<(d0, d1) -> (0)>
#map1 = affine_map<(d0, d1) -> (0, 0, 0)>
module attributes {stable_mosaic.version = 14 : i64} {
  func.func @k(%arg0: i32, %arg1: i32, %arg2: memref<65536xf32, #tpu.memory_space<hbm>>, %arg3: memref<65536xf32, #tpu.memory_space<hbm>>, %arg4: memref<65536xf32, #tpu.memory_space<hbm>>, %arg5: memref<65536xf32, #tpu.memory_space<hbm>>, %arg6: memref<262144xf32, #tpu.memory_space<hbm>>, %arg7: memref<262144xf32, #tpu.memory_space<hbm>>, %arg8: memref<262144xf32, #tpu.memory_space<hbm>>, %arg9: memref<262144xf32, #tpu.memory_space<hbm>>, %arg10: memref<4x4096x128xi32, #tpu.memory_space<hbm>>, %arg11: memref<4x4096x128xi32, #tpu.memory_space<hbm>>, %arg12: memref<8x4096x128xf32, #tpu.memory_space<hbm>>, %arg13: memref<2x8x8x128xi32, #tpu.memory_space<vmem>>, %arg14: memref<2x8x8x128xf32, #tpu.memory_space<vmem>>, %arg15: memref<!tpu.dma_semaphore, #tpu.memory_space<semaphore_mem>>, %arg16: memref<!tpu.dma_semaphore, #tpu.memory_space<semaphore_mem>>, %arg17: memref<!tpu.dma_semaphore, #tpu.memory_space<semaphore_mem>>, %arg18: memref<65536xf32, #tpu.memory_space<vmem_shared>>, %arg19: memref<65536xf32, #tpu.memory_space<vmem_shared>>, %arg20: memref<65536xf32, #tpu.memory_space<vmem_shared>>, %arg21: memref<65536xf32, #tpu.memory_space<vmem_shared>>, %arg22: memref<262144xf32, #tpu.memory_space<vmem_shared>>, %arg23: memref<262144xf32, #tpu.memory_space<vmem_shared>>, %arg24: memref<262144xf32, #tpu.memory_space<vmem_shared>>, %arg25: memref<262144xf32, #tpu.memory_space<vmem_shared>>) attributes {dimension_semantics = [#tpu.dimension_semantics<core_parallel>, #tpu.dimension_semantics<subcore_parallel>], iteration_bounds = array<i64: 2, 16>, scalar_prefetch = 0 : i64, scratch_operands = 13 : i64, tpu.core_type = #tpu.core_type<sc_vector_subcore>, window_params = [{transform_indices = #map}, {transform_indices = #map}, {transform_indices = #map}, {transform_indices = #map}, {transform_indices = #map}, {transform_indices = #map}, {transform_indices = #map}, {transform_indices = #map}, {transform_indices = #map1}, {transform_indices = #map1}, {transform_indices = #map1}]} {
    %mul3A = arith.constant 2 : i32
    %mul3A_0 = arith.muli %arg1, %mul3A : i32
    %add3A = arith.addi %mul3A_0, %arg0 : i32
    %eq3A = arith.constant 0 : i32
    %eq3A_1 = arith.cmpi eq, %arg1, %eq3A : i32
    %convert_element_type3A = arith.extui %eq3A_1 : i1 to i32
    %cond3A = arith.constant 0 : i32
    %cond3A_2 = arith.cmpi ne, %convert_element_type3A, %cond3A : i32
    scf.if %cond3A_2 {
      "tpu.region"() ({
        %run_scoped3A = tpu.sem_alloc : memref<!tpu.dma_semaphore, #tpu.memory_space<semaphore_mem>>
        tpu.enqueue_dma source(%arg2 : memref<65536xf32, #tpu.memory_space<hbm>>) target(%arg18 : memref<65536xf32, #tpu.memory_space<vmem_shared>>) target_semaphore(%run_scoped3A : memref<!tpu.dma_semaphore, #tpu.memory_space<semaphore_mem>>)
        tpu.wait_dma2 semaphore(%run_scoped3A : memref<!tpu.dma_semaphore, #tpu.memory_space<semaphore_mem>>) src(%arg2 : memref<65536xf32, #tpu.memory_space<hbm>>) dst(%arg18 : memref<65536xf32, #tpu.memory_space<vmem_shared>>)
        tpu.yield
      }) : () -> ()
    } else {
    }
    %eq3A_3 = arith.constant 1 : i32
    %eq3A_4 = arith.cmpi eq, %arg1, %eq3A_3 : i32
    %convert_element_type3A_5 = arith.extui %eq3A_4 : i1 to i32
    %cond3A_6 = arith.constant 0 : i32
    %cond3A_7 = arith.cmpi ne, %convert_element_type3A_5, %cond3A_6 : i32
    scf.if %cond3A_7 {
      "tpu.region"() ({
        %run_scoped3A = tpu.sem_alloc : memref<!tpu.dma_semaphore, #tpu.memory_space<semaphore_mem>>
        tpu.enqueue_dma source(%arg3 : memref<65536xf32, #tpu.memory_space<hbm>>) target(%arg19 : memref<65536xf32, #tpu.memory_space<vmem_shared>>) target_semaphore(%run_scoped3A : memref<!tpu.dma_semaphore, #tpu.memory_space<semaphore_mem>>)
        tpu.wait_dma2 semaphore(%run_scoped3A : memref<!tpu.dma_semaphore, #tpu.memory_space<semaphore_mem>>) src(%arg3 : memref<65536xf32, #tpu.memory_space<hbm>>) dst(%arg19 : memref<65536xf32, #tpu.memory_space<vmem_shared>>)
        tpu.yield
      }) : () -> ()
    } else {
    }
    %eq3A_8 = arith.constant 2 : i32
    %eq3A_9 = arith.cmpi eq, %arg1, %eq3A_8 : i32
    %convert_element_type3A_10 = arith.extui %eq3A_9 : i1 to i32
    %cond3A_11 = arith.constant 0 : i32
    %cond3A_12 = arith.cmpi ne, %convert_element_type3A_10, %cond3A_11 : i32
    scf.if %cond3A_12 {
      "tpu.region"() ({
        %run_scoped3A = tpu.sem_alloc : memref<!tpu.dma_semaphore, #tpu.memory_space<semaphore_mem>>
        tpu.enqueue_dma source(%arg4 : memref<65536xf32, #tpu.memory_space<hbm>>) target(%arg20 : memref<65536xf32, #tpu.memory_space<vmem_shared>>) target_semaphore(%run_scoped3A : memref<!tpu.dma_semaphore, #tpu.memory_space<semaphore_mem>>)
        tpu.wait_dma2 semaphore(%run_scoped3A : memref<!tpu.dma_semaphore, #tpu.memory_space<semaphore_mem>>) src(%arg4 : memref<65536xf32, #tpu.memory_space<hbm>>) dst(%arg20 : memref<65536xf32, #tpu.memory_space<vmem_shared>>)
        tpu.yield
      }) : () -> ()
    } else {
    }
    %eq3A_13 = arith.constant 3 : i32
    %eq3A_14 = arith.cmpi eq, %arg1, %eq3A_13 : i32
    %convert_element_type3A_15 = arith.extui %eq3A_14 : i1 to i32
    %cond3A_16 = arith.constant 0 : i32
    %cond3A_17 = arith.cmpi ne, %convert_element_type3A_15, %cond3A_16 : i32
    scf.if %cond3A_17 {
      "tpu.region"() ({
        %run_scoped3A = tpu.sem_alloc : memref<!tpu.dma_semaphore, #tpu.memory_space<semaphore_mem>>
        tpu.enqueue_dma source(%arg5 : memref<65536xf32, #tpu.memory_space<hbm>>) target(%arg21 : memref<65536xf32, #tpu.memory_space<vmem_shared>>) target_semaphore(%run_scoped3A : memref<!tpu.dma_semaphore, #tpu.memory_space<semaphore_mem>>)
        tpu.wait_dma2 semaphore(%run_scoped3A : memref<!tpu.dma_semaphore, #tpu.memory_space<semaphore_mem>>) src(%arg5 : memref<65536xf32, #tpu.memory_space<hbm>>) dst(%arg21 : memref<65536xf32, #tpu.memory_space<vmem_shared>>)
        tpu.yield
      }) : () -> ()
    } else {
    }
    %eq3A_18 = arith.constant 4 : i32
    %eq3A_19 = arith.cmpi eq, %arg1, %eq3A_18 : i32
    %convert_element_type3A_20 = arith.extui %eq3A_19 : i1 to i32
    %cond3A_21 = arith.constant 0 : i32
    %cond3A_22 = arith.cmpi ne, %convert_element_type3A_20, %cond3A_21 : i32
    scf.if %cond3A_22 {
      "tpu.region"() ({
        %run_scoped3A = tpu.sem_alloc : memref<!tpu.dma_semaphore, #tpu.memory_space<semaphore_mem>>
        %dma_start3A_157 = arith.constant 0 : i32
        %dma_start3A_158 = tpu.memref_slice %arg22[%dma_start3A_157] : memref<262144xf32, #tpu.memory_space<vmem_shared>> -> memref<87424xf32, #tpu.memory_space<vmem_shared>>
        %dma_start3A_159 = arith.constant 0 : i32
        %dma_start3A_160 = tpu.memref_slice %arg6[%dma_start3A_159] : memref<262144xf32, #tpu.memory_space<hbm>> -> memref<87424xf32, #tpu.memory_space<hbm>>
        tpu.enqueue_dma source(%dma_start3A_160 : memref<87424xf32, #tpu.memory_space<hbm>>) target(%dma_start3A_158 : memref<87424xf32, #tpu.memory_space<vmem_shared>>) target_semaphore(%run_scoped3A : memref<!tpu.dma_semaphore, #tpu.memory_space<semaphore_mem>>)
        %dma_wait3A_161 = arith.constant 0 : i32
        %dma_wait3A_162 = tpu.memref_slice %arg22[%dma_wait3A_161] : memref<262144xf32, #tpu.memory_space<vmem_shared>> -> memref<87424xf32, #tpu.memory_space<vmem_shared>>
        %dma_wait3A_163 = arith.constant 0 : i32
        %dma_wait3A_164 = tpu.memref_slice %arg6[%dma_wait3A_163] : memref<262144xf32, #tpu.memory_space<hbm>> -> memref<87424xf32, #tpu.memory_space<hbm>>
        tpu.wait_dma2 semaphore(%run_scoped3A : memref<!tpu.dma_semaphore, #tpu.memory_space<semaphore_mem>>) src(%dma_wait3A_164 : memref<87424xf32, #tpu.memory_space<hbm>>) dst(%dma_wait3A_162 : memref<87424xf32, #tpu.memory_space<vmem_shared>>)
        tpu.yield
      }) : () -> ()
    } else {
    }
    %eq3A_23 = arith.constant 5 : i32
    %eq3A_24 = arith.cmpi eq, %arg1, %eq3A_23 : i32
    %convert_element_type3A_25 = arith.extui %eq3A_24 : i1 to i32
    %cond3A_26 = arith.constant 0 : i32
    %cond3A_27 = arith.cmpi ne, %convert_element_type3A_25, %cond3A_26 : i32
    scf.if %cond3A_27 {
      "tpu.region"() ({
        %run_scoped3A = tpu.sem_alloc : memref<!tpu.dma_semaphore, #tpu.memory_space<semaphore_mem>>
        %dma_start3A_157 = arith.constant 87424 : i32
        %dma_start3A_158 = tpu.memref_slice %arg22[%dma_start3A_157] : memref<262144xf32, #tpu.memory_space<vmem_shared>> -> memref<87424xf32, #tpu.memory_space<vmem_shared>>
        %dma_start3A_159 = arith.constant 87424 : i32
        %dma_start3A_160 = tpu.memref_slice %arg6[%dma_start3A_159] : memref<262144xf32, #tpu.memory_space<hbm>> -> memref<87424xf32, #tpu.memory_space<hbm>>
        tpu.enqueue_dma source(%dma_start3A_160 : memref<87424xf32, #tpu.memory_space<hbm>>) target(%dma_start3A_158 : memref<87424xf32, #tpu.memory_space<vmem_shared>>) target_semaphore(%run_scoped3A : memref<!tpu.dma_semaphore, #tpu.memory_space<semaphore_mem>>)
        %dma_wait3A_161 = arith.constant 87424 : i32
        %dma_wait3A_162 = tpu.memref_slice %arg22[%dma_wait3A_161] : memref<262144xf32, #tpu.memory_space<vmem_shared>> -> memref<87424xf32, #tpu.memory_space<vmem_shared>>
        %dma_wait3A_163 = arith.constant 87424 : i32
        %dma_wait3A_164 = tpu.memref_slice %arg6[%dma_wait3A_163] : memref<262144xf32, #tpu.memory_space<hbm>> -> memref<87424xf32, #tpu.memory_space<hbm>>
        tpu.wait_dma2 semaphore(%run_scoped3A : memref<!tpu.dma_semaphore, #tpu.memory_space<semaphore_mem>>) src(%dma_wait3A_164 : memref<87424xf32, #tpu.memory_space<hbm>>) dst(%dma_wait3A_162 : memref<87424xf32, #tpu.memory_space<vmem_shared>>)
        tpu.yield
      }) : () -> ()
    } else {
    }
    %eq3A_28 = arith.constant 6 : i32
    %eq3A_29 = arith.cmpi eq, %arg1, %eq3A_28 : i32
    %convert_element_type3A_30 = arith.extui %eq3A_29 : i1 to i32
    %cond3A_31 = arith.constant 0 : i32
    %cond3A_32 = arith.cmpi ne, %convert_element_type3A_30, %cond3A_31 : i32
    scf.if %cond3A_32 {
      "tpu.region"() ({
        %run_scoped3A = tpu.sem_alloc : memref<!tpu.dma_semaphore, #tpu.memory_space<semaphore_mem>>
        %dma_start3A_157 = arith.constant 174848 : i32
        %dma_start3A_158 = tpu.memref_slice %arg22[%dma_start3A_157] : memref<262144xf32, #tpu.memory_space<vmem_shared>> -> memref<87296xf32, #tpu.memory_space<vmem_shared>>
        %dma_start3A_159 = arith.constant 174848 : i32
        %dma_start3A_160 = tpu.memref_slice %arg6[%dma_start3A_159] : memref<262144xf32, #tpu.memory_space<hbm>> -> memref<87296xf32, #tpu.memory_space<hbm>>
        tpu.enqueue_dma source(%dma_start3A_160 : memref<87296xf32, #tpu.memory_space<hbm>>) target(%dma_start3A_158 : memref<87296xf32, #tpu.memory_space<vmem_shared>>) target_semaphore(%run_scoped3A : memref<!tpu.dma_semaphore, #tpu.memory_space<semaphore_mem>>)
        %dma_wait3A_161 = arith.constant 174848 : i32
        %dma_wait3A_162 = tpu.memref_slice %arg22[%dma_wait3A_161] : memref<262144xf32, #tpu.memory_space<vmem_shared>> -> memref<87296xf32, #tpu.memory_space<vmem_shared>>
        %dma_wait3A_163 = arith.constant 174848 : i32
        %dma_wait3A_164 = tpu.memref_slice %arg6[%dma_wait3A_163] : memref<262144xf32, #tpu.memory_space<hbm>> -> memref<87296xf32, #tpu.memory_space<hbm>>
        tpu.wait_dma2 semaphore(%run_scoped3A : memref<!tpu.dma_semaphore, #tpu.memory_space<semaphore_mem>>) src(%dma_wait3A_164 : memref<87296xf32, #tpu.memory_space<hbm>>) dst(%dma_wait3A_162 : memref<87296xf32, #tpu.memory_space<vmem_shared>>)
        tpu.yield
      }) : () -> ()
    } else {
    }
    %eq3A_33 = arith.constant 7 : i32
    %eq3A_34 = arith.cmpi eq, %arg1, %eq3A_33 : i32
    %convert_element_type3A_35 = arith.extui %eq3A_34 : i1 to i32
    %cond3A_36 = arith.constant 0 : i32
    %cond3A_37 = arith.cmpi ne, %convert_element_type3A_35, %cond3A_36 : i32
    scf.if %cond3A_37 {
      "tpu.region"() ({
        %run_scoped3A = tpu.sem_alloc : memref<!tpu.dma_semaphore, #tpu.memory_space<semaphore_mem>>
        %dma_start3A_157 = arith.constant 0 : i32
        %dma_start3A_158 = tpu.memref_slice %arg23[%dma_start3A_157] : memref<262144xf32, #tpu.memory_space<vmem_shared>> -> memref<87424xf32, #tpu.memory_space<vmem_shared>>
        %dma_start3A_159 = arith.constant 0 : i32
        %dma_start3A_160 = tpu.memref_slice %arg7[%dma_start3A_159] : memref<262144xf32, #tpu.memory_space<hbm>> -> memref<87424xf32, #tpu.memory_space<hbm>>
        tpu.enqueue_dma source(%dma_start3A_160 : memref<87424xf32, #tpu.memory_space<hbm>>) target(%dma_start3A_158 : memref<87424xf32, #tpu.memory_space<vmem_shared>>) target_semaphore(%run_scoped3A : memref<!tpu.dma_semaphore, #tpu.memory_space<semaphore_mem>>)
        %dma_wait3A_161 = arith.constant 0 : i32
        %dma_wait3A_162 = tpu.memref_slice %arg23[%dma_wait3A_161] : memref<262144xf32, #tpu.memory_space<vmem_shared>> -> memref<87424xf32, #tpu.memory_space<vmem_shared>>
        %dma_wait3A_163 = arith.constant 0 : i32
        %dma_wait3A_164 = tpu.memref_slice %arg7[%dma_wait3A_163] : memref<262144xf32, #tpu.memory_space<hbm>> -> memref<87424xf32, #tpu.memory_space<hbm>>
        tpu.wait_dma2 semaphore(%run_scoped3A : memref<!tpu.dma_semaphore, #tpu.memory_space<semaphore_mem>>) src(%dma_wait3A_164 : memref<87424xf32, #tpu.memory_space<hbm>>) dst(%dma_wait3A_162 : memref<87424xf32, #tpu.memory_space<vmem_shared>>)
        tpu.yield
      }) : () -> ()
    } else {
    }
    %eq3A_38 = arith.constant 8 : i32
    %eq3A_39 = arith.cmpi eq, %arg1, %eq3A_38 : i32
    %convert_element_type3A_40 = arith.extui %eq3A_39 : i1 to i32
    %cond3A_41 = arith.constant 0 : i32
    %cond3A_42 = arith.cmpi ne, %convert_element_type3A_40, %cond3A_41 : i32
    scf.if %cond3A_42 {
      "tpu.region"() ({
        %run_scoped3A = tpu.sem_alloc : memref<!tpu.dma_semaphore, #tpu.memory_space<semaphore_mem>>
        %dma_start3A_157 = arith.constant 87424 : i32
        %dma_start3A_158 = tpu.memref_slice %arg23[%dma_start3A_157] : memref<262144xf32, #tpu.memory_space<vmem_shared>> -> memref<87424xf32, #tpu.memory_space<vmem_shared>>
        %dma_start3A_159 = arith.constant 87424 : i32
        %dma_start3A_160 = tpu.memref_slice %arg7[%dma_start3A_159] : memref<262144xf32, #tpu.memory_space<hbm>> -> memref<87424xf32, #tpu.memory_space<hbm>>
        tpu.enqueue_dma source(%dma_start3A_160 : memref<87424xf32, #tpu.memory_space<hbm>>) target(%dma_start3A_158 : memref<87424xf32, #tpu.memory_space<vmem_shared>>) target_semaphore(%run_scoped3A : memref<!tpu.dma_semaphore, #tpu.memory_space<semaphore_mem>>)
        %dma_wait3A_161 = arith.constant 87424 : i32
        %dma_wait3A_162 = tpu.memref_slice %arg23[%dma_wait3A_161] : memref<262144xf32, #tpu.memory_space<vmem_shared>> -> memref<87424xf32, #tpu.memory_space<vmem_shared>>
        %dma_wait3A_163 = arith.constant 87424 : i32
        %dma_wait3A_164 = tpu.memref_slice %arg7[%dma_wait3A_163] : memref<262144xf32, #tpu.memory_space<hbm>> -> memref<87424xf32, #tpu.memory_space<hbm>>
        tpu.wait_dma2 semaphore(%run_scoped3A : memref<!tpu.dma_semaphore, #tpu.memory_space<semaphore_mem>>) src(%dma_wait3A_164 : memref<87424xf32, #tpu.memory_space<hbm>>) dst(%dma_wait3A_162 : memref<87424xf32, #tpu.memory_space<vmem_shared>>)
        tpu.yield
      }) : () -> ()
    } else {
    }
    %eq3A_43 = arith.constant 9 : i32
    %eq3A_44 = arith.cmpi eq, %arg1, %eq3A_43 : i32
    %convert_element_type3A_45 = arith.extui %eq3A_44 : i1 to i32
    %cond3A_46 = arith.constant 0 : i32
    %cond3A_47 = arith.cmpi ne, %convert_element_type3A_45, %cond3A_46 : i32
    scf.if %cond3A_47 {
      "tpu.region"() ({
        %run_scoped3A = tpu.sem_alloc : memref<!tpu.dma_semaphore, #tpu.memory_space<semaphore_mem>>
        %dma_start3A_157 = arith.constant 174848 : i32
        %dma_start3A_158 = tpu.memref_slice %arg23[%dma_start3A_157] : memref<262144xf32, #tpu.memory_space<vmem_shared>> -> memref<87296xf32, #tpu.memory_space<vmem_shared>>
        %dma_start3A_159 = arith.constant 174848 : i32
        %dma_start3A_160 = tpu.memref_slice %arg7[%dma_start3A_159] : memref<262144xf32, #tpu.memory_space<hbm>> -> memref<87296xf32, #tpu.memory_space<hbm>>
        tpu.enqueue_dma source(%dma_start3A_160 : memref<87296xf32, #tpu.memory_space<hbm>>) target(%dma_start3A_158 : memref<87296xf32, #tpu.memory_space<vmem_shared>>) target_semaphore(%run_scoped3A : memref<!tpu.dma_semaphore, #tpu.memory_space<semaphore_mem>>)
        %dma_wait3A_161 = arith.constant 174848 : i32
        %dma_wait3A_162 = tpu.memref_slice %arg23[%dma_wait3A_161] : memref<262144xf32, #tpu.memory_space<vmem_shared>> -> memref<87296xf32, #tpu.memory_space<vmem_shared>>
        %dma_wait3A_163 = arith.constant 174848 : i32
        %dma_wait3A_164 = tpu.memref_slice %arg7[%dma_wait3A_163] : memref<262144xf32, #tpu.memory_space<hbm>> -> memref<87296xf32, #tpu.memory_space<hbm>>
        tpu.wait_dma2 semaphore(%run_scoped3A : memref<!tpu.dma_semaphore, #tpu.memory_space<semaphore_mem>>) src(%dma_wait3A_164 : memref<87296xf32, #tpu.memory_space<hbm>>) dst(%dma_wait3A_162 : memref<87296xf32, #tpu.memory_space<vmem_shared>>)
        tpu.yield
      }) : () -> ()
    } else {
    }
    %eq3A_48 = arith.constant 10 : i32
    %eq3A_49 = arith.cmpi eq, %arg1, %eq3A_48 : i32
    %convert_element_type3A_50 = arith.extui %eq3A_49 : i1 to i32
    %cond3A_51 = arith.constant 0 : i32
    %cond3A_52 = arith.cmpi ne, %convert_element_type3A_50, %cond3A_51 : i32
    scf.if %cond3A_52 {
      "tpu.region"() ({
        %run_scoped3A = tpu.sem_alloc : memref<!tpu.dma_semaphore, #tpu.memory_space<semaphore_mem>>
        %dma_start3A_157 = arith.constant 0 : i32
        %dma_start3A_158 = tpu.memref_slice %arg24[%dma_start3A_157] : memref<262144xf32, #tpu.memory_space<vmem_shared>> -> memref<87424xf32, #tpu.memory_space<vmem_shared>>
        %dma_start3A_159 = arith.constant 0 : i32
        %dma_start3A_160 = tpu.memref_slice %arg8[%dma_start3A_159] : memref<262144xf32, #tpu.memory_space<hbm>> -> memref<87424xf32, #tpu.memory_space<hbm>>
        tpu.enqueue_dma source(%dma_start3A_160 : memref<87424xf32, #tpu.memory_space<hbm>>) target(%dma_start3A_158 : memref<87424xf32, #tpu.memory_space<vmem_shared>>) target_semaphore(%run_scoped3A : memref<!tpu.dma_semaphore, #tpu.memory_space<semaphore_mem>>)
        %dma_wait3A_161 = arith.constant 0 : i32
        %dma_wait3A_162 = tpu.memref_slice %arg24[%dma_wait3A_161] : memref<262144xf32, #tpu.memory_space<vmem_shared>> -> memref<87424xf32, #tpu.memory_space<vmem_shared>>
        %dma_wait3A_163 = arith.constant 0 : i32
        %dma_wait3A_164 = tpu.memref_slice %arg8[%dma_wait3A_163] : memref<262144xf32, #tpu.memory_space<hbm>> -> memref<87424xf32, #tpu.memory_space<hbm>>
        tpu.wait_dma2 semaphore(%run_scoped3A : memref<!tpu.dma_semaphore, #tpu.memory_space<semaphore_mem>>) src(%dma_wait3A_164 : memref<87424xf32, #tpu.memory_space<hbm>>) dst(%dma_wait3A_162 : memref<87424xf32, #tpu.memory_space<vmem_shared>>)
        tpu.yield
      }) : () -> ()
    } else {
    }
    %eq3A_53 = arith.constant 11 : i32
    %eq3A_54 = arith.cmpi eq, %arg1, %eq3A_53 : i32
    %convert_element_type3A_55 = arith.extui %eq3A_54 : i1 to i32
    %cond3A_56 = arith.constant 0 : i32
    %cond3A_57 = arith.cmpi ne, %convert_element_type3A_55, %cond3A_56 : i32
    scf.if %cond3A_57 {
      "tpu.region"() ({
        %run_scoped3A = tpu.sem_alloc : memref<!tpu.dma_semaphore, #tpu.memory_space<semaphore_mem>>
        %dma_start3A_157 = arith.constant 87424 : i32
        %dma_start3A_158 = tpu.memref_slice %arg24[%dma_start3A_157] : memref<262144xf32, #tpu.memory_space<vmem_shared>> -> memref<87424xf32, #tpu.memory_space<vmem_shared>>
        %dma_start3A_159 = arith.constant 87424 : i32
        %dma_start3A_160 = tpu.memref_slice %arg8[%dma_start3A_159] : memref<262144xf32, #tpu.memory_space<hbm>> -> memref<87424xf32, #tpu.memory_space<hbm>>
        tpu.enqueue_dma source(%dma_start3A_160 : memref<87424xf32, #tpu.memory_space<hbm>>) target(%dma_start3A_158 : memref<87424xf32, #tpu.memory_space<vmem_shared>>) target_semaphore(%run_scoped3A : memref<!tpu.dma_semaphore, #tpu.memory_space<semaphore_mem>>)
        %dma_wait3A_161 = arith.constant 87424 : i32
        %dma_wait3A_162 = tpu.memref_slice %arg24[%dma_wait3A_161] : memref<262144xf32, #tpu.memory_space<vmem_shared>> -> memref<87424xf32, #tpu.memory_space<vmem_shared>>
        %dma_wait3A_163 = arith.constant 87424 : i32
        %dma_wait3A_164 = tpu.memref_slice %arg8[%dma_wait3A_163] : memref<262144xf32, #tpu.memory_space<hbm>> -> memref<87424xf32, #tpu.memory_space<hbm>>
        tpu.wait_dma2 semaphore(%run_scoped3A : memref<!tpu.dma_semaphore, #tpu.memory_space<semaphore_mem>>) src(%dma_wait3A_164 : memref<87424xf32, #tpu.memory_space<hbm>>) dst(%dma_wait3A_162 : memref<87424xf32, #tpu.memory_space<vmem_shared>>)
        tpu.yield
      }) : () -> ()
    } else {
    }
    %eq3A_58 = arith.constant 12 : i32
    %eq3A_59 = arith.cmpi eq, %arg1, %eq3A_58 : i32
    %convert_element_type3A_60 = arith.extui %eq3A_59 : i1 to i32
    %cond3A_61 = arith.constant 0 : i32
    %cond3A_62 = arith.cmpi ne, %convert_element_type3A_60, %cond3A_61 : i32
    scf.if %cond3A_62 {
      "tpu.region"() ({
        %run_scoped3A = tpu.sem_alloc : memref<!tpu.dma_semaphore, #tpu.memory_space<semaphore_mem>>
        %dma_start3A_157 = arith.constant 174848 : i32
        %dma_start3A_158 = tpu.memref_slice %arg24[%dma_start3A_157] : memref<262144xf32, #tpu.memory_space<vmem_shared>> -> memref<87296xf32, #tpu.memory_space<vmem_shared>>
        %dma_start3A_159 = arith.constant 174848 : i32
        %dma_start3A_160 = tpu.memref_slice %arg8[%dma_start3A_159] : memref<262144xf32, #tpu.memory_space<hbm>> -> memref<87296xf32, #tpu.memory_space<hbm>>
        tpu.enqueue_dma source(%dma_start3A_160 : memref<87296xf32, #tpu.memory_space<hbm>>) target(%dma_start3A_158 : memref<87296xf32, #tpu.memory_space<vmem_shared>>) target_semaphore(%run_scoped3A : memref<!tpu.dma_semaphore, #tpu.memory_space<semaphore_mem>>)
        %dma_wait3A_161 = arith.constant 174848 : i32
        %dma_wait3A_162 = tpu.memref_slice %arg24[%dma_wait3A_161] : memref<262144xf32, #tpu.memory_space<vmem_shared>> -> memref<87296xf32, #tpu.memory_space<vmem_shared>>
        %dma_wait3A_163 = arith.constant 174848 : i32
        %dma_wait3A_164 = tpu.memref_slice %arg8[%dma_wait3A_163] : memref<262144xf32, #tpu.memory_space<hbm>> -> memref<87296xf32, #tpu.memory_space<hbm>>
        tpu.wait_dma2 semaphore(%run_scoped3A : memref<!tpu.dma_semaphore, #tpu.memory_space<semaphore_mem>>) src(%dma_wait3A_164 : memref<87296xf32, #tpu.memory_space<hbm>>) dst(%dma_wait3A_162 : memref<87296xf32, #tpu.memory_space<vmem_shared>>)
        tpu.yield
      }) : () -> ()
    } else {
    }
    %eq3A_63 = arith.constant 13 : i32
    %eq3A_64 = arith.cmpi eq, %arg1, %eq3A_63 : i32
    %convert_element_type3A_65 = arith.extui %eq3A_64 : i1 to i32
    %cond3A_66 = arith.constant 0 : i32
    %cond3A_67 = arith.cmpi ne, %convert_element_type3A_65, %cond3A_66 : i32
    scf.if %cond3A_67 {
      "tpu.region"() ({
        %run_scoped3A = tpu.sem_alloc : memref<!tpu.dma_semaphore, #tpu.memory_space<semaphore_mem>>
        %dma_start3A_157 = arith.constant 0 : i32
        %dma_start3A_158 = tpu.memref_slice %arg25[%dma_start3A_157] : memref<262144xf32, #tpu.memory_space<vmem_shared>> -> memref<87424xf32, #tpu.memory_space<vmem_shared>>
        %dma_start3A_159 = arith.constant 0 : i32
        %dma_start3A_160 = tpu.memref_slice %arg9[%dma_start3A_159] : memref<262144xf32, #tpu.memory_space<hbm>> -> memref<87424xf32, #tpu.memory_space<hbm>>
        tpu.enqueue_dma source(%dma_start3A_160 : memref<87424xf32, #tpu.memory_space<hbm>>) target(%dma_start3A_158 : memref<87424xf32, #tpu.memory_space<vmem_shared>>) target_semaphore(%run_scoped3A : memref<!tpu.dma_semaphore, #tpu.memory_space<semaphore_mem>>)
        %dma_wait3A_161 = arith.constant 0 : i32
        %dma_wait3A_162 = tpu.memref_slice %arg25[%dma_wait3A_161] : memref<262144xf32, #tpu.memory_space<vmem_shared>> -> memref<87424xf32, #tpu.memory_space<vmem_shared>>
        %dma_wait3A_163 = arith.constant 0 : i32
        %dma_wait3A_164 = tpu.memref_slice %arg9[%dma_wait3A_163] : memref<262144xf32, #tpu.memory_space<hbm>> -> memref<87424xf32, #tpu.memory_space<hbm>>
        tpu.wait_dma2 semaphore(%run_scoped3A : memref<!tpu.dma_semaphore, #tpu.memory_space<semaphore_mem>>) src(%dma_wait3A_164 : memref<87424xf32, #tpu.memory_space<hbm>>) dst(%dma_wait3A_162 : memref<87424xf32, #tpu.memory_space<vmem_shared>>)
        tpu.yield
      }) : () -> ()
    } else {
    }
    %eq3A_68 = arith.constant 14 : i32
    %eq3A_69 = arith.cmpi eq, %arg1, %eq3A_68 : i32
    %convert_element_type3A_70 = arith.extui %eq3A_69 : i1 to i32
    %cond3A_71 = arith.constant 0 : i32
    %cond3A_72 = arith.cmpi ne, %convert_element_type3A_70, %cond3A_71 : i32
    scf.if %cond3A_72 {
      "tpu.region"() ({
        %run_scoped3A = tpu.sem_alloc : memref<!tpu.dma_semaphore, #tpu.memory_space<semaphore_mem>>
        %dma_start3A_157 = arith.constant 87424 : i32
        %dma_start3A_158 = tpu.memref_slice %arg25[%dma_start3A_157] : memref<262144xf32, #tpu.memory_space<vmem_shared>> -> memref<87424xf32, #tpu.memory_space<vmem_shared>>
        %dma_start3A_159 = arith.constant 87424 : i32
        %dma_start3A_160 = tpu.memref_slice %arg9[%dma_start3A_159] : memref<262144xf32, #tpu.memory_space<hbm>> -> memref<87424xf32, #tpu.memory_space<hbm>>
        tpu.enqueue_dma source(%dma_start3A_160 : memref<87424xf32, #tpu.memory_space<hbm>>) target(%dma_start3A_158 : memref<87424xf32, #tpu.memory_space<vmem_shared>>) target_semaphore(%run_scoped3A : memref<!tpu.dma_semaphore, #tpu.memory_space<semaphore_mem>>)
        %dma_wait3A_161 = arith.constant 87424 : i32
        %dma_wait3A_162 = tpu.memref_slice %arg25[%dma_wait3A_161] : memref<262144xf32, #tpu.memory_space<vmem_shared>> -> memref<87424xf32, #tpu.memory_space<vmem_shared>>
        %dma_wait3A_163 = arith.constant 87424 : i32
        %dma_wait3A_164 = tpu.memref_slice %arg9[%dma_wait3A_163] : memref<262144xf32, #tpu.memory_space<hbm>> -> memref<87424xf32, #tpu.memory_space<hbm>>
        tpu.wait_dma2 semaphore(%run_scoped3A : memref<!tpu.dma_semaphore, #tpu.memory_space<semaphore_mem>>) src(%dma_wait3A_164 : memref<87424xf32, #tpu.memory_space<hbm>>) dst(%dma_wait3A_162 : memref<87424xf32, #tpu.memory_space<vmem_shared>>)
        tpu.yield
      }) : () -> ()
    } else {
    }
    %eq3A_73 = arith.constant 15 : i32
    %eq3A_74 = arith.cmpi eq, %arg1, %eq3A_73 : i32
    %convert_element_type3A_75 = arith.extui %eq3A_74 : i1 to i32
    %cond3A_76 = arith.constant 0 : i32
    %cond3A_77 = arith.cmpi ne, %convert_element_type3A_75, %cond3A_76 : i32
    scf.if %cond3A_77 {
      "tpu.region"() ({
        %run_scoped3A = tpu.sem_alloc : memref<!tpu.dma_semaphore, #tpu.memory_space<semaphore_mem>>
        %dma_start3A_157 = arith.constant 174848 : i32
        %dma_start3A_158 = tpu.memref_slice %arg25[%dma_start3A_157] : memref<262144xf32, #tpu.memory_space<vmem_shared>> -> memref<87296xf32, #tpu.memory_space<vmem_shared>>
        %dma_start3A_159 = arith.constant 174848 : i32
        %dma_start3A_160 = tpu.memref_slice %arg9[%dma_start3A_159] : memref<262144xf32, #tpu.memory_space<hbm>> -> memref<87296xf32, #tpu.memory_space<hbm>>
        tpu.enqueue_dma source(%dma_start3A_160 : memref<87296xf32, #tpu.memory_space<hbm>>) target(%dma_start3A_158 : memref<87296xf32, #tpu.memory_space<vmem_shared>>) target_semaphore(%run_scoped3A : memref<!tpu.dma_semaphore, #tpu.memory_space<semaphore_mem>>)
        %dma_wait3A_161 = arith.constant 174848 : i32
        %dma_wait3A_162 = tpu.memref_slice %arg25[%dma_wait3A_161] : memref<262144xf32, #tpu.memory_space<vmem_shared>> -> memref<87296xf32, #tpu.memory_space<vmem_shared>>
        %dma_wait3A_163 = arith.constant 174848 : i32
        %dma_wait3A_164 = tpu.memref_slice %arg9[%dma_wait3A_163] : memref<262144xf32, #tpu.memory_space<hbm>> -> memref<87296xf32, #tpu.memory_space<hbm>>
        tpu.wait_dma2 semaphore(%run_scoped3A : memref<!tpu.dma_semaphore, #tpu.memory_space<semaphore_mem>>) src(%dma_wait3A_164 : memref<87296xf32, #tpu.memory_space<hbm>>) dst(%dma_wait3A_162 : memref<87296xf32, #tpu.memory_space<vmem_shared>>)
        tpu.yield
      }) : () -> ()
    } else {
    }
    %barrier3A = arith.constant 0 : index
    tpu.barrier barrier_id(%barrier3A)
    %mul3A_78 = arith.constant 128 : i32
    %mul3A_79 = arith.muli %add3A, %mul3A_78 : i32
    %add3A_80 = arith.constant 0 : i32
    %add3A_81 = arith.addi %mul3A_79, %add3A_80 : i32
    %dma_start3A = arith.constant 0 : i32
    %dma_start3A_82 = arith.constant 0 : i32
    %dma_start3A_83 = arith.constant 0 : i32
    %dma_start3A_84 = arith.constant 0 : i32
    %dma_start3A_85 = tpu.memref_slice %arg13[%dma_start3A, %dma_start3A_82, %dma_start3A_83, %dma_start3A_84] : memref<2x8x8x128xi32, #tpu.memory_space<vmem>> -> memref<1x4x8x128xi32, #tpu.memory_space<vmem>>
    %dma_start3A_86 = tpu.memref_squeeze %dma_start3A_85 : memref<1x4x8x128xi32, #tpu.memory_space<vmem>> -> memref<4x8x128xi32, #tpu.memory_space<vmem>>
    %dma_start3A_87 = arith.constant 0 : i32
    %dma_start3A_88 = arith.constant 0 : i32
    %dma_start3A_89 = tpu.memref_slice %arg10[%dma_start3A_87, %add3A_81, %dma_start3A_88] : memref<4x4096x128xi32, #tpu.memory_space<hbm>> -> memref<4x8x128xi32, #tpu.memory_space<hbm>>
    %dma_start3A_90 = arith.constant 0 : i32
    %dma_start3A_91 = arith.constant 0 : i32
    %dma_start3A_92 = arith.constant 0 : i32
    %dma_start3A_93 = tpu.memref_slice %arg13[%dma_start3A, %dma_start3A_90, %dma_start3A_91, %dma_start3A_92] : memref<2x8x8x128xi32, #tpu.memory_space<vmem>> -> memref<1x4x8x128xi32, #tpu.memory_space<vmem>>
    %dma_start3A_94 = tpu.memref_squeeze %dma_start3A_93 : memref<1x4x8x128xi32, #tpu.memory_space<vmem>> -> memref<4x8x128xi32, #tpu.memory_space<vmem>>
    %dma_start3A_95 = arith.constant 0 : i32
    %dma_start3A_96 = arith.constant 0 : i32
    %dma_start3A_97 = tpu.memref_slice %arg10[%dma_start3A_95, %add3A_81, %dma_start3A_96] : memref<4x4096x128xi32, #tpu.memory_space<hbm>> -> memref<4x8x128xi32, #tpu.memory_space<hbm>>
    tpu.enqueue_dma source(%dma_start3A_97 : memref<4x8x128xi32, #tpu.memory_space<hbm>>) target(%dma_start3A_94 : memref<4x8x128xi32, #tpu.memory_space<vmem>>) target_semaphore(%arg16 : memref<!tpu.dma_semaphore, #tpu.memory_space<semaphore_mem>>)
    %dma_start3A_98 = arith.constant 0 : i32
    %dma_start3A_99 = arith.constant 4 : i32
    %dma_start3A_100 = arith.constant 0 : i32
    %dma_start3A_101 = arith.constant 0 : i32
    %dma_start3A_102 = tpu.memref_slice %arg13[%dma_start3A_98, %dma_start3A_99, %dma_start3A_100, %dma_start3A_101] : memref<2x8x8x128xi32, #tpu.memory_space<vmem>> -> memref<1x4x8x128xi32, #tpu.memory_space<vmem>>
    %dma_start3A_103 = tpu.memref_squeeze %dma_start3A_102 : memref<1x4x8x128xi32, #tpu.memory_space<vmem>> -> memref<4x8x128xi32, #tpu.memory_space<vmem>>
    %dma_start3A_104 = arith.constant 0 : i32
    %dma_start3A_105 = arith.constant 0 : i32
    %dma_start3A_106 = tpu.memref_slice %arg11[%dma_start3A_104, %add3A_81, %dma_start3A_105] : memref<4x4096x128xi32, #tpu.memory_space<hbm>> -> memref<4x8x128xi32, #tpu.memory_space<hbm>>
    %dma_start3A_107 = arith.constant 4 : i32
    %dma_start3A_108 = arith.constant 0 : i32
    %dma_start3A_109 = arith.constant 0 : i32
    %dma_start3A_110 = tpu.memref_slice %arg13[%dma_start3A_98, %dma_start3A_107, %dma_start3A_108, %dma_start3A_109] : memref<2x8x8x128xi32, #tpu.memory_space<vmem>> -> memref<1x4x8x128xi32, #tpu.memory_space<vmem>>
    %dma_start3A_111 = tpu.memref_squeeze %dma_start3A_110 : memref<1x4x8x128xi32, #tpu.memory_space<vmem>> -> memref<4x8x128xi32, #tpu.memory_space<vmem>>
    %dma_start3A_112 = arith.constant 0 : i32
    %dma_start3A_113 = arith.constant 0 : i32
    %dma_start3A_114 = tpu.memref_slice %arg11[%dma_start3A_112, %add3A_81, %dma_start3A_113] : memref<4x4096x128xi32, #tpu.memory_space<hbm>> -> memref<4x8x128xi32, #tpu.memory_space<hbm>>
    tpu.enqueue_dma source(%dma_start3A_114 : memref<4x8x128xi32, #tpu.memory_space<hbm>>) target(%dma_start3A_111 : memref<4x8x128xi32, #tpu.memory_space<vmem>>) target_semaphore(%arg16 : memref<!tpu.dma_semaphore, #tpu.memory_space<semaphore_mem>>)
    %scan3A = arith.constant 0 : i32
    %scan3A_115 = arith.constant 0 : i32
    %scan3A_116 = arith.constant 16 : i32
    %scan3A_117 = arith.addi %scan3A_115, %scan3A_116 : i32
    %scan3A_118 = arith.constant 1 : i32
    scf.for %scan3A_157 = %scan3A_115 to %scan3A_117 step %scan3A_118  : i32 {
      %rem3A = arith.constant 2 : i32
      %rem3A_158 = arith.remsi %scan3A_157, %rem3A : i32
      %add3A_159 = arith.constant 1 : i32
      %add3A_160 = arith.addi %scan3A_157, %add3A_159 : i32
      %rem3A_161 = arith.constant 2 : i32
      %rem3A_162 = arith.remsi %add3A_160, %rem3A_161 : i32
      %add3A_163 = arith.constant 1 : i32
      %add3A_164 = arith.addi %scan3A_157, %add3A_163 : i32
      %lt3A = arith.constant 16 : i32
      %lt3A_165 = arith.cmpi slt, %add3A_164, %lt3A : i32
      %convert_element_type3A_166 = arith.extui %lt3A_165 : i1 to i32
      %cond3A_167 = arith.constant 0 : i32
      %cond3A_168 = arith.cmpi ne, %convert_element_type3A_166, %cond3A_167 : i32
      scf.if %cond3A_168 {
        %add3A_234 = arith.constant 1 : i32
        %add3A_235 = arith.addi %scan3A_157, %add3A_234 : i32
        %mul3A_236 = arith.constant 8 : i32
        %mul3A_237 = arith.muli %add3A_235, %mul3A_236 : i32
        %add3A_238 = arith.addi %mul3A_79, %mul3A_237 : i32
        %dma_start3A_239 = arith.constant 0 : i32
        %dma_start3A_240 = arith.constant 0 : i32
        %dma_start3A_241 = arith.constant 0 : i32
        %dma_start3A_242 = tpu.memref_slice %arg13[%rem3A_162, %dma_start3A_239, %dma_start3A_240, %dma_start3A_241] : memref<2x8x8x128xi32, #tpu.memory_space<vmem>> -> memref<1x4x8x128xi32, #tpu.memory_space<vmem>>
        %dma_start3A_243 = tpu.memref_squeeze %dma_start3A_242 : memref<1x4x8x128xi32, #tpu.memory_space<vmem>> -> memref<4x8x128xi32, #tpu.memory_space<vmem>>
        %dma_start3A_244 = arith.constant 0 : i32
        %dma_start3A_245 = arith.constant 0 : i32
        %dma_start3A_246 = tpu.memref_slice %arg10[%dma_start3A_244, %add3A_238, %dma_start3A_245] : memref<4x4096x128xi32, #tpu.memory_space<hbm>> -> memref<4x8x128xi32, #tpu.memory_space<hbm>>
        %dma_start3A_247 = arith.constant 0 : i32
        %dma_start3A_248 = arith.constant 0 : i32
        %dma_start3A_249 = arith.constant 0 : i32
        %dma_start3A_250 = tpu.memref_slice %arg13[%rem3A_162, %dma_start3A_247, %dma_start3A_248, %dma_start3A_249] : memref<2x8x8x128xi32, #tpu.memory_space<vmem>> -> memref<1x4x8x128xi32, #tpu.memory_space<vmem>>
        %dma_start3A_251 = tpu.memref_squeeze %dma_start3A_250 : memref<1x4x8x128xi32, #tpu.memory_space<vmem>> -> memref<4x8x128xi32, #tpu.memory_space<vmem>>
        %dma_start3A_252 = arith.constant 0 : i32
        %dma_start3A_253 = arith.constant 0 : i32
        %dma_start3A_254 = tpu.memref_slice %arg10[%dma_start3A_252, %add3A_238, %dma_start3A_253] : memref<4x4096x128xi32, #tpu.memory_space<hbm>> -> memref<4x8x128xi32, #tpu.memory_space<hbm>>
        tpu.enqueue_dma source(%dma_start3A_254 : memref<4x8x128xi32, #tpu.memory_space<hbm>>) target(%dma_start3A_251 : memref<4x8x128xi32, #tpu.memory_space<vmem>>) target_semaphore(%arg16 : memref<!tpu.dma_semaphore, #tpu.memory_space<semaphore_mem>>)
        %dma_start3A_255 = arith.constant 4 : i32
        %dma_start3A_256 = arith.constant 0 : i32
        %dma_start3A_257 = arith.constant 0 : i32
        %dma_start3A_258 = tpu.memref_slice %arg13[%rem3A_162, %dma_start3A_255, %dma_start3A_256, %dma_start3A_257] : memref<2x8x8x128xi32, #tpu.memory_space<vmem>> -> memref<1x4x8x128xi32, #tpu.memory_space<vmem>>
        %dma_start3A_259 = tpu.memref_squeeze %dma_start3A_258 : memref<1x4x8x128xi32, #tpu.memory_space<vmem>> -> memref<4x8x128xi32, #tpu.memory_space<vmem>>
        %dma_start3A_260 = arith.constant 0 : i32
        %dma_start3A_261 = arith.constant 0 : i32
        %dma_start3A_262 = tpu.memref_slice %arg11[%dma_start3A_260, %add3A_238, %dma_start3A_261] : memref<4x4096x128xi32, #tpu.memory_space<hbm>> -> memref<4x8x128xi32, #tpu.memory_space<hbm>>
        %dma_start3A_263 = arith.constant 4 : i32
        %dma_start3A_264 = arith.constant 0 : i32
        %dma_start3A_265 = arith.constant 0 : i32
        %dma_start3A_266 = tpu.memref_slice %arg13[%rem3A_162, %dma_start3A_263, %dma_start3A_264, %dma_start3A_265] : memref<2x8x8x128xi32, #tpu.memory_space<vmem>> -> memref<1x4x8x128xi32, #tpu.memory_space<vmem>>
        %dma_start3A_267 = tpu.memref_squeeze %dma_start3A_266 : memref<1x4x8x128xi32, #tpu.memory_space<vmem>> -> memref<4x8x128xi32, #tpu.memory_space<vmem>>
        %dma_start3A_268 = arith.constant 0 : i32
        %dma_start3A_269 = arith.constant 0 : i32
        %dma_start3A_270 = tpu.memref_slice %arg11[%dma_start3A_268, %add3A_238, %dma_start3A_269] : memref<4x4096x128xi32, #tpu.memory_space<hbm>> -> memref<4x8x128xi32, #tpu.memory_space<hbm>>
        tpu.enqueue_dma source(%dma_start3A_270 : memref<4x8x128xi32, #tpu.memory_space<hbm>>) target(%dma_start3A_267 : memref<4x8x128xi32, #tpu.memory_space<vmem>>) target_semaphore(%arg16 : memref<!tpu.dma_semaphore, #tpu.memory_space<semaphore_mem>>)
      } else {
      }
      %dma_wait3A_169 = arith.constant 0 : i32
      %dma_wait3A_170 = arith.constant 0 : i32
      %dma_wait3A_171 = arith.constant 0 : i32
      %dma_wait3A_172 = tpu.memref_slice %arg13[%rem3A_158, %dma_wait3A_169, %dma_wait3A_170, %dma_wait3A_171] : memref<2x8x8x128xi32, #tpu.memory_space<vmem>> -> memref<1x4x8x128xi32, #tpu.memory_space<vmem>>
      %dma_wait3A_173 = tpu.memref_squeeze %dma_wait3A_172 : memref<1x4x8x128xi32, #tpu.memory_space<vmem>> -> memref<4x8x128xi32, #tpu.memory_space<vmem>>
      %dma_wait3A_174 = arith.constant 0 : i32
      %dma_wait3A_175 = arith.constant 0 : i32
      %dma_wait3A_176 = arith.constant 0 : i32
      %dma_wait3A_177 = tpu.memref_slice %arg10[%dma_wait3A_174, %dma_wait3A_175, %dma_wait3A_176] : memref<4x4096x128xi32, #tpu.memory_space<hbm>> -> memref<4x8x128xi32, #tpu.memory_space<hbm>>
      %dma_wait3A_178 = arith.constant 0 : i32
      %dma_wait3A_179 = arith.constant 0 : i32
      %dma_wait3A_180 = arith.constant 0 : i32
      %dma_wait3A_181 = tpu.memref_slice %arg13[%rem3A_158, %dma_wait3A_178, %dma_wait3A_179, %dma_wait3A_180] : memref<2x8x8x128xi32, #tpu.memory_space<vmem>> -> memref<1x4x8x128xi32, #tpu.memory_space<vmem>>
      %dma_wait3A_182 = tpu.memref_squeeze %dma_wait3A_181 : memref<1x4x8x128xi32, #tpu.memory_space<vmem>> -> memref<4x8x128xi32, #tpu.memory_space<vmem>>
      %dma_wait3A_183 = arith.constant 0 : i32
      %dma_wait3A_184 = arith.constant 0 : i32
      %dma_wait3A_185 = arith.constant 0 : i32
      %dma_wait3A_186 = tpu.memref_slice %arg10[%dma_wait3A_183, %dma_wait3A_184, %dma_wait3A_185] : memref<4x4096x128xi32, #tpu.memory_space<hbm>> -> memref<4x8x128xi32, #tpu.memory_space<hbm>>
      tpu.wait_dma2 semaphore(%arg16 : memref<!tpu.dma_semaphore, #tpu.memory_space<semaphore_mem>>) src(%dma_wait3A_186 : memref<4x8x128xi32, #tpu.memory_space<hbm>>) dst(%dma_wait3A_182 : memref<4x8x128xi32, #tpu.memory_space<vmem>>)
      %dma_wait3A_187 = arith.constant 4 : i32
      %dma_wait3A_188 = arith.constant 0 : i32
      %dma_wait3A_189 = arith.constant 0 : i32
      %dma_wait3A_190 = tpu.memref_slice %arg13[%rem3A_158, %dma_wait3A_187, %dma_wait3A_188, %dma_wait3A_189] : memref<2x8x8x128xi32, #tpu.memory_space<vmem>> -> memref<1x4x8x128xi32, #tpu.memory_space<vmem>>
      %dma_wait3A_191 = tpu.memref_squeeze %dma_wait3A_190 : memref<1x4x8x128xi32, #tpu.memory_space<vmem>> -> memref<4x8x128xi32, #tpu.memory_space<vmem>>
      %dma_wait3A_192 = arith.constant 0 : i32
      %dma_wait3A_193 = arith.constant 0 : i32
      %dma_wait3A_194 = arith.constant 0 : i32
      %dma_wait3A_195 = tpu.memref_slice %arg11[%dma_wait3A_192, %dma_wait3A_193, %dma_wait3A_194] : memref<4x4096x128xi32, #tpu.memory_space<hbm>> -> memref<4x8x128xi32, #tpu.memory_space<hbm>>
      %dma_wait3A_196 = arith.constant 4 : i32
      %dma_wait3A_197 = arith.constant 0 : i32
      %dma_wait3A_198 = arith.constant 0 : i32
      %dma_wait3A_199 = tpu.memref_slice %arg13[%rem3A_158, %dma_wait3A_196, %dma_wait3A_197, %dma_wait3A_198] : memref<2x8x8x128xi32, #tpu.memory_space<vmem>> -> memref<1x4x8x128xi32, #tpu.memory_space<vmem>>
      %dma_wait3A_200 = tpu.memref_squeeze %dma_wait3A_199 : memref<1x4x8x128xi32, #tpu.memory_space<vmem>> -> memref<4x8x128xi32, #tpu.memory_space<vmem>>
      %dma_wait3A_201 = arith.constant 0 : i32
      %dma_wait3A_202 = arith.constant 0 : i32
      %dma_wait3A_203 = arith.constant 0 : i32
      %dma_wait3A_204 = tpu.memref_slice %arg11[%dma_wait3A_201, %dma_wait3A_202, %dma_wait3A_203] : memref<4x4096x128xi32, #tpu.memory_space<hbm>> -> memref<4x8x128xi32, #tpu.memory_space<hbm>>
      tpu.wait_dma2 semaphore(%arg16 : memref<!tpu.dma_semaphore, #tpu.memory_space<semaphore_mem>>) src(%dma_wait3A_204 : memref<4x8x128xi32, #tpu.memory_space<hbm>>) dst(%dma_wait3A_200 : memref<4x8x128xi32, #tpu.memory_space<vmem>>)
      %ge3A = arith.constant 2 : i32
      %ge3A_205 = arith.cmpi sge, %scan3A_157, %ge3A : i32
      %convert_element_type3A_206 = arith.extui %ge3A_205 : i1 to i32
      %cond3A_207 = arith.constant 0 : i32
      %cond3A_208 = arith.cmpi ne, %convert_element_type3A_206, %cond3A_207 : i32
      scf.if %cond3A_208 {
        %dma_wait3A_234 = arith.constant 0 : i32
        %dma_wait3A_235 = arith.constant 0 : i32
        %dma_wait3A_236 = arith.constant 0 : i32
        %dma_wait3A_237 = tpu.memref_slice %arg14[%rem3A_158, %dma_wait3A_234, %dma_wait3A_235, %dma_wait3A_236] : memref<2x8x8x128xf32, #tpu.memory_space<vmem>> -> memref<1x8x8x128xf32, #tpu.memory_space<vmem>>
        %dma_wait3A_238 = tpu.memref_squeeze %dma_wait3A_237 : memref<1x8x8x128xf32, #tpu.memory_space<vmem>> -> memref<8x8x128xf32, #tpu.memory_space<vmem>>
        %dma_wait3A_239 = arith.constant 0 : i32
        %dma_wait3A_240 = arith.constant 0 : i32
        %dma_wait3A_241 = arith.constant 0 : i32
        %dma_wait3A_242 = tpu.memref_slice %arg12[%dma_wait3A_239, %dma_wait3A_240, %dma_wait3A_241] : memref<8x4096x128xf32, #tpu.memory_space<hbm>> -> memref<8x8x128xf32, #tpu.memory_space<hbm>>
        %dma_wait3A_243 = arith.constant 0 : i32
        %dma_wait3A_244 = arith.constant 0 : i32
        %dma_wait3A_245 = arith.constant 0 : i32
        %dma_wait3A_246 = tpu.memref_slice %arg12[%dma_wait3A_243, %dma_wait3A_244, %dma_wait3A_245] : memref<8x4096x128xf32, #tpu.memory_space<hbm>> -> memref<8x8x128xf32, #tpu.memory_space<hbm>>
        %dma_wait3A_247 = arith.constant 0 : i32
        %dma_wait3A_248 = arith.constant 0 : i32
        %dma_wait3A_249 = arith.constant 0 : i32
        %dma_wait3A_250 = tpu.memref_slice %arg14[%rem3A_158, %dma_wait3A_247, %dma_wait3A_248, %dma_wait3A_249] : memref<2x8x8x128xf32, #tpu.memory_space<vmem>> -> memref<1x8x8x128xf32, #tpu.memory_space<vmem>>
        %dma_wait3A_251 = tpu.memref_squeeze %dma_wait3A_250 : memref<1x8x8x128xf32, #tpu.memory_space<vmem>> -> memref<8x8x128xf32, #tpu.memory_space<vmem>>
        tpu.wait_dma2 semaphore(%arg17 : memref<!tpu.dma_semaphore, #tpu.memory_space<semaphore_mem>>) src(%dma_wait3A_251 : memref<8x8x128xf32, #tpu.memory_space<vmem>>) dst(%dma_wait3A_246 : memref<8x8x128xf32, #tpu.memory_space<hbm>>)
      } else {
      }
      %scan3A_209 = arith.constant 0 : i32
      %scan3A_210 = arith.constant 0 : i32
      %scan3A_211 = arith.constant 8 : i32
      %scan3A_212 = arith.addi %scan3A_210, %scan3A_211 : i32
      %scan3A_213 = arith.constant 1 : i32
      scf.for %scan3A_234 = %scan3A_210 to %scan3A_212 step %scan3A_213  : i32 {
        %dma_start3A_235 = arith.constant 0 : i32
        %dma_start3A_236 = arith.constant 0 : i32
        %dma_start3A_237 = arith.constant 0 : i32
        %dma_start3A_238 = tpu.memref_slice %arg14[%rem3A_158, %dma_start3A_236, %scan3A_234, %dma_start3A_237] : memref<2x8x8x128xf32, #tpu.memory_space<vmem>> -> memref<1x1x1x128xf32, #tpu.memory_space<vmem>>
        %dma_start3A_239 = tpu.memref_squeeze %dma_start3A_238 : memref<1x1x1x128xf32, #tpu.memory_space<vmem>> -> memref<128xf32, #tpu.memory_space<vmem>>
        %dma_start3A_240 = arith.constant 0 : i32
        %dma_start3A_241 = tpu.memref_slice %arg13[%rem3A_158, %dma_start3A_235, %scan3A_234, %dma_start3A_240] : memref<2x8x8x128xi32, #tpu.memory_space<vmem>> -> memref<1x1x1x128xi32, #tpu.memory_space<vmem>>
        %dma_start3A_242 = tpu.memref_squeeze %dma_start3A_241 : memref<1x1x1x128xi32, #tpu.memory_space<vmem>> -> memref<128xi32, #tpu.memory_space<vmem>>
        %dma_start3A_243 = arith.constant 0 : i32
        %dma_start3A_244 = tpu.memref_slice %arg18[%dma_start3A_243] : memref<65536xf32, #tpu.memory_space<vmem_shared>> -> memref<65536xf32, #tpu.memory_space<vmem_shared>>
        tpu.enqueue_indirect_dma source(%dma_start3A_244 : memref<65536xf32, #tpu.memory_space<vmem_shared>>) target(%dma_start3A_239 : memref<128xf32, #tpu.memory_space<vmem>>) offsets(%dma_start3A_242 : memref<128xi32, #tpu.memory_space<vmem>>) semaphore(%arg15 : memref<!tpu.dma_semaphore, #tpu.memory_space<semaphore_mem>>)
        %dma_start3A_245 = arith.constant 1 : i32
        %dma_start3A_246 = arith.constant 1 : i32
        %dma_start3A_247 = arith.constant 0 : i32
        %dma_start3A_248 = tpu.memref_slice %arg14[%rem3A_158, %dma_start3A_246, %scan3A_234, %dma_start3A_247] : memref<2x8x8x128xf32, #tpu.memory_space<vmem>> -> memref<1x1x1x128xf32, #tpu.memory_space<vmem>>
        %dma_start3A_249 = tpu.memref_squeeze %dma_start3A_248 : memref<1x1x1x128xf32, #tpu.memory_space<vmem>> -> memref<128xf32, #tpu.memory_space<vmem>>
        %dma_start3A_250 = arith.constant 0 : i32
        %dma_start3A_251 = tpu.memref_slice %arg13[%rem3A_158, %dma_start3A_245, %scan3A_234, %dma_start3A_250] : memref<2x8x8x128xi32, #tpu.memory_space<vmem>> -> memref<1x1x1x128xi32, #tpu.memory_space<vmem>>
        %dma_start3A_252 = tpu.memref_squeeze %dma_start3A_251 : memref<1x1x1x128xi32, #tpu.memory_space<vmem>> -> memref<128xi32, #tpu.memory_space<vmem>>
        %dma_start3A_253 = arith.constant 0 : i32
        %dma_start3A_254 = tpu.memref_slice %arg19[%dma_start3A_253] : memref<65536xf32, #tpu.memory_space<vmem_shared>> -> memref<65536xf32, #tpu.memory_space<vmem_shared>>
        tpu.enqueue_indirect_dma source(%dma_start3A_254 : memref<65536xf32, #tpu.memory_space<vmem_shared>>) target(%dma_start3A_249 : memref<128xf32, #tpu.memory_space<vmem>>) offsets(%dma_start3A_252 : memref<128xi32, #tpu.memory_space<vmem>>) semaphore(%arg15 : memref<!tpu.dma_semaphore, #tpu.memory_space<semaphore_mem>>)
        %dma_start3A_255 = arith.constant 2 : i32
        %dma_start3A_256 = arith.constant 2 : i32
        %dma_start3A_257 = arith.constant 0 : i32
        %dma_start3A_258 = tpu.memref_slice %arg14[%rem3A_158, %dma_start3A_256, %scan3A_234, %dma_start3A_257] : memref<2x8x8x128xf32, #tpu.memory_space<vmem>> -> memref<1x1x1x128xf32, #tpu.memory_space<vmem>>
        %dma_start3A_259 = tpu.memref_squeeze %dma_start3A_258 : memref<1x1x1x128xf32, #tpu.memory_space<vmem>> -> memref<128xf32, #tpu.memory_space<vmem>>
        %dma_start3A_260 = arith.constant 0 : i32
        %dma_start3A_261 = tpu.memref_slice %arg13[%rem3A_158, %dma_start3A_255, %scan3A_234, %dma_start3A_260] : memref<2x8x8x128xi32, #tpu.memory_space<vmem>> -> memref<1x1x1x128xi32, #tpu.memory_space<vmem>>
        %dma_start3A_262 = tpu.memref_squeeze %dma_start3A_261 : memref<1x1x1x128xi32, #tpu.memory_space<vmem>> -> memref<128xi32, #tpu.memory_space<vmem>>
        %dma_start3A_263 = arith.constant 0 : i32
        %dma_start3A_264 = tpu.memref_slice %arg20[%dma_start3A_263] : memref<65536xf32, #tpu.memory_space<vmem_shared>> -> memref<65536xf32, #tpu.memory_space<vmem_shared>>
        tpu.enqueue_indirect_dma source(%dma_start3A_264 : memref<65536xf32, #tpu.memory_space<vmem_shared>>) target(%dma_start3A_259 : memref<128xf32, #tpu.memory_space<vmem>>) offsets(%dma_start3A_262 : memref<128xi32, #tpu.memory_space<vmem>>) semaphore(%arg15 : memref<!tpu.dma_semaphore, #tpu.memory_space<semaphore_mem>>)
        %dma_start3A_265 = arith.constant 3 : i32
        %dma_start3A_266 = arith.constant 3 : i32
        %dma_start3A_267 = arith.constant 0 : i32
        %dma_start3A_268 = tpu.memref_slice %arg14[%rem3A_158, %dma_start3A_266, %scan3A_234, %dma_start3A_267] : memref<2x8x8x128xf32, #tpu.memory_space<vmem>> -> memref<1x1x1x128xf32, #tpu.memory_space<vmem>>
        %dma_start3A_269 = tpu.memref_squeeze %dma_start3A_268 : memref<1x1x1x128xf32, #tpu.memory_space<vmem>> -> memref<128xf32, #tpu.memory_space<vmem>>
        %dma_start3A_270 = arith.constant 0 : i32
        %dma_start3A_271 = tpu.memref_slice %arg13[%rem3A_158, %dma_start3A_265, %scan3A_234, %dma_start3A_270] : memref<2x8x8x128xi32, #tpu.memory_space<vmem>> -> memref<1x1x1x128xi32, #tpu.memory_space<vmem>>
        %dma_start3A_272 = tpu.memref_squeeze %dma_start3A_271 : memref<1x1x1x128xi32, #tpu.memory_space<vmem>> -> memref<128xi32, #tpu.memory_space<vmem>>
        %dma_start3A_273 = arith.constant 0 : i32
        %dma_start3A_274 = tpu.memref_slice %arg21[%dma_start3A_273] : memref<65536xf32, #tpu.memory_space<vmem_shared>> -> memref<65536xf32, #tpu.memory_space<vmem_shared>>
        tpu.enqueue_indirect_dma source(%dma_start3A_274 : memref<65536xf32, #tpu.memory_space<vmem_shared>>) target(%dma_start3A_269 : memref<128xf32, #tpu.memory_space<vmem>>) offsets(%dma_start3A_272 : memref<128xi32, #tpu.memory_space<vmem>>) semaphore(%arg15 : memref<!tpu.dma_semaphore, #tpu.memory_space<semaphore_mem>>)
        %dma_start3A_275 = arith.constant 4 : i32
        %dma_start3A_276 = arith.constant 4 : i32
        %dma_start3A_277 = arith.constant 0 : i32
        %dma_start3A_278 = tpu.memref_slice %arg14[%rem3A_158, %dma_start3A_276, %scan3A_234, %dma_start3A_277] : memref<2x8x8x128xf32, #tpu.memory_space<vmem>> -> memref<1x1x1x128xf32, #tpu.memory_space<vmem>>
        %dma_start3A_279 = tpu.memref_squeeze %dma_start3A_278 : memref<1x1x1x128xf32, #tpu.memory_space<vmem>> -> memref<128xf32, #tpu.memory_space<vmem>>
        %dma_start3A_280 = arith.constant 0 : i32
        %dma_start3A_281 = tpu.memref_slice %arg13[%rem3A_158, %dma_start3A_275, %scan3A_234, %dma_start3A_280] : memref<2x8x8x128xi32, #tpu.memory_space<vmem>> -> memref<1x1x1x128xi32, #tpu.memory_space<vmem>>
        %dma_start3A_282 = tpu.memref_squeeze %dma_start3A_281 : memref<1x1x1x128xi32, #tpu.memory_space<vmem>> -> memref<128xi32, #tpu.memory_space<vmem>>
        %dma_start3A_283 = arith.constant 0 : i32
        %dma_start3A_284 = tpu.memref_slice %arg22[%dma_start3A_283] : memref<262144xf32, #tpu.memory_space<vmem_shared>> -> memref<262144xf32, #tpu.memory_space<vmem_shared>>
        tpu.enqueue_indirect_dma source(%dma_start3A_284 : memref<262144xf32, #tpu.memory_space<vmem_shared>>) target(%dma_start3A_279 : memref<128xf32, #tpu.memory_space<vmem>>) offsets(%dma_start3A_282 : memref<128xi32, #tpu.memory_space<vmem>>) semaphore(%arg15 : memref<!tpu.dma_semaphore, #tpu.memory_space<semaphore_mem>>)
        %dma_start3A_285 = arith.constant 5 : i32
        %dma_start3A_286 = arith.constant 5 : i32
        %dma_start3A_287 = arith.constant 0 : i32
        %dma_start3A_288 = tpu.memref_slice %arg14[%rem3A_158, %dma_start3A_286, %scan3A_234, %dma_start3A_287] : memref<2x8x8x128xf32, #tpu.memory_space<vmem>> -> memref<1x1x1x128xf32, #tpu.memory_space<vmem>>
        %dma_start3A_289 = tpu.memref_squeeze %dma_start3A_288 : memref<1x1x1x128xf32, #tpu.memory_space<vmem>> -> memref<128xf32, #tpu.memory_space<vmem>>
        %dma_start3A_290 = arith.constant 0 : i32
        %dma_start3A_291 = tpu.memref_slice %arg13[%rem3A_158, %dma_start3A_285, %scan3A_234, %dma_start3A_290] : memref<2x8x8x128xi32, #tpu.memory_space<vmem>> -> memref<1x1x1x128xi32, #tpu.memory_space<vmem>>
        %dma_start3A_292 = tpu.memref_squeeze %dma_start3A_291 : memref<1x1x1x128xi32, #tpu.memory_space<vmem>> -> memref<128xi32, #tpu.memory_space<vmem>>
        %dma_start3A_293 = arith.constant 0 : i32
        %dma_start3A_294 = tpu.memref_slice %arg23[%dma_start3A_293] : memref<262144xf32, #tpu.memory_space<vmem_shared>> -> memref<262144xf32, #tpu.memory_space<vmem_shared>>
        tpu.enqueue_indirect_dma source(%dma_start3A_294 : memref<262144xf32, #tpu.memory_space<vmem_shared>>) target(%dma_start3A_289 : memref<128xf32, #tpu.memory_space<vmem>>) offsets(%dma_start3A_292 : memref<128xi32, #tpu.memory_space<vmem>>) semaphore(%arg15 : memref<!tpu.dma_semaphore, #tpu.memory_space<semaphore_mem>>)
        %dma_start3A_295 = arith.constant 6 : i32
        %dma_start3A_296 = arith.constant 6 : i32
        %dma_start3A_297 = arith.constant 0 : i32
        %dma_start3A_298 = tpu.memref_slice %arg14[%rem3A_158, %dma_start3A_296, %scan3A_234, %dma_start3A_297] : memref<2x8x8x128xf32, #tpu.memory_space<vmem>> -> memref<1x1x1x128xf32, #tpu.memory_space<vmem>>
        %dma_start3A_299 = tpu.memref_squeeze %dma_start3A_298 : memref<1x1x1x128xf32, #tpu.memory_space<vmem>> -> memref<128xf32, #tpu.memory_space<vmem>>
        %dma_start3A_300 = arith.constant 0 : i32
        %dma_start3A_301 = tpu.memref_slice %arg13[%rem3A_158, %dma_start3A_295, %scan3A_234, %dma_start3A_300] : memref<2x8x8x128xi32, #tpu.memory_space<vmem>> -> memref<1x1x1x128xi32, #tpu.memory_space<vmem>>
        %dma_start3A_302 = tpu.memref_squeeze %dma_start3A_301 : memref<1x1x1x128xi32, #tpu.memory_space<vmem>> -> memref<128xi32, #tpu.memory_space<vmem>>
        %dma_start3A_303 = arith.constant 0 : i32
        %dma_start3A_304 = tpu.memref_slice %arg24[%dma_start3A_303] : memref<262144xf32, #tpu.memory_space<vmem_shared>> -> memref<262144xf32, #tpu.memory_space<vmem_shared>>
        tpu.enqueue_indirect_dma source(%dma_start3A_304 : memref<262144xf32, #tpu.memory_space<vmem_shared>>) target(%dma_start3A_299 : memref<128xf32, #tpu.memory_space<vmem>>) offsets(%dma_start3A_302 : memref<128xi32, #tpu.memory_space<vmem>>) semaphore(%arg15 : memref<!tpu.dma_semaphore, #tpu.memory_space<semaphore_mem>>)
        %dma_start3A_305 = arith.constant 7 : i32
        %dma_start3A_306 = arith.constant 7 : i32
        %dma_start3A_307 = arith.constant 0 : i32
        %dma_start3A_308 = tpu.memref_slice %arg14[%rem3A_158, %dma_start3A_306, %scan3A_234, %dma_start3A_307] : memref<2x8x8x128xf32, #tpu.memory_space<vmem>> -> memref<1x1x1x128xf32, #tpu.memory_space<vmem>>
        %dma_start3A_309 = tpu.memref_squeeze %dma_start3A_308 : memref<1x1x1x128xf32, #tpu.memory_space<vmem>> -> memref<128xf32, #tpu.memory_space<vmem>>
        %dma_start3A_310 = arith.constant 0 : i32
        %dma_start3A_311 = tpu.memref_slice %arg13[%rem3A_158, %dma_start3A_305, %scan3A_234, %dma_start3A_310] : memref<2x8x8x128xi32, #tpu.memory_space<vmem>> -> memref<1x1x1x128xi32, #tpu.memory_space<vmem>>
        %dma_start3A_312 = tpu.memref_squeeze %dma_start3A_311 : memref<1x1x1x128xi32, #tpu.memory_space<vmem>> -> memref<128xi32, #tpu.memory_space<vmem>>
        %dma_start3A_313 = arith.constant 0 : i32
        %dma_start3A_314 = tpu.memref_slice %arg25[%dma_start3A_313] : memref<262144xf32, #tpu.memory_space<vmem_shared>> -> memref<262144xf32, #tpu.memory_space<vmem_shared>>
        tpu.enqueue_indirect_dma source(%dma_start3A_314 : memref<262144xf32, #tpu.memory_space<vmem_shared>>) target(%dma_start3A_309 : memref<128xf32, #tpu.memory_space<vmem>>) offsets(%dma_start3A_312 : memref<128xi32, #tpu.memory_space<vmem>>) semaphore(%arg15 : memref<!tpu.dma_semaphore, #tpu.memory_space<semaphore_mem>>)
        %dma_wait3A_315 = arith.constant 0 : i32
        %dma_wait3A_316 = arith.constant 0 : i32
        %dma_wait3A_317 = arith.constant 0 : i32
        %dma_wait3A_318 = tpu.memref_slice %arg14[%rem3A_158, %dma_wait3A_316, %scan3A_234, %dma_wait3A_317] : memref<2x8x8x128xf32, #tpu.memory_space<vmem>> -> memref<1x1x1x128xf32, #tpu.memory_space<vmem>>
        %dma_wait3A_319 = tpu.memref_squeeze %dma_wait3A_318 : memref<1x1x1x128xf32, #tpu.memory_space<vmem>> -> memref<128xf32, #tpu.memory_space<vmem>>
        %dma_wait3A_320 = arith.constant 0 : i32
        %dma_wait3A_321 = tpu.memref_slice %arg13[%rem3A_158, %dma_wait3A_315, %scan3A_234, %dma_wait3A_320] : memref<2x8x8x128xi32, #tpu.memory_space<vmem>> -> memref<1x1x1x128xi32, #tpu.memory_space<vmem>>
        %dma_wait3A_322 = tpu.memref_squeeze %dma_wait3A_321 : memref<1x1x1x128xi32, #tpu.memory_space<vmem>> -> memref<128xi32, #tpu.memory_space<vmem>>
        %dma_wait3A_323 = arith.constant 0 : i32
        %dma_wait3A_324 = tpu.memref_slice %arg18[%dma_wait3A_323] : memref<65536xf32, #tpu.memory_space<vmem_shared>> -> memref<65536xf32, #tpu.memory_space<vmem_shared>>
        tpu.wait_indirect_dma semaphore(%arg15 : memref<!tpu.dma_semaphore, #tpu.memory_space<semaphore_mem>>) src(%dma_wait3A_324 : memref<65536xf32, #tpu.memory_space<vmem_shared>>) dst(%dma_wait3A_319 : memref<128xf32, #tpu.memory_space<vmem>>)
        %dma_wait3A_325 = arith.constant 1 : i32
        %dma_wait3A_326 = arith.constant 1 : i32
        %dma_wait3A_327 = arith.constant 0 : i32
        %dma_wait3A_328 = tpu.memref_slice %arg14[%rem3A_158, %dma_wait3A_326, %scan3A_234, %dma_wait3A_327] : memref<2x8x8x128xf32, #tpu.memory_space<vmem>> -> memref<1x1x1x128xf32, #tpu.memory_space<vmem>>
        %dma_wait3A_329 = tpu.memref_squeeze %dma_wait3A_328 : memref<1x1x1x128xf32, #tpu.memory_space<vmem>> -> memref<128xf32, #tpu.memory_space<vmem>>
        %dma_wait3A_330 = arith.constant 0 : i32
        %dma_wait3A_331 = tpu.memref_slice %arg13[%rem3A_158, %dma_wait3A_325, %scan3A_234, %dma_wait3A_330] : memref<2x8x8x128xi32, #tpu.memory_space<vmem>> -> memref<1x1x1x128xi32, #tpu.memory_space<vmem>>
        %dma_wait3A_332 = tpu.memref_squeeze %dma_wait3A_331 : memref<1x1x1x128xi32, #tpu.memory_space<vmem>> -> memref<128xi32, #tpu.memory_space<vmem>>
        %dma_wait3A_333 = arith.constant 0 : i32
        %dma_wait3A_334 = tpu.memref_slice %arg19[%dma_wait3A_333] : memref<65536xf32, #tpu.memory_space<vmem_shared>> -> memref<65536xf32, #tpu.memory_space<vmem_shared>>
        tpu.wait_indirect_dma semaphore(%arg15 : memref<!tpu.dma_semaphore, #tpu.memory_space<semaphore_mem>>) src(%dma_wait3A_334 : memref<65536xf32, #tpu.memory_space<vmem_shared>>) dst(%dma_wait3A_329 : memref<128xf32, #tpu.memory_space<vmem>>)
        %dma_wait3A_335 = arith.constant 2 : i32
        %dma_wait3A_336 = arith.constant 2 : i32
        %dma_wait3A_337 = arith.constant 0 : i32
        %dma_wait3A_338 = tpu.memref_slice %arg14[%rem3A_158, %dma_wait3A_336, %scan3A_234, %dma_wait3A_337] : memref<2x8x8x128xf32, #tpu.memory_space<vmem>> -> memref<1x1x1x128xf32, #tpu.memory_space<vmem>>
        %dma_wait3A_339 = tpu.memref_squeeze %dma_wait3A_338 : memref<1x1x1x128xf32, #tpu.memory_space<vmem>> -> memref<128xf32, #tpu.memory_space<vmem>>
        %dma_wait3A_340 = arith.constant 0 : i32
        %dma_wait3A_341 = tpu.memref_slice %arg13[%rem3A_158, %dma_wait3A_335, %scan3A_234, %dma_wait3A_340] : memref<2x8x8x128xi32, #tpu.memory_space<vmem>> -> memref<1x1x1x128xi32, #tpu.memory_space<vmem>>
        %dma_wait3A_342 = tpu.memref_squeeze %dma_wait3A_341 : memref<1x1x1x128xi32, #tpu.memory_space<vmem>> -> memref<128xi32, #tpu.memory_space<vmem>>
        %dma_wait3A_343 = arith.constant 0 : i32
        %dma_wait3A_344 = tpu.memref_slice %arg20[%dma_wait3A_343] : memref<65536xf32, #tpu.memory_space<vmem_shared>> -> memref<65536xf32, #tpu.memory_space<vmem_shared>>
        tpu.wait_indirect_dma semaphore(%arg15 : memref<!tpu.dma_semaphore, #tpu.memory_space<semaphore_mem>>) src(%dma_wait3A_344 : memref<65536xf32, #tpu.memory_space<vmem_shared>>) dst(%dma_wait3A_339 : memref<128xf32, #tpu.memory_space<vmem>>)
        %dma_wait3A_345 = arith.constant 3 : i32
        %dma_wait3A_346 = arith.constant 3 : i32
        %dma_wait3A_347 = arith.constant 0 : i32
        %dma_wait3A_348 = tpu.memref_slice %arg14[%rem3A_158, %dma_wait3A_346, %scan3A_234, %dma_wait3A_347] : memref<2x8x8x128xf32, #tpu.memory_space<vmem>> -> memref<1x1x1x128xf32, #tpu.memory_space<vmem>>
        %dma_wait3A_349 = tpu.memref_squeeze %dma_wait3A_348 : memref<1x1x1x128xf32, #tpu.memory_space<vmem>> -> memref<128xf32, #tpu.memory_space<vmem>>
        %dma_wait3A_350 = arith.constant 0 : i32
        %dma_wait3A_351 = tpu.memref_slice %arg13[%rem3A_158, %dma_wait3A_345, %scan3A_234, %dma_wait3A_350] : memref<2x8x8x128xi32, #tpu.memory_space<vmem>> -> memref<1x1x1x128xi32, #tpu.memory_space<vmem>>
        %dma_wait3A_352 = tpu.memref_squeeze %dma_wait3A_351 : memref<1x1x1x128xi32, #tpu.memory_space<vmem>> -> memref<128xi32, #tpu.memory_space<vmem>>
        %dma_wait3A_353 = arith.constant 0 : i32
        %dma_wait3A_354 = tpu.memref_slice %arg21[%dma_wait3A_353] : memref<65536xf32, #tpu.memory_space<vmem_shared>> -> memref<65536xf32, #tpu.memory_space<vmem_shared>>
        tpu.wait_indirect_dma semaphore(%arg15 : memref<!tpu.dma_semaphore, #tpu.memory_space<semaphore_mem>>) src(%dma_wait3A_354 : memref<65536xf32, #tpu.memory_space<vmem_shared>>) dst(%dma_wait3A_349 : memref<128xf32, #tpu.memory_space<vmem>>)
        %dma_wait3A_355 = arith.constant 4 : i32
        %dma_wait3A_356 = arith.constant 4 : i32
        %dma_wait3A_357 = arith.constant 0 : i32
        %dma_wait3A_358 = tpu.memref_slice %arg14[%rem3A_158, %dma_wait3A_356, %scan3A_234, %dma_wait3A_357] : memref<2x8x8x128xf32, #tpu.memory_space<vmem>> -> memref<1x1x1x128xf32, #tpu.memory_space<vmem>>
        %dma_wait3A_359 = tpu.memref_squeeze %dma_wait3A_358 : memref<1x1x1x128xf32, #tpu.memory_space<vmem>> -> memref<128xf32, #tpu.memory_space<vmem>>
        %dma_wait3A_360 = arith.constant 0 : i32
        %dma_wait3A_361 = tpu.memref_slice %arg13[%rem3A_158, %dma_wait3A_355, %scan3A_234, %dma_wait3A_360] : memref<2x8x8x128xi32, #tpu.memory_space<vmem>> -> memref<1x1x1x128xi32, #tpu.memory_space<vmem>>
        %dma_wait3A_362 = tpu.memref_squeeze %dma_wait3A_361 : memref<1x1x1x128xi32, #tpu.memory_space<vmem>> -> memref<128xi32, #tpu.memory_space<vmem>>
        %dma_wait3A_363 = arith.constant 0 : i32
        %dma_wait3A_364 = tpu.memref_slice %arg22[%dma_wait3A_363] : memref<262144xf32, #tpu.memory_space<vmem_shared>> -> memref<262144xf32, #tpu.memory_space<vmem_shared>>
        tpu.wait_indirect_dma semaphore(%arg15 : memref<!tpu.dma_semaphore, #tpu.memory_space<semaphore_mem>>) src(%dma_wait3A_364 : memref<262144xf32, #tpu.memory_space<vmem_shared>>) dst(%dma_wait3A_359 : memref<128xf32, #tpu.memory_space<vmem>>)
        %dma_wait3A_365 = arith.constant 5 : i32
        %dma_wait3A_366 = arith.constant 5 : i32
        %dma_wait3A_367 = arith.constant 0 : i32
        %dma_wait3A_368 = tpu.memref_slice %arg14[%rem3A_158, %dma_wait3A_366, %scan3A_234, %dma_wait3A_367] : memref<2x8x8x128xf32, #tpu.memory_space<vmem>> -> memref<1x1x1x128xf32, #tpu.memory_space<vmem>>
        %dma_wait3A_369 = tpu.memref_squeeze %dma_wait3A_368 : memref<1x1x1x128xf32, #tpu.memory_space<vmem>> -> memref<128xf32, #tpu.memory_space<vmem>>
        %dma_wait3A_370 = arith.constant 0 : i32
        %dma_wait3A_371 = tpu.memref_slice %arg13[%rem3A_158, %dma_wait3A_365, %scan3A_234, %dma_wait3A_370] : memref<2x8x8x128xi32, #tpu.memory_space<vmem>> -> memref<1x1x1x128xi32, #tpu.memory_space<vmem>>
        %dma_wait3A_372 = tpu.memref_squeeze %dma_wait3A_371 : memref<1x1x1x128xi32, #tpu.memory_space<vmem>> -> memref<128xi32, #tpu.memory_space<vmem>>
        %dma_wait3A_373 = arith.constant 0 : i32
        %dma_wait3A_374 = tpu.memref_slice %arg23[%dma_wait3A_373] : memref<262144xf32, #tpu.memory_space<vmem_shared>> -> memref<262144xf32, #tpu.memory_space<vmem_shared>>
        tpu.wait_indirect_dma semaphore(%arg15 : memref<!tpu.dma_semaphore, #tpu.memory_space<semaphore_mem>>) src(%dma_wait3A_374 : memref<262144xf32, #tpu.memory_space<vmem_shared>>) dst(%dma_wait3A_369 : memref<128xf32, #tpu.memory_space<vmem>>)
        %dma_wait3A_375 = arith.constant 6 : i32
        %dma_wait3A_376 = arith.constant 6 : i32
        %dma_wait3A_377 = arith.constant 0 : i32
        %dma_wait3A_378 = tpu.memref_slice %arg14[%rem3A_158, %dma_wait3A_376, %scan3A_234, %dma_wait3A_377] : memref<2x8x8x128xf32, #tpu.memory_space<vmem>> -> memref<1x1x1x128xf32, #tpu.memory_space<vmem>>
        %dma_wait3A_379 = tpu.memref_squeeze %dma_wait3A_378 : memref<1x1x1x128xf32, #tpu.memory_space<vmem>> -> memref<128xf32, #tpu.memory_space<vmem>>
        %dma_wait3A_380 = arith.constant 0 : i32
        %dma_wait3A_381 = tpu.memref_slice %arg13[%rem3A_158, %dma_wait3A_375, %scan3A_234, %dma_wait3A_380] : memref<2x8x8x128xi32, #tpu.memory_space<vmem>> -> memref<1x1x1x128xi32, #tpu.memory_space<vmem>>
        %dma_wait3A_382 = tpu.memref_squeeze %dma_wait3A_381 : memref<1x1x1x128xi32, #tpu.memory_space<vmem>> -> memref<128xi32, #tpu.memory_space<vmem>>
        %dma_wait3A_383 = arith.constant 0 : i32
        %dma_wait3A_384 = tpu.memref_slice %arg24[%dma_wait3A_383] : memref<262144xf32, #tpu.memory_space<vmem_shared>> -> memref<262144xf32, #tpu.memory_space<vmem_shared>>
        tpu.wait_indirect_dma semaphore(%arg15 : memref<!tpu.dma_semaphore, #tpu.memory_space<semaphore_mem>>) src(%dma_wait3A_384 : memref<262144xf32, #tpu.memory_space<vmem_shared>>) dst(%dma_wait3A_379 : memref<128xf32, #tpu.memory_space<vmem>>)
        %dma_wait3A_385 = arith.constant 7 : i32
        %dma_wait3A_386 = arith.constant 7 : i32
        %dma_wait3A_387 = arith.constant 0 : i32
        %dma_wait3A_388 = tpu.memref_slice %arg14[%rem3A_158, %dma_wait3A_386, %scan3A_234, %dma_wait3A_387] : memref<2x8x8x128xf32, #tpu.memory_space<vmem>> -> memref<1x1x1x128xf32, #tpu.memory_space<vmem>>
        %dma_wait3A_389 = tpu.memref_squeeze %dma_wait3A_388 : memref<1x1x1x128xf32, #tpu.memory_space<vmem>> -> memref<128xf32, #tpu.memory_space<vmem>>
        %dma_wait3A_390 = arith.constant 0 : i32
        %dma_wait3A_391 = tpu.memref_slice %arg13[%rem3A_158, %dma_wait3A_385, %scan3A_234, %dma_wait3A_390] : memref<2x8x8x128xi32, #tpu.memory_space<vmem>> -> memref<1x1x1x128xi32, #tpu.memory_space<vmem>>
        %dma_wait3A_392 = tpu.memref_squeeze %dma_wait3A_391 : memref<1x1x1x128xi32, #tpu.memory_space<vmem>> -> memref<128xi32, #tpu.memory_space<vmem>>
        %dma_wait3A_393 = arith.constant 0 : i32
        %dma_wait3A_394 = tpu.memref_slice %arg25[%dma_wait3A_393] : memref<262144xf32, #tpu.memory_space<vmem_shared>> -> memref<262144xf32, #tpu.memory_space<vmem_shared>>
        tpu.wait_indirect_dma semaphore(%arg15 : memref<!tpu.dma_semaphore, #tpu.memory_space<semaphore_mem>>) src(%dma_wait3A_394 : memref<262144xf32, #tpu.memory_space<vmem_shared>>) dst(%dma_wait3A_389 : memref<128xf32, #tpu.memory_space<vmem>>)
      }
      %scan3A_214 = arith.constant 8 : i32
      %mul3A_215 = arith.constant 8 : i32
      %mul3A_216 = arith.muli %scan3A_157, %mul3A_215 : i32
      %add3A_217 = arith.addi %mul3A_79, %mul3A_216 : i32
      %dma_start3A_218 = arith.constant 0 : i32
      %dma_start3A_219 = arith.constant 0 : i32
      %dma_start3A_220 = arith.constant 0 : i32
      %dma_start3A_221 = tpu.memref_slice %arg14[%rem3A_158, %dma_start3A_218, %dma_start3A_219, %dma_start3A_220] : memref<2x8x8x128xf32, #tpu.memory_space<vmem>> -> memref<1x8x8x128xf32, #tpu.memory_space<vmem>>
      %dma_start3A_222 = tpu.memref_squeeze %dma_start3A_221 : memref<1x8x8x128xf32, #tpu.memory_space<vmem>> -> memref<8x8x128xf32, #tpu.memory_space<vmem>>
      %dma_start3A_223 = arith.constant 0 : i32
      %dma_start3A_224 = arith.constant 0 : i32
      %dma_start3A_225 = tpu.memref_slice %arg12[%dma_start3A_223, %add3A_217, %dma_start3A_224] : memref<8x4096x128xf32, #tpu.memory_space<hbm>> -> memref<8x8x128xf32, #tpu.memory_space<hbm>>
      %dma_start3A_226 = arith.constant 0 : i32
      %dma_start3A_227 = arith.constant 0 : i32
      %dma_start3A_228 = tpu.memref_slice %arg12[%dma_start3A_226, %add3A_217, %dma_start3A_227] : memref<8x4096x128xf32, #tpu.memory_space<hbm>> -> memref<8x8x128xf32, #tpu.memory_space<hbm>>
      %dma_start3A_229 = arith.constant 0 : i32
      %dma_start3A_230 = arith.constant 0 : i32
      %dma_start3A_231 = arith.constant 0 : i32
      %dma_start3A_232 = tpu.memref_slice %arg14[%rem3A_158, %dma_start3A_229, %dma_start3A_230, %dma_start3A_231] : memref<2x8x8x128xf32, #tpu.memory_space<vmem>> -> memref<1x8x8x128xf32, #tpu.memory_space<vmem>>
      %dma_start3A_233 = tpu.memref_squeeze %dma_start3A_232 : memref<1x8x8x128xf32, #tpu.memory_space<vmem>> -> memref<8x8x128xf32, #tpu.memory_space<vmem>>
      tpu.enqueue_dma source(%dma_start3A_233 : memref<8x8x128xf32, #tpu.memory_space<vmem>>) target(%dma_start3A_228 : memref<8x8x128xf32, #tpu.memory_space<hbm>>) target_semaphore(%arg17 : memref<!tpu.dma_semaphore, #tpu.memory_space<semaphore_mem>>)
    }
    %scan3A_119 = arith.constant 16 : i32
    %dma_wait3A = arith.constant 0 : i32
    %dma_wait3A_120 = arith.constant 0 : i32
    %dma_wait3A_121 = arith.constant 0 : i32
    %dma_wait3A_122 = arith.constant 0 : i32
    %dma_wait3A_123 = tpu.memref_slice %arg14[%dma_wait3A, %dma_wait3A_120, %dma_wait3A_121, %dma_wait3A_122] : memref<2x8x8x128xf32, #tpu.memory_space<vmem>> -> memref<1x8x8x128xf32, #tpu.memory_space<vmem>>
    %dma_wait3A_124 = tpu.memref_squeeze %dma_wait3A_123 : memref<1x8x8x128xf32, #tpu.memory_space<vmem>> -> memref<8x8x128xf32, #tpu.memory_space<vmem>>
    %dma_wait3A_125 = arith.constant 0 : i32
    %dma_wait3A_126 = arith.constant 0 : i32
    %dma_wait3A_127 = arith.constant 0 : i32
    %dma_wait3A_128 = tpu.memref_slice %arg12[%dma_wait3A_125, %dma_wait3A_126, %dma_wait3A_127] : memref<8x4096x128xf32, #tpu.memory_space<hbm>> -> memref<8x8x128xf32, #tpu.memory_space<hbm>>
    %dma_wait3A_129 = arith.constant 0 : i32
    %dma_wait3A_130 = arith.constant 0 : i32
    %dma_wait3A_131 = arith.constant 0 : i32
    %dma_wait3A_132 = tpu.memref_slice %arg12[%dma_wait3A_129, %dma_wait3A_130, %dma_wait3A_131] : memref<8x4096x128xf32, #tpu.memory_space<hbm>> -> memref<8x8x128xf32, #tpu.memory_space<hbm>>
    %dma_wait3A_133 = arith.constant 0 : i32
    %dma_wait3A_134 = arith.constant 0 : i32
    %dma_wait3A_135 = arith.constant 0 : i32
    %dma_wait3A_136 = tpu.memref_slice %arg14[%dma_wait3A, %dma_wait3A_133, %dma_wait3A_134, %dma_wait3A_135] : memref<2x8x8x128xf32, #tpu.memory_space<vmem>> -> memref<1x8x8x128xf32, #tpu.memory_space<vmem>>
    %dma_wait3A_137 = tpu.memref_squeeze %dma_wait3A_136 : memref<1x8x8x128xf32, #tpu.memory_space<vmem>> -> memref<8x8x128xf32, #tpu.memory_space<vmem>>
    tpu.wait_dma2 semaphore(%arg17 : memref<!tpu.dma_semaphore, #tpu.memory_space<semaphore_mem>>) src(%dma_wait3A_137 : memref<8x8x128xf32, #tpu.memory_space<vmem>>) dst(%dma_wait3A_132 : memref<8x8x128xf32, #tpu.memory_space<hbm>>)
    %dma_wait3A_138 = arith.constant 1 : i32
    %dma_wait3A_139 = arith.constant 0 : i32
    %dma_wait3A_140 = arith.constant 0 : i32
    %dma_wait3A_141 = arith.constant 0 : i32
    %dma_wait3A_142 = tpu.memref_slice %arg14[%dma_wait3A_138, %dma_wait3A_139, %dma_wait3A_140, %dma_wait3A_141] : memref<2x8x8x128xf32, #tpu.memory_space<vmem>> -> memref<1x8x8x128xf32, #tpu.memory_space<vmem>>
    %dma_wait3A_143 = tpu.memref_squeeze %dma_wait3A_142 : memref<1x8x8x128xf32, #tpu.memory_space<vmem>> -> memref<8x8x128xf32, #tpu.memory_space<vmem>>
    %dma_wait3A_144 = arith.constant 0 : i32
    %dma_wait3A_145 = arith.constant 0 : i32
    %dma_wait3A_146 = arith.constant 0 : i32
    %dma_wait3A_147 = tpu.memref_slice %arg12[%dma_wait3A_144, %dma_wait3A_145, %dma_wait3A_146] : memref<8x4096x128xf32, #tpu.memory_space<hbm>> -> memref<8x8x128xf32, #tpu.memory_space<hbm>>
    %dma_wait3A_148 = arith.constant 0 : i32
    %dma_wait3A_149 = arith.constant 0 : i32
    %dma_wait3A_150 = arith.constant 0 : i32
    %dma_wait3A_151 = tpu.memref_slice %arg12[%dma_wait3A_148, %dma_wait3A_149, %dma_wait3A_150] : memref<8x4096x128xf32, #tpu.memory_space<hbm>> -> memref<8x8x128xf32, #tpu.memory_space<hbm>>
    %dma_wait3A_152 = arith.constant 0 : i32
    %dma_wait3A_153 = arith.constant 0 : i32
    %dma_wait3A_154 = arith.constant 0 : i32
    %dma_wait3A_155 = tpu.memref_slice %arg14[%dma_wait3A_138, %dma_wait3A_152, %dma_wait3A_153, %dma_wait3A_154] : memref<2x8x8x128xf32, #tpu.memory_space<vmem>> -> memref<1x8x8x128xf32, #tpu.memory_space<vmem>>
    %dma_wait3A_156 = tpu.memref_squeeze %dma_wait3A_155 : memref<1x8x8x128xf32, #tpu.memory_space<vmem>> -> memref<8x8x128xf32, #tpu.memory_space<vmem>>
    tpu.wait_dma2 semaphore(%arg17 : memref<!tpu.dma_semaphore, #tpu.memory_space<semaphore_mem>>) src(%dma_wait3A_156 : memref<8x8x128xf32, #tpu.memory_space<vmem>>) dst(%dma_wait3A_151 : memref<8x8x128xf32, #tpu.memory_space<hbm>>)
    return
  }
}

module attributes {stable_mosaic.version = 14 : i64} {
  func.func @_mm_body(%arg0: i32, %arg1: memref<8x32xf32, #tpu.memory_space<vmem>>, %arg2: memref<8x128x128xf32, #tpu.memory_space<vmem>>, %arg3: memref<32x16384xf32, #tpu.memory_space<vmem>>) attributes {dimension_semantics = [#tpu.dimension_semantics<arbitrary>], iteration_bounds = array<i64: 32>, scalar_prefetch = 0 : i64, scratch_operands = 0 : i64, tpu.core_type = #tpu.core_type<tc>, window_params = [{pipeline_mode = #tpu.pipeline_mode<synchronous>, transform_indices = @transform_0, window_bounds = array<i64: 8, 32>}, {transform_indices = @transform_1, window_bounds = array<i64: 8, 128, 128>}, {transform_indices = @transform_2, window_bounds = array<i64: 32, 16384>}]} {
    %get3A = arith.constant 0 : index
    %get3A_0 = arith.constant 0 : index
    %get3A_1 = arith.constant 0 : index
    %get3A_2 = vector.load %arg2[%get3A, %get3A_0, %get3A_1] : memref<8x128x128xf32, #tpu.memory_space<vmem>>, vector<8x128x128xf32>
    %reshape3A = vector.shape_cast %get3A_2 : vector<8x128x128xf32> to vector<8x16384xf32>
    %get3A_3 = arith.constant 0 : index
    %get3A_4 = arith.constant 0 : index
    %get3A_5 = vector.load %arg1[%get3A_3, %get3A_4] : memref<8x32xf32, #tpu.memory_space<vmem>>, vector<8x32xf32>
    %dot_general3A = arith.constant dense<0.000000e+00> : vector<32x16384xf32>
    %dot_general3A_6 = tpu.matmul %get3A_5, %reshape3A, %dot_general3A {dimension_numbers = #tpu.dot_dimension_numbers<[0], [0], [1], [1], [0, 1, 1, 1], [], []>, transpose_lhs_hint = false} : vector<8x32xf32>, vector<8x16384xf32>, vector<32x16384xf32> -> vector<32x16384xf32>
    %swap3A = arith.constant 0 : index
    %swap3A_7 = arith.constant 0 : index
    %swap3A_8 = vector.load %arg3[%swap3A, %swap3A_7] : memref<32x16384xf32, #tpu.memory_space<vmem>>, vector<32x16384xf32>
    tpu.vector_store %arg3[%swap3A, %swap3A_7], %dot_general3A_6 {strides = array<i32>} : memref<32x16384xf32, #tpu.memory_space<vmem>>, vector<32x16384xf32>,
    return
  }
  func.func @transform_0(%arg0: i32) -> (i32, i32) {
    %c0_i32 = arith.constant 0 : i32
    %c0_i32_0 = arith.constant 0 : i32
    %c0_i32_1 = arith.constant 0 : i32
    return %c0_i32, %c0_i32_0 : i32, i32
  }
  func.func @transform_1(%arg0: i32) -> (i32, i32, i32) {
    %c0_i32 = arith.constant 0 : i32
    %c0_i32_0 = arith.constant 0 : i32
    %c0_i32_1 = arith.constant 0 : i32
    return %c0_i32, %arg0, %c0_i32_0 : i32, i32, i32
  }
  func.func @transform_2(%arg0: i32) -> (i32, i32) {
    %c0_i32 = arith.constant 0 : i32
    %c0_i32_0 = arith.constant 0 : i32
    return %c0_i32, %arg0 : i32, i32
  }
}

module attributes {stable_mosaic.version = 14 : i64} {
  func.func @_mm_body(%arg0: i32, %arg1: memref<8x32xf32, #tpu.memory_space<vmem>>, %arg2: memref<8x128x128xf32, #tpu.memory_space<vmem>>, %arg3: memref<32x1048576xf32, #tpu.memory_space<hbm>>, %arg4: memref<32x16384xf32, #tpu.memory_space<vmem>>) attributes {dimension_semantics = [#tpu.dimension_semantics<arbitrary>], iteration_bounds = array<i64: 32>, scalar_prefetch = 0 : i64, scratch_operands = 0 : i64, tpu.core_type = #tpu.core_type<tc>, window_params = [{pipeline_mode = #tpu.pipeline_mode<synchronous>, transform_indices = @transform_0, window_bounds = array<i64: 8, 32>}, {transform_indices = @transform_1, window_bounds = array<i64: 8, 128, 128>}, {}, {transform_indices = @transform_3, window_bounds = array<i64: 32, 16384>}]} {
    %get3A = arith.constant 0 : index
    %get3A_0 = arith.constant 0 : index
    %get3A_1 = arith.constant 0 : index
    %get3A_2 = vector.load %arg2[%get3A, %get3A_0, %get3A_1] : memref<8x128x128xf32, #tpu.memory_space<vmem>>, vector<8x128x128xf32>
    %reshape3A = vector.shape_cast %get3A_2 : vector<8x128x128xf32> to vector<8x16384xf32>
    %get3A_3 = arith.constant 0 : index
    %get3A_4 = arith.constant 0 : index
    %get3A_5 = vector.load %arg1[%get3A_3, %get3A_4] : memref<8x32xf32, #tpu.memory_space<vmem>>, vector<8x32xf32>
    %dot_general3A = arith.constant dense<0.000000e+00> : vector<32x16384xf32>
    %dot_general3A_6 = tpu.matmul %get3A_5, %reshape3A, %dot_general3A {dimension_numbers = #tpu.dot_dimension_numbers<[0], [0], [1], [1], [0, 1, 1, 1], [], []>, transpose_lhs_hint = false} : vector<8x32xf32>, vector<8x16384xf32>, vector<32x16384xf32> -> vector<32x16384xf32>
    %swap3A = arith.constant 0 : index
    %swap3A_7 = arith.constant 0 : index
    %swap3A_8 = vector.load %arg4[%swap3A, %swap3A_7] : memref<32x16384xf32, #tpu.memory_space<vmem>>, vector<32x16384xf32>
    tpu.vector_store %arg4[%swap3A, %swap3A_7], %dot_general3A_6 {strides = array<i32>} : memref<32x16384xf32, #tpu.memory_space<vmem>>, vector<32x16384xf32>,
    return
  }
  func.func @transform_0(%arg0: i32) -> (i32, i32) {
    %c0_i32 = arith.constant 0 : i32
    %c0_i32_0 = arith.constant 0 : i32
    %c0_i32_1 = arith.constant 0 : i32
    return %c0_i32, %c0_i32_0 : i32, i32
  }
  func.func @transform_1(%arg0: i32) -> (i32, i32, i32) {
    %c0_i32 = arith.constant 0 : i32
    %c0_i32_0 = arith.constant 0 : i32
    %c0_i32_1 = arith.constant 0 : i32
    return %c0_i32, %arg0, %c0_i32_0 : i32, i32, i32
  }
  func.func @transform_3(%arg0: i32) -> (i32, i32) {
    %add3A = arith.constant 32 : i32
    %add3A_0 = arith.addi %arg0, %add3A : i32
    %c0_i32 = arith.constant 0 : i32
    %c0_i32_1 = arith.constant 0 : i32
    return %c0_i32, %add3A_0 : i32, i32
  }
}

</mosaic_0001>

<sc_bundles>
// kernel: kernel.6.cloned.1.call-start
scs
__scs_entry_jumppad:
0x0: {  	(pc) =	sbr.rel $0x88, $3  }
0x1: {  	(tag) =	ssettag $0x0;
	lr =	simm.s32 $0x1  }
0x2: {  	[smem:$0x3F9D] =	sst lr;
	_ =	strace $0xD0000000  }
0x3: {  	_ = 	snop  }
0x4: {  	_ = 	snop  }
0x5: {  	_ = 	snop  }
0x6: {  	_ = 	snop  }
0x7: {  	_ = 	snop  }
__scs_overlays_trampoline_lowered:
0x8: {  	[smem:$0x3FAC] =	sst s0  }
0x9: {  	[smem:$0x3FAD] =	sst s1  }
0xa: {  	[smem:$0x3FAE] =	sst s2  }
0xb: {  	[smem:$0x3FAF] =	sst s3  }
0xc: {  	[smem:$0x3FB0] =	sst s4  }
0xd: {  	[smem:$0x3FB1] =	sst s5  }
0xe: {  	[smem:$0x3FB2] =	sst s6  }
0xf: {  	[smem:$0x3FB3] =	sst s7  }
0x10: {  	[smem:$0x3FB4] =	sst s8  }
0x11: {  	[smem:$0x3FB5] =	sst s9;
	s0 =	simm.s32 @!p0 $0x0  }
0x12: {  	s1 =	sld [smem:$0x3F9B];
	s0 =	simm.s32 @p0 $0x1  }
0x13: {  	[smem:$0x3FB6] =	sst s0;
	s0 =	simm.s32 @!p1 $0x0  }
0x14: {  	s2 =	sld [smem:$0x3F9A];
	s0 =	simm.s32 @p1 $0x1  }
0x15: {  	[smem:$0x3FB7] =	sst s0;
	s0 =	simm.s32 @!p2 $0x0  }
0x16: {  	s3 =	sld [smem:$0x3FDB];
	s0 =	simm.s32 @p2 $0x1  }
0x17: {  	s4 =	simm.s32 $0x1BF5;
	[smem:$0x3FB9] =	sst s0  }
0x18: {  	s0 =	sld [smem:$0x3F9C];
	_ =	swait.ge [sflag:s4], $0x0  }
0x19: {  	s7 =	sld [smem:$0x3F9D]  }
0x1a: {  	s8 =	sadd.s32 $0xFFFFE003, lr  }
0x1b: {  	s9 =	sadd.s32 $0xFFFFFEF7, lr;
	s5 =	simm.s32 $0xFFFFFFFF;
	p2 =	slt.u32 s8, $0xFFFFF086  }
0x1c: {  	p1 =	slt.u32 s9, $0xF7A;
	s5 =	simm.s32 @!p2 $0x0  }
0x1d: {  	s5 =	simm.s32 @p1 $0x1;
	p0 =	seq.s32 s7, s2  }
0x1e: {  	s7 =	smul.u32 @!p0 $0xF7A, s2;
	p2 =	seq.s32 @!p0 s5, $0x0  }
0x1f: {  	s9 =	smul.u32 $0xF7A, s1;
	s8 =	simm.s32 @!p0 $0x1BF5;
	p2 =	por !p2, p0  }
0x20: {  	[sflag:s8] =	ssyncset.s32 @!p0 $0xFFFFF086;
	s6 =	sadd.s32 @!p0 s3, s7;
	s7 =	simm.s32 @!p0 $0x108  }
0x21: {  	s3 =	sadd.s32 s3, s9;
	s6 =	sadd.s32 @!p0 $0x88, s6;
	s7 =	simm.s32 @p2 $0x1082  }
0x22: {  	[simem:s7], [sflag:s8] =	dma.local @!p0 [hbm:s6], $0xF7A  }
0x23: {  	s9 =	sor.u32 $0xD0000000, s2;
	s6 =	simm.s32 $0x108;
	_ =	swait.ge @!p0 [sflag:s8], $0x0  }
0x24: {  	s3 =	sadd.s32 $0x88, s3;
	s6 =	simm.s32 @!p1 $0x1082;
	[sflag:s4] =	ssyncset.s32 $0xFFFFF086  }
0x25: {  	[simem:s6], [sflag:s4] =	dma.local [hbm:s3], $0xF7A  }
0x26: {  	[smem:$0x3F9D] =	sst s1;
	(tag) =	ssettag s2;
	_ =	strace s9  }
0x27: {  	s1 =	sld [smem:$0x3FAD]  }
0x28: {  	s2 =	sld [smem:$0x3FAE]  }
0x29: {  	s4 =	sld [smem:$0x3FB0]  }
0x2a: {  	p0 =	seq.s32 s5, $0x0;
	s5 =	sld [smem:$0x3FB1]  }
0x2b: {  	s6 =	sld [smem:$0x3FB2]  }
0x2c: {  	s7 =	sld [smem:$0x3FB3]  }
0x2d: {  	s3 =	simm.s32 $0x108;
	s8 =	sld [smem:$0x3FB4]  }
0x2e: {  	s3 =	simm.s32 @!p0 $0x1082;
	s9 =	sld [smem:$0x3FB5]  }
0x2f: {  	lr =	sadd.s32 s0, s3;
	s0 =	sld [smem:$0x3FAC]  }
0x30: {  	s3 =	sld [smem:$0x3FAF]  }
0x31: {  	[smem:$0x3FB8] =	sst s10  }
0x32: {  	s10 =	sld [smem:$0x3FB6];
	_ =	sdelay $0x3  }
0x33: {  	p0 =	seq.s32 s10, $0x1;
	s10 =	sld [smem:$0x3FB8];
	_ =	sdelay $0x3  }
0x34: {  	[smem:$0x3FB8] =	sst s10  }
0x35: {  	s10 =	sld [smem:$0x3FB7];
	_ =	sdelay $0x3  }
0x36: {  	p1 =	seq.s32 s10, $0x1;
	s10 =	sld [smem:$0x3FB8];
	_ =	sdelay $0x3  }
0x37: {  	[smem:$0x3FB8] =	sst s10  }
0x38: {  	s10 =	sld [smem:$0x3FB9]  }
0x39: {  	_ = 	snop;
	(pc) =	sbr.ind lr, $3  }
0x3a: {  	_ = 	snop  }
0x3b: {  	_ = 	snop  }
0x3c: {  	p2 =	seq.s32 s10, $0x1;
	s10 =	sld [smem:$0x3FB8]  }
0x3d: {  	_ =	shalt  }
0x3e: {  	_ =	shalt  }
0x3f: {  	_ =	shalt  }
0x40: {  	_ =	shalt  }
0x41: {  	_ =	shalt  }
0x42: {  	_ =	shalt  }
0x43: {  	_ =	shalt  }
0x44: {  	_ =	shalt  }
0x45: {  	_ =	shalt  }
0x46: {  	_ =	shalt  }
0x47: {  	_ =	shalt  }
0x48: {  	_ =	shalt  }
0x49: {  	_ =	shalt  }
0x4a: {  	_ =	shalt  }
0x4b: {  	_ =	shalt  }
0x4c: {  	_ =	shalt  }
0x4d: {  	_ =	shalt  }
0x4e: {  	_ =	shalt  }
0x4f: {  	_ =	shalt  }
0x50: {  	_ =	shalt  }
0x51: {  	_ =	shalt  }
0x52: {  	_ =	shalt  }
0x53: {  	_ =	shalt  }
0x54: {  	_ =	shalt  }
0x55: {  	_ =	shalt  }
0x56: {  	_ =	shalt  }
0x57: {  	_ =	shalt  }
0x58: {  	_ =	shalt  }
0x59: {  	_ =	shalt  }
0x5a: {  	_ =	shalt  }
0x5b: {  	_ =	shalt  }
0x5c: {  	_ =	shalt  }
0x5d: {  	_ =	shalt  }
0x5e: {  	_ =	shalt  }
0x5f: {  	_ =	shalt  }
0x60: {  	_ =	shalt  }
0x61: {  	_ =	shalt  }
0x62: {  	_ =	shalt  }
0x63: {  	_ =	shalt  }
0x64: {  	_ =	shalt  }
0x65: {  	_ =	shalt  }
0x66: {  	_ =	shalt  }
0x67: {  	_ =	shalt  }
0x68: {  	_ =	shalt  }
0x69: {  	_ =	shalt  }
0x6a: {  	_ =	shalt  }
0x6b: {  	_ =	shalt  }
0x6c: {  	_ =	shalt  }
0x6d: {  	_ =	shalt  }
0x6e: {  	_ =	shalt  }
0x6f: {  	_ =	shalt  }
0x70: {  	_ =	shalt  }
0x71: {  	_ =	shalt  }
0x72: {  	_ =	shalt  }
0x73: {  	_ =	shalt  }
0x74: {  	_ =	shalt  }
0x75: {  	_ =	shalt  }
0x76: {  	_ =	shalt  }
0x77: {  	_ =	shalt  }
0x78: {  	_ =	shalt  }
0x79: {  	_ =	shalt  }
0x7a: {  	_ =	shalt  }
0x7b: {  	_ =	shalt  }
0x7c: {  	_ =	shalt  }
0x7d: {  	_ =	shalt  }
0x7e: {  	_ =	shalt  }
0x7f: {  	_ =	shalt  }
0x80: {  	_ =	shalt  }
0x81: {  	_ =	shalt  }
0x82: {  	_ =	shalt  }
0x83: {  	_ =	shalt  }
0x84: {  	_ =	shalt  }
0x85: {  	_ =	shalt  }
0x86: {  	_ =	shalt  }
0x87: {  	_ =	shalt  }
.Lfunc_end0:
.L_simem_size_0:
called_computation_lowered:
.L_overlay_start_0:
0x88: {  	s2 =	sld [smem:$0x3FD9]  }
0x89: {  	s3 =	sld [smem:$0x3FFE];
	_ =	sdelay $0x1  }
0x8a: {  	s1 =	srdreg.scid  }
0x8b: {  	s0 =	sand.u32 $0x1, s1  }
0x8c: {  	s17 =	sshll.u32 s0, $0xA;
	s2 =	sadd.s32 s3, s2  }
0x8d: {  	s2 =	sadd.s32 s2, s17  }
0x8e: {  	[smem:$0x3FC4] =	sst s2  }
0x8f: {  	_ = 	snop  }
0x90: {  	s2 =	sld [smem:$0x3FD0];
	(tm) =	ssettm $0x1  }
0x91: {  	s18 =	sld [smem:$0x3FFB];
	_ =	sdelay $0x3  }
0x92: {  	_ =	strace s18  }
0x93: {  	s3 =	sld [smem:$0x3FFC];
	_ =	sdelay $0x3  }
0x94: {  	_ =	strace s3  }
0x95: {  	s3 =	sld [smem:$0x3FFD];
	_ =	sdelay $0x3  }
0x96: {  	_ =	strace s3  }
0x97: {  	_ =	strace $0x8FFFFFFF  }
0x98: {  	s19 =	sld [smem:$0x3FDB];
	_ =	sdelay $0x1  }
0x99: {  	s4 =	simm.s32 $_scs_section_size  }
0x9a: {  	s5 =	simm.s32 $_size__tile_overlayer_lowered;
	s6 =	simm.s32 $_tile_overlayer_lowered  }
0x9b: {  	s22 =	simm.s32 $0x1BFF;
	s21 =	sshll.u32 s6, $0x1;
	s3 =	sadd.s32 s4, s19  }
0x9c: {  	s7 =	simm.s32 $0x0;
	s20 =	sshll.u32 s5, $0x1;
	s5 =	sadd.s32 s21, s3  }
0x9d: {  	[timem:s7], [sflag:s22] =	dma.local [hbm:s5], s20  }
0x9e: {  	_ =	swait.ge [sflag:s22], s20  }
0x9f: {  	s4 =	ssub.s32 $0x0, s20;
	[sflag:s22] =	ssyncset.done $0x0  }
0xa0: {  	[sflag:s22] =	ssyncadd.s32 s4;
	_ =	sdelay $0x1  }
0xa1: {  	s23 =	simm.s32 $0x1B8B  }
0xa2: {  	_ =	swait.ge [sflag:s23], $0x1  }
0xa3: {  	[sflag:s23] =	ssyncset.done $0x0  }
0xa4: {  	s25 =	simm.s32 $0x1B8E;
	s24 =	sld [smem:$0x3FFE];
	[sflag:s23] =	ssyncadd.s32 $0xFFFFFFFF  }
0xa5: {  	s26 =	simm.s32 $execute0_lowered;
	[smem:$0x3FD2] =	sst s25  }
0xa6: {  	s5 =	sshll.u32 s26, $0x1;
	_ =	strace $0x80000046;
	[dreg:$0x1] =	wrdreg $0xFFFFFFFF  }
0xa7: {  	s28 =	simm.s32 $_size_execute0_lowered;
	s3 =	sadd.s32 s3, s5;
	[dreg:$0x0] =	wrdreg $0x0  }
0xa8: {  	s5 =	sshll.u32 s28, $0x1;
	[dreg:$0x2] =	wrdreg s3  }
0xa9: {  	[dreg:$0x3] =	wrdreg s5  }
0xaa: {  	[dreg:$0x4] =	wrdreg $0xC0  }
0xab: {  	_ =	task [dreg:s7], $0x5FFFF  }
0xac: {  	[dreg:$0x1] =	wrdreg $0xFFFFFFFF  }
0xad: {  	[dreg:$0x0] =	wrdreg $0x60  }
0xae: {  	[dreg:$0x2] =	wrdreg s24  }
0xaf: {  	[dreg:$0x3] =	wrdreg s2  }
0xb0: {  	[dreg:$0x4] =	wrdreg $0x80000  }
0xb1: {  	[dreg:$0x5] =	wrdreg $0x90000  }
0xb2: {  	[dreg:$0x6] =	wrdreg $0xA0000  }
0xb3: {  	[dreg:$0x7] =	wrdreg $0xB0000  }
0xb4: {  	[dreg:$0x8] =	wrdreg $0xC0000  }
0xb5: {  	[dreg:$0x9] =	wrdreg $0x100000  }
0xb6: {  	[dreg:$0xa] =	wrdreg $0x140000  }
0xb7: {  	[dreg:$0xb] =	wrdreg $0x180000  }
0xb8: {  	[dreg:$0xc] =	wrdreg $0x9  }
0xb9: {  	_ =	task.clear_ibuf [dreg:s7], $0xDFFFF;
	_ =	strace $0x90000046  }
0xba: {  	s29 =	simm.s32 $0x9;
	_ =	strace $0x80000048  }
0xbb: {  	_ =	swait.ge [sflag:s29], $0x1  }
0xbc: {  	[sflag:s29] =	ssyncadd.s32 $0xFFFFFFFF  }
0xbd: {  	_ =	strace $0x90000048  }
0xbe: {  	_ =	sfence  }
0xbf: {  	s30 =	sld [smem:$0x0];
	_ =	sdelay $0x2  }
0xc0: {  	s31 =	sshll.u32 s1, $0xD;
	s1 =	sshrl.u32 s1, $0x2  }
0xc1: {  	s3 =	sand.u32 $0x4000, s31;
	s1 =	sadd.s32 s1, s30  }
0xc2: {  	s0 =	sor.u32 s3, s0;
	s1 =	sshll.u32 s1, $0x11  }
0xc3: {  	s0 =	sor.u32 s1, s0  }
0xc4: {  	s0 =	sadd.s32 $0x8F2B, s0  }
0xc5: {  	[sflag:s0] =	ssyncadd.remote.s32 $0x1  }
0xc6: {  	_ =	sfence.sel $0xFFFF  }
0xc7: {  	[dreg:$0x0] =	wrdreg $0xFFFFFFFF;
	(pc) =	sbr.abs _section_cstart, $3  }
0xc8: {  	[dreg:$0x1] =	wrdreg $0xFFFFFFFF  }
0xc9: {  	_ =	task.clear_ibuf [dreg:s7], $0x2FFFF;
	_ =	strace $0x9FFFFFFF  }
0xca: {  	(tm) =	ssettm $0x7FFFFFFF  }
0xcb: {  	_ =	shalt  }
tec
execute0_lowered:
.L_overlay_start_1:
0x0: {  	(tag) =	ssettag $0x1  }
0x1: {  	s15 =	stileid.u32  }
0x2: {  	p0 =	sgt.s32 s15, $0x3  }
0x3: {  	p4 =	sgt.s32 @p0 s15, $0x5  }
0x4: {  	p1 =	por !p4, !p0  }
0x5: {  	p2 =	seq.s32 @!p1 s15, $0x6  }
0x6: {  	p1 =	por @p0 !p2, !p4  }
0x7: {  	s3 =	simm.s32 @!p1 $0x0  }
0x8: {  	p3 =	por p4, !p0;
	s3 =	simm.s32 @p1 $0x1;
	p1 =	por @p0 p2, !p4  }
0x9: {  	p5 =	seq.s32 @!p3 s15, $0x4;
	[smem:$0x7DF] =	sst s3;
	s3 =	simm.s32 @!p1 $0x0  }
0xa: {  	p6 =	sgt.s32 @!p0 s15, $0x1;
	s3 =	simm.s32 @p1 $0x1;
	p1 =	por @p0 !p5, p4  }
0xb: {  	p4 =	por @p0 p5, p4;
	p5 =	por !p6, p0;
	s6 =	sld [smem:$0x7DF]  }
0xc: {  	[smem:$0x7E0] =	sst s3;
	s3 =	simm.s32 @!p1 $0x0;
	p5 =	seq.s32 @!p5 s15, $0x2  }
0xd: {  	s3 =	simm.s32 @p1 $0x1;
	p1 =	por p6, p0;
	p3 =	por @!p0 !p5, !p6  }
0xe: {  	p5 =	por @!p0 p5, !p6;
	s10 =	sld [smem:$0x7E0];
	p1 =	seq.s32 @!p1 s15, $0x0  }
0xf: {  	p2 =	por @!p0 !p1, p6;
	p1 =	por @!p0 p1, p6;
	p6 =	seq.s32 s6, $0x1  }
0x10: {  	p6 =	por p6, !p0  }
0x11: {  	[smem:$0x7E2] =	sst s3;
	s6 =	simm.s32 @!p6 $0x0  }
0x12: {  	s11 =	sld [smem:$0x7E2];
	s6 =	simm.s32 @p6 $0x1;
	p6 =	seq.s32 s10, $0x1  }
0x13: {  	p6 =	por p6, !p0  }
0x14: {  	[smem:$0x7EF] =	sst s6;
	s6 =	simm.s32 @!p6 $0x0  }
0x15: {  	s6 =	simm.s32 @p6 $0x1;
	p6 =	seq.s32 s11, $0x1  }
0x16: {  	p6 =	por p6, !p0  }
0x17: {  	p4 =	por p4, !p0;
	[smem:$0x7E1] =	sst s6;
	s6 =	simm.s32 @!p6 $0x0  }
0x18: {  	p3 =	por p3, p0;
	p5 =	por p5, p0;
	s6 =	simm.s32 @p6 $0x1  }
0x19: {  	p6 =	por p2, p0;
	p2 =	sgt.s32 s15, $0xB;
	p0 =	por p1, p0  }
0x1a: {  	[smem:$0x7E3] =	sst s6;
	s6 =	simm.s32 @!p4 $0x0;
	p1 =	sgt.s32 @p2 s15, $0xD  }
0x1b: {  	s6 =	simm.s32 @p4 $0x1;
	p4 =	por p1, !p2  }
0x1c: {  	p4 =	seq.s32 @!p4 s15, $0xC  }
0x1d: {  	[smem:$0x7F0] =	sst s6;
	s6 =	simm.s32 @!p3 $0x0;
	s9 =	simm.s32 @!p4 $0x0  }
0x1e: {  	s6 =	simm.s32 @p3 $0x1;
	p3 =	por !p1, !p2;
	s9 =	simm.s32 @p4 $0x1  }
0x1f: {  	p3 =	seq.s32 @!p3 s15, $0xE;
	[smem:$0x7E5] =	sst s9  }
0x20: {  	p4 =	por @p2 !p3, !p1;
	s12 =	sld [smem:$0x7E5]  }
0x21: {  	s0 =	rddreg [dreg:$0x0];
	s9 =	simm.s32 @!p4 $0x0  }
0x22: {  	s1 =	rddreg [dreg:$0x1];
	p3 =	por @p2 p3, !p1;
	s9 =	simm.s32 @p4 $0x1  }
0x23: {  	[smem:$0x7E7] =	sst s9;
	s9 =	simm.s32 @!p3 $0x0;
	p4 =	seq.s32 s12, $0x1  }
0x24: {  	s2 =	rddreg [dreg:$0x2];
	s9 =	simm.s32 @p3 $0x1;
	p3 =	por @p2 !p4, p1  }
0x25: {  	[smem:$0x7E8] =	sst s9;
	s9 =	simm.s32 @!p3 $0x0  }
0x26: {  	s4 =	rddreg [dreg:$0x4];
	p1 =	por @p2 p4, p1;
	s9 =	simm.s32 @p3 $0x1  }
0x27: {  	[smem:$0x7E9] =	sst s9;
	s9 =	simm.s32 @!p1 $0x0  }
0x28: {  	s5 =	rddreg [dreg:$0x5];
	s9 =	simm.s32 @p1 $0x1;
	p1 =	sgt.s32 @!p2 s15, $0x9  }
0x29: {  	s7 =	rddreg [dreg:$0x7];
	p3 =	por p1, p2  }
0x2a: {  	s8 =	rddreg [dreg:$0x8];
	p3 =	seq.s32 @!p3 s15, $0x8  }
0x2b: {  	[smem:$0x7EA] =	sst s9;
	s9 =	simm.s32 @!p3 $0x0  }
0x2c: {  	s3 =	rddreg [dreg:$0x3];
	p4 =	por !p1, p2;
	s9 =	simm.s32 @p3 $0x1  }
0x2d: {  	p4 =	seq.s32 @!p4 s15, $0xA;
	[smem:$0x7E6] =	sst s9  }
0x2e: {  	p3 =	por @!p2 !p4, !p1;
	s13 =	sld [smem:$0x7E6]  }
0x2f: {  	s10 =	rddreg [dreg:$0x9];
	s9 =	simm.s32 @!p3 $0x0  }
0x30: {  	s14 =	sld [smem:$0x7E7];
	s9 =	simm.s32 @p3 $0x1;
	p3 =	por @!p2 p4, !p1  }
0x31: {  	[smem:$0x7EB] =	sst s9;
	s9 =	simm.s32 @!p3 $0x0;
	p4 =	seq.s32 s13, $0x1  }
0x32: {  	s16 =	sld [smem:$0x7E8];
	s9 =	simm.s32 @p3 $0x1;
	p3 =	por @!p2 !p4, p1  }
0x33: {  	[smem:$0x7EC] =	sst s9;
	s9 =	simm.s32 @!p3 $0x0  }
0x34: {  	s17 =	sld [smem:$0x7E9];
	p1 =	por @!p2 p4, p1;
	s9 =	simm.s32 @p3 $0x1  }
0x35: {  	p4 =	seq.s32 s14, $0x1;
	[smem:$0x7ED] =	sst s9;
	s9 =	simm.s32 @!p1 $0x0  }
0x36: {  	s19 =	sld [smem:$0x7EB];
	s9 =	simm.s32 @p1 $0x1;
	p1 =	por p4, !p2  }
0x37: {  	p3 =	seq.s32 s16, $0x1;
	[smem:$0x7EE] =	sst s9;
	s9 =	simm.s32 @!p1 $0x0  }
0x38: {  	s20 =	sld [smem:$0x7EC];
	s9 =	simm.s32 @p1 $0x1;
	p1 =	por p3, !p2  }
0x39: {  	p4 =	seq.s32 s17, $0x1;
	[smem:$0x7F1] =	sst s9;
	s9 =	simm.s32 @!p1 $0x0  }
0x3a: {  	s21 =	sld [smem:$0x7ED];
	s9 =	simm.s32 @p1 $0x1;
	p1 =	por p4, !p2  }
0x3b: {  	p4 =	seq.s32 s19, $0x1;
	[smem:$0x7F3] =	sst s9;
	s9 =	simm.s32 @!p1 $0x0  }
0x3c: {  	s9 =	simm.s32 @p1 $0x1;
	p1 =	por p4, p2;
	p4 =	seq.s32 s20, $0x1  }
0x3d: {  	s18 =	sld [smem:$0x7EA];
	p4 =	por p4, p2  }
0x3e: {  	s11 =	simm.s32 $0x0;
	[smem:$0x7F5] =	sst s9;
	s9 =	simm.s32 @!p4 $0x0  }
0x3f: {  	s22 =	sld [smem:$0x7EE];
	s9 =	simm.s32 @p4 $0x1;
	p4 =	seq.s32 s21, $0x1  }
0x40: {  	[smem:$0x7FF] =	sst s11;
	p4 =	por p4, p2  }
0x41: {  	[smem:$0x7F7] =	sst s9;
	s9 =	simm.s32 @!p4 $0x0  }
0x42: {  	p3 =	seq.s32 s18, $0x1;
	s9 =	simm.s32 @p4 $0x1;
	p4 =	seq.s32 s22, $0x1  }
0x43: {  	[smem:$0x7E4] =	sst s6;
	p3 =	por p3, !p2;
	p2 =	por p4, p2  }
0x44: {  	[smem:$0x7F9] =	sst s9;
	s9 =	simm.s32 @!p2 $0x0  }
0x45: {  	s6 =	rddreg [dreg:$0x6];
	s9 =	simm.s32 @p2 $0x1  }
0x46: {  	s23 =	sadd.s32 $0x7A00, s0;
	[smem:$0x7FB] =	sst s9  }
0x47: {  	s24 =	sadd.s32 $0x5A00, s0;
	_ =	strace $0x80000047;
	[dreg:$0xb] =	wrdreg s23  }
0x48: {  	s25 =	sadd.s32 $0x3A00, s0;
	[dreg:$0xc] =	wrdreg s24  }
0x49: {  	s12 =	sadd.s32 $0x1A00, s0;
	[dreg:$0xd] =	wrdreg s25  }
0x4a: {  	s31 =	sadd.s32 $0x21A00, s0;
	[dreg:$0xe] =	wrdreg s12  }
0x4b: {  	s13 =	sadd.s32 $0x19A00, s0;
	[dreg:$0xf] =	wrdreg s31  }
0x4c: {  	s14 =	sadd.s32 $0x11A00, s0;
	[dreg:$0x10] =	wrdreg s13  }
0x4d: {  	s19 =	sadd.s32 $0xEF60, s0;
	[dreg:$0x11] =	wrdreg s14  }
0x4e: {  	s26 =	srdreg.scid;
	s22 =	sadd.s32 $0xC4B0, s0;
	[dreg:$0x13] =	wrdreg s19  }
0x4f: {  	s9 =	sand.u32 $0x1, s26;
	s26 =	sadd.s32 $0x1C4B0, s0;
	[dreg:$0x14] =	wrdreg s22  }
0x50: {  	s13 =	sadd.s32 $0x9A00, s0;
	[dreg:$0x18] =	wrdreg s26  }
0x51: {  	s23 =	sadd.s32 $0x16F60, s0;
	[dreg:$0x12] =	wrdreg s13  }
0x52: {  	s24 =	sadd.s32 $0x144B0, s0;
	[dreg:$0x15] =	wrdreg s23  }
0x53: {  	s18 =	sshll.u32 s15, $0x8;
	s25 =	sadd.s32 $0x1EF60, s0;
	[dreg:$0x16] =	wrdreg s24  }
0x54: {  	s20 =	sadd.s32 $0x29A00, s0;
	s14 =	sadd.s32 $0x26F60, s0;
	[dreg:$0x17] =	wrdreg s25  }
0x55: {  	s21 =	sadd.s32 $0xA9A00, s0;
	s0 =	sadd.s32 $0x244B0, s0;
	[dreg:$0x19] =	wrdreg s14  }
0x56: {  	s16 =	ssub.s32 $0x2, s9;
	s9 =	sshll.u32 s9, $0x7;
	[dreg:$0x1a] =	wrdreg s0  }
0x57: {  	s13 =	sor.u32 s9, s18;
	s18 =	sld [smem:$0x7EF]  }
0x58: {  	s19 =	sld [smem:$0x7F0]  }
0x59: {  	s22 =	sld [smem:$0x7F1]  }
0x5a: {  	s23 =	sld [smem:$0x7F3]  }
0x5b: {  	s28 =	simm.s32 $0x2;
	s24 =	sld [smem:$0x7F5]  }
0x5c: {  	s29 =	simm.s32 $0x80;
	s17 =	sshrl.u32 s16, $0x1;
	s25 =	sld [smem:$0x7F7]  }
0x5d: {  	s26 =	sld [smem:$0x7F9];
	s12 =	ssub.s32 s16, s17;
	s31 =	sshll.u32 s13, $0x4  }
0x5e: {  	s14 =	sadd.s32 s20, s31;
	s16 =	sadd.s32 s21, s31;
	s31 =	sld [smem:$0x7FB]  }
0x5f: {  	s0 =	sshrl.u32 s13, $0x3;
	s13 =	sadd.s32 $0x2AB00, s6;
	[dreg:$0x1b] =	wrdreg s14  }
0x60: {  	[dreg:$0x1c] =	wrdreg s16;
	p2 =	seq.s32 s18, $0x1;
	s14 =	sadd.s32 $0x15580, s10  }
0x61: {  	s9 =	sshrl.u32 @!p2 s13, $0x3;
	s13 =	sadd.s32 $0x15580, s6;
	p2 =	seq.s32 s19, $0x1  }
0x62: {  	[dreg:$0x1e] =	wrdreg s9;
	s9 =	sshrl.u32 @!p2 s13, $0x3;
	p2 =	seq.s32 s22, $0x1  }
0x63: {  	s30 =	simm.s32 $0x3;
	[dreg:$0x1f] =	wrdreg s9;
	s9 =	sshrl.u32 @!p2 s14, $0x3  }
0x64: {  	s13 =	sadd.s32 $0x2AB00, s10;
	p2 =	seq.s32 s23, $0x1;
	[smem:$0x7F2] =	sst s9  }
0x65: {  	s9 =	sshrl.u32 @!p2 s13, $0x3;
	s13 =	sadd.s32 $0x2AB00, s8;
	p2 =	seq.s32 s24, $0x1  }
0x66: {  	s14 =	sadd.s32 $0x15580, s7;
	[smem:$0x7F4] =	sst s9;
	s9 =	sshrl.u32 @!p2 s13, $0x3  }
0x67: {  	s13 =	sadd.s32 $0x15580, s8;
	p2 =	seq.s32 s25, $0x1;
	[smem:$0x7F6] =	sst s9  }
0x68: {  	s9 =	sshrl.u32 @!p2 s13, $0x3;
	p2 =	seq.s32 s26, $0x1;
	s13 =	sadd.s32 $0x2AB00, s7  }
0x69: {  	[smem:$0x7F8] =	sst s9;
	s9 =	sshrl.u32 @!p2 s14, $0x3;
	p2 =	seq.s32 s31, $0x1  }
0x6a: {  	[smem:$0x7FA] =	sst s9;
	s9 =	sshrl.u32 @!p2 s13, $0x3;
	p2 =	sgt.s32 s15, $0x7  }
0x6b: {  	s17 =	smax.u32 s12, $0x1;
	[smem:$0x7FC] =	sst s9;
	s9 =	simm.s32 @!p2 $0x0  }
0x6c: {  	[dreg:$0x1d] =	wrdreg s17;
	s23 =	simm.s32 $0x400;
	s9 =	simm.s32 @p2 $0x1  }
0x6d: {  	s24 =	simm.s32 $0x80000;
	s26 =	simm.s32 $0x1;
	[smem:$0x7FD] =	sst s9  }
.LBB2_1:
0x6e: {  	s9 =	sld [smem:$0x7FD];
	_ =	sdelay $0x2  }
0x6f: {  	p2 =	seq.s32 s9, $0x1  }
.Ltmp0:
0x70: {  	_ = 	snop;
	(pc) =	sbr.rel @p2 .LBB2_3-.Ltmp0, $1  }
0x71: {  	_ =	sdelay $0x3  }
0x72: {  	s9 =	sld [smem:$0x7EF];
	_ =	sdelay $0x2  }
0x73: {  	s12 =	rddreg [dreg:$0x1e];
	p2 =	seq.s32 s9, $0x1  }
0x74: {  	s9 =	rddreg [dreg:$0x19];
	s13 =	simm.s32 @!p2 $0x1D84  }
0x75: {  	[spmem:s12], [sflag:s13] =	dma.local @!p2 [hbm:s9], $0x2AA0  }
0x76: {  	s13 =	simm.s32 @!p2 $0x4  }
0x77: {  	_ =	swait.ge @!p2 [sflag:s13], $0x2AA0  }
0x78: {  	s19 =	sld [smem:$0x7E1];
	_ =	sdelay $0x1  }
0x79: {  	[sflag:s13] =	ssyncset.done @!p2 $0x0  }
0x7a: {  	[sflag:s13] =	ssyncadd.s32 @!p2 $0xFFFFD560;
	p2 =	seq.s32 s19, $0x1  }
0x7b: {  	s9 =	rddreg [dreg:$0x10];
	s13 =	sshrl.u32 @!p2 s7, $0x3;
	s14 =	simm.s32 @!p2 $0x1DC4  }
0x7c: {  	[spmem:s13], [sflag:s14] =	dma.local @!p2 [hbm:s9], $0x2AB0  }
0x7d: {  	s13 =	simm.s32 @!p2 $0x4  }
0x7e: {  	_ =	swait.ge @!p2 [sflag:s13], $0x2AB0  }
0x7f: {  	s22 =	sld [smem:$0x7E3];
	_ =	sdelay $0x1  }
0x80: {  	[sflag:s13] =	ssyncset.done @!p2 $0x0  }
0x81: {  	[sflag:s13] =	ssyncadd.s32 @!p2 $0xFFFFD550;
	p2 =	seq.s32 s22, $0x1  }
0x82: {  	s9 =	rddreg [dreg:$0xf];
	s13 =	sshrl.u32 @!p2 s6, $0x3;
	s14 =	simm.s32 @!p2 $0x1D04  }
0x83: {  	[spmem:s13], [sflag:s14] =	dma.local @!p2 [hbm:s9], $0x2AB0  }
0x84: {  	s13 =	simm.s32 @!p2 $0x4  }
0x85: {  	_ =	swait.ge @!p2 [sflag:s13], $0x2AB0  }
0x86: {  	s25 =	sld [smem:$0x7F0];
	_ =	sdelay $0x1  }
0x87: {  	[sflag:s13] =	ssyncset.done @!p2 $0x0  }
0x88: {  	s9 =	rddreg [dreg:$0x1a];
	[sflag:s13] =	ssyncadd.s32 @!p2 $0xFFFFD550;
	p2 =	seq.s32 s25, $0x1  }
0x89: {  	s12 =	rddreg [dreg:$0x1f];
	s13 =	simm.s32 @!p2 $0x1D44  }
0x8a: {  	[spmem:s12], [sflag:s13] =	dma.local @!p2 [hbm:s9], $0x2AB0  }
0x8b: {  	s13 =	simm.s32 @!p2 $0x4  }
0x8c: {  	_ =	swait.ge @!p2 [sflag:s13], $0x2AB0  }
0x8d: {  	s31 =	sld [smem:$0x7E4];
	_ =	sdelay $0x1  }
0x8e: {  	[sflag:s13] =	ssyncset.done @!p2 $0x0  }
0x8f: {  	[sflag:s13] =	ssyncadd.s32 @!p2 $0xFFFFD550;
	p2 =	seq.s32 s31, $0x1  }
0x90: {  	s9 =	rddreg [dreg:$0xd];
	s13 =	sshrl.u32 @!p2 s4, $0x3;
	s14 =	simm.s32 @!p2 $0x1C84  }
0x91: {  	[spmem:s13], [sflag:s14] =	dma.local @!p2 [hbm:s9], $0x2000  }
0x92: {  	s13 =	simm.s32 @!p2 $0x4  }
0x93: {  	_ =	swait.ge @!p2 [sflag:s13], $0x2000  }
0x94: {  	s14 =	simm.s32 @!p5 $0x1CC4;
	[sflag:s13] =	ssyncset.done @!p2 $0x0  }
0x95: {  	s9 =	rddreg [dreg:$0xe];
	[sflag:s13] =	ssyncadd.s32 @!p2 $0xFFFFE000;
	s13 =	sshrl.u32 @!p5 s5, $0x3  }
0x96: {  	[spmem:s13], [sflag:s14] =	dma.local @!p5 [hbm:s9], $0x2000  }
0x97: {  	s13 =	simm.s32 @!p5 $0x4  }
0x98: {  	_ =	swait.ge @!p5 [sflag:s13], $0x2000  }
0x99: {  	s14 =	simm.s32 @!p6 $0x1C04;
	[sflag:s13] =	ssyncset.done @!p5 $0x0  }
0x9a: {  	s9 =	rddreg [dreg:$0xb];
	[sflag:s13] =	ssyncadd.s32 @!p5 $0xFFFFE000;
	s13 =	sshrl.u32 @!p6 s2, $0x3  }
0x9b: {  	[spmem:s13], [sflag:s14] =	dma.local @!p6 [hbm:s9], $0x2000  }
0x9c: {  	s13 =	simm.s32 @!p6 $0x4  }
0x9d: {  	_ =	swait.ge @!p6 [sflag:s13], $0x2000  }
0x9e: {  	s14 =	simm.s32 @!p0 $0x1C44;
	[sflag:s13] =	ssyncset.done @!p6 $0x0  }
0x9f: {  	s9 =	rddreg [dreg:$0xc];
	[sflag:s13] =	ssyncadd.s32 @!p6 $0xFFFFE000;
	s13 =	sshrl.u32 @!p0 s3, $0x3  }
0xa0: {  	[spmem:s13], [sflag:s14] =	dma.local @!p0 [hbm:s9], $0x2000  }
.Ltmp1:
0xa1: {  	_ = 	snop;
	(pc) =	sbr.rel .LBB2_4-.Ltmp1, $4  }
0xa2: {  	s13 =	simm.s32 @!p0 $0x4  }
0xa3: {  	_ =	swait.ge @!p0 [sflag:s13], $0x2000  }
0xa4: {  	[sflag:s13] =	ssyncset.done @!p0 $0x0  }
0xa5: {  	[sflag:s13] =	ssyncadd.s32 @!p0 $0xFFFFE000  }
.LBB2_3:
0xa6: {  	s9 =	sld [smem:$0x7F1];
	_ =	sdelay $0x1  }
0xa7: {  	s12 =	sld [smem:$0x7F2]  }
0xa8: {  	p2 =	seq.s32 s9, $0x1  }
0xa9: {  	s9 =	rddreg [dreg:$0x14];
	s13 =	simm.s32 @!p2 $0x1F84  }
0xaa: {  	[spmem:s12], [sflag:s13] =	dma.local @!p2 [hbm:s9], $0x2AB0  }
0xab: {  	s13 =	simm.s32 @!p2 $0x4  }
0xac: {  	_ =	swait.ge @!p2 [sflag:s13], $0x2AB0  }
0xad: {  	s18 =	sld [smem:$0x7F3];
	_ =	sdelay $0x1  }
0xae: {  	[sflag:s13] =	ssyncset.done @!p2 $0x0;
	s12 =	sld [smem:$0x7F4]  }
0xaf: {  	[sflag:s13] =	ssyncadd.s32 @!p2 $0xFFFFD550;
	p2 =	seq.s32 s18, $0x1  }
0xb0: {  	s9 =	rddreg [dreg:$0x13];
	s13 =	simm.s32 @!p2 $0x1FC4  }
0xb1: {  	[spmem:s12], [sflag:s13] =	dma.local @!p2 [hbm:s9], $0x2AA0  }
0xb2: {  	s13 =	simm.s32 @!p2 $0x4  }
0xb3: {  	_ =	swait.ge @!p2 [sflag:s13], $0x2AA0  }
0xb4: {  	s19 =	sld [smem:$0x7F5];
	_ =	sdelay $0x1  }
0xb5: {  	[sflag:s13] =	ssyncset.done @!p2 $0x0;
	s12 =	sld [smem:$0x7F6]  }
0xb6: {  	[sflag:s13] =	ssyncadd.s32 @!p2 $0xFFFFD560;
	p2 =	seq.s32 s19, $0x1  }
0xb7: {  	s9 =	rddreg [dreg:$0x15];
	s13 =	simm.s32 @!p2 $0x1F04  }
0xb8: {  	[spmem:s12], [sflag:s13] =	dma.local @!p2 [hbm:s9], $0x2AA0  }
0xb9: {  	s13 =	simm.s32 @!p2 $0x4  }
0xba: {  	_ =	swait.ge @!p2 [sflag:s13], $0x2AA0  }
0xbb: {  	s14 =	simm.s32 @!p3 $0x1F44;
	[sflag:s13] =	ssyncset.done @!p2 $0x0  }
0xbc: {  	s9 =	rddreg [dreg:$0x12];
	[sflag:s13] =	ssyncadd.s32 @!p2 $0xFFFFD560;
	s13 =	sshrl.u32 @!p3 s10, $0x3  }
0xbd: {  	[spmem:s13], [sflag:s14] =	dma.local @!p3 [hbm:s9], $0x2AB0  }
0xbe: {  	s13 =	simm.s32 @!p3 $0x4  }
0xbf: {  	_ =	swait.ge @!p3 [sflag:s13], $0x2AB0  }
0xc0: {  	s14 =	simm.s32 @!p1 $0x1E84;
	[sflag:s13] =	ssyncset.done @!p3 $0x0  }
0xc1: {  	s9 =	rddreg [dreg:$0x11];
	[sflag:s13] =	ssyncadd.s32 @!p3 $0xFFFFD550;
	s13 =	sshrl.u32 @!p1 s8, $0x3  }
0xc2: {  	[spmem:s13], [sflag:s14] =	dma.local @!p1 [hbm:s9], $0x2AB0  }
0xc3: {  	s13 =	simm.s32 @!p1 $0x4  }
0xc4: {  	_ =	swait.ge @!p1 [sflag:s13], $0x2AB0  }
0xc5: {  	s22 =	sld [smem:$0x7F7];
	_ =	sdelay $0x1  }
0xc6: {  	s12 =	sld [smem:$0x7F8]  }
0xc7: {  	[sflag:s13] =	ssyncset.done @!p1 $0x0;
	p2 =	seq.s32 s22, $0x1  }
0xc8: {  	s9 =	rddreg [dreg:$0x16];
	[sflag:s13] =	ssyncadd.s32 @!p1 $0xFFFFD550;
	s13 =	simm.s32 @!p2 $0x1EC4  }
0xc9: {  	[spmem:s12], [sflag:s13] =	dma.local @!p2 [hbm:s9], $0x2AB0  }
0xca: {  	s13 =	simm.s32 @!p2 $0x4  }
0xcb: {  	_ =	swait.ge @!p2 [sflag:s13], $0x2AB0  }
0xcc: {  	s25 =	sld [smem:$0x7F9];
	_ =	sdelay $0x1  }
0xcd: {  	[sflag:s13] =	ssyncset.done @!p2 $0x0;
	s12 =	sld [smem:$0x7FA]  }
0xce: {  	[sflag:s13] =	ssyncadd.s32 @!p2 $0xFFFFD550;
	p2 =	seq.s32 s25, $0x1  }
0xcf: {  	s9 =	rddreg [dreg:$0x18];
	s13 =	simm.s32 @!p2 $0x1E04  }
0xd0: {  	[spmem:s12], [sflag:s13] =	dma.local @!p2 [hbm:s9], $0x2AB0  }
0xd1: {  	s13 =	simm.s32 @!p2 $0x4  }
0xd2: {  	_ =	swait.ge @!p2 [sflag:s13], $0x2AB0  }
0xd3: {  	s31 =	sld [smem:$0x7FB];
	_ =	sdelay $0x1  }
0xd4: {  	[sflag:s13] =	ssyncset.done @!p2 $0x0;
	s12 =	sld [smem:$0x7FC]  }
0xd5: {  	[sflag:s13] =	ssyncadd.s32 @!p2 $0xFFFFD550;
	p2 =	seq.s32 s31, $0x1  }
0xd6: {  	s9 =	rddreg [dreg:$0x17];
	s13 =	simm.s32 @!p2 $0x1E44  }
0xd7: {  	[spmem:s12], [sflag:s13] =	dma.local @!p2 [hbm:s9], $0x2AA0  }
0xd8: {  	s13 =	simm.s32 @!p2 $0x4  }
0xd9: {  	_ =	swait.ge @!p2 [sflag:s13], $0x2AA0  }
0xda: {  	[sflag:s13] =	ssyncset.done @!p2 $0x0  }
0xdb: {  	[sflag:s13] =	ssyncadd.s32 @!p2 $0xFFFFD560  }
.LBB2_4:
0xdc: {  	[bflag:$0x0] =	sbarrier.arrive $0xFFFF  }
0xdd: {  	s13 =	simm.s32 $0x0;
	s9 =	rddreg [dreg:$0x1b]  }
0xde: {  	[tilespmem:s13], [sflag:$0x2] =	stream.strided.gather [hbm4b:s9+s23], $0x1000, s24, s23, $0x38;
	[tilespmem:$0x1C000] =	vst v63  }
0xdf: {  	s12 =	simm.s32 $0x1000;
	p2 =	por $0x0, $0x0;
	s31 =	rddreg [dreg:$0x1c]  }
0xe0: {  	[tilespmem:s12], [sflag:$0x2] =	stream.strided.gather [hbm4b:s31+s23], $0x1000, s24, s23, $0x38;
	[tilespmem:$0x1C000] =	vst v63  }
.LBB2_5:
0xe1: {  	s14 =	sadd.s32 $0x1, s13;
	p4 =	seq.s32 s13, $0xF  }
0xe2: {  	s15 =	sadd.s32 @!p4 s0, s14  }
0xe3: {  	s16 =	sshll.u32 @!p4 s14, $0xD;
	s18 =	simm.s32 @!p4 $0x400;
	s15 =	sshll.u32 @!p4 s15, $0x7  }
0xe4: {  	s19 =	simm.s32 @!p4 $0x80000;
	s16 =	sand.u32 @!p4 $0x2000, s16;
	s17 =	sadd.s32 @!p4 s20, s15  }
0xe5: {  	[tilespmem:s16], [sflag:$0x2] =	stream.strided.gather @!p4 [hbm4b:s17+s18], $0x1000, s19, s18, $0x38;
	[tilespmem:$0x1C000] =	vst v63  }
0xe6: {  	s15 =	sadd.s32 @!p4 s21, s15;
	s16 =	sor.u32 @!p4 $0x1000, s16  }
0xe7: {  	[tilespmem:s16], [sflag:$0x2] =	stream.strided.gather @!p4 [hbm4b:s15+s18], $0x1000, s19, s18, $0x38;
	[tilespmem:$0x1C000] =	vst v63  }
0xe8: {  	_ =	swait.ge [sflag:s28], $0x1000  }
0xe9: {  	[sflag:s28] =	ssyncset.done $0x0  }
0xea: {  	[sflag:s28] =	ssyncadd.s32 $0xFFFFF000  }
0xeb: {  	_ =	swait.ge [sflag:s28], $0x1000  }
0xec: {  	s15 =	simm.s32 $0x1;
	p4 =	slt.u32 s13, $0x2;
	[sflag:s28] =	ssyncset.done $0x0  }
0xed: {  	s15 =	simm.s32 @!p2 $0x0;
	s16 =	simm.s32 @!p4 $0x3;
	[sflag:s28] =	ssyncadd.s32 $0xFFFFF000  }
0xee: {  	s15 =	sshll.u32 s15, $0xD;
	_ =	swait.ge @!p4 [sflag:s16], $0x2000  }
0xef: {  	s25 =	sor.u32 $0x4000, s15;
	[sflag:s16] =	ssyncset.done @!p4 $0x0  }
0xf0: {  	s17 =	sadd.s32 $0x0, s15;
	[sflag:s16] =	ssyncadd.s32 @!p4 $0xFFFFE000;
	s16 =	sadd.s32 $0x0, s25  }
0xf1: {  	[tilespmem:s16], [sflag:$0x1] =	stream.indirect.gather [spmem:s2], $0x1, s17, s29, $0xb8;
	[tilespmem:$0x1C000] =	vst v63  }
0xf2: {  	s12 =	sadd.s32 $0x400, s17;
	s9 =	sadd.s32 $0x400, s16  }
0xf3: {  	[tilespmem:s9], [sflag:$0x1] =	stream.indirect.gather [spmem:s3], $0x1, s12, s29, $0xb8;
	[tilespmem:$0x1C000] =	vst v63  }
0xf4: {  	s31 =	sadd.s32 $0x800, s17;
	s22 =	sadd.s32 $0x800, s16  }
0xf5: {  	[tilespmem:s22], [sflag:$0x1] =	stream.indirect.gather [spmem:s4], $0x1, s31, s29, $0xb8;
	[tilespmem:$0x1C000] =	vst v63  }
0xf6: {  	s9 =	sadd.s32 $0xC00, s16;
	s12 =	sadd.s32 $0xC00, s17  }
0xf7: {  	[tilespmem:s9], [sflag:$0x1] =	stream.indirect.gather [spmem:s5], $0x1, s12, s29, $0xb8;
	[tilespmem:$0x1C000] =	vst v63  }
0xf8: {  	s22 =	sadd.s32 $0x1000, s16;
	s31 =	sadd.s32 $0x1000, s17  }
0xf9: {  	[tilespmem:s22], [sflag:$0x1] =	stream.indirect.gather [spmem:s6], $0x1, s31, s29, $0xb8;
	[tilespmem:$0x1C000] =	vst v63  }
0xfa: {  	s9 =	sadd.s32 $0x1400, s16;
	s12 =	sadd.s32 $0x1400, s17  }
0xfb: {  	[tilespmem:s9], [sflag:$0x1] =	stream.indirect.gather [spmem:s7], $0x1, s12, s29, $0xb8;
	[tilespmem:$0x1C000] =	vst v63  }
0xfc: {  	s22 =	sadd.s32 $0x1800, s16;
	s31 =	sadd.s32 $0x1800, s17  }
0xfd: {  	[tilespmem:s22], [sflag:$0x1] =	stream.indirect.gather [spmem:s8], $0x1, s31, s29, $0xb8;
	[tilespmem:$0x1C000] =	vst v63  }
0xfe: {  	s16 =	sadd.s32 $0x1C00, s16;
	s17 =	sadd.s32 $0x1C00, s17  }
0xff: {  	[tilespmem:s16], [sflag:$0x1] =	stream.indirect.gather [spmem:s10], $0x1, s17, s29, $0xb8;
	[tilespmem:$0x1C000] =	vst v63  }
0x100: {  	_ =	swait.ge [sflag:s26], $0x80  }
0x101: {  	[sflag:s26] =	ssyncset.done $0x0  }
0x102: {  	[sflag:s26] =	ssyncadd.s32 $0xFFFFFF80  }
0x103: {  	_ =	swait.ge [sflag:s26], $0x80  }
0x104: {  	[sflag:s26] =	ssyncset.done $0x0  }
0x105: {  	[sflag:s26] =	ssyncadd.s32 $0xFFFFFF80  }
0x106: {  	_ =	swait.ge [sflag:s26], $0x80  }
0x107: {  	[sflag:s26] =	ssyncset.done $0x0  }
0x108: {  	[sflag:s26] =	ssyncadd.s32 $0xFFFFFF80  }
0x109: {  	_ =	swait.ge [sflag:s26], $0x80  }
0x10a: {  	[sflag:s26] =	ssyncset.done $0x0  }
0x10b: {  	[sflag:s26] =	ssyncadd.s32 $0xFFFFFF80  }
0x10c: {  	_ =	swait.ge [sflag:s26], $0x80  }
0x10d: {  	[sflag:s26] =	ssyncset.done $0x0  }
0x10e: {  	[sflag:s26] =	ssyncadd.s32 $0xFFFFFF80  }
0x10f: {  	_ =	swait.ge [sflag:s26], $0x80  }
0x110: {  	[sflag:s26] =	ssyncset.done $0x0  }
0x111: {  	[sflag:s26] =	ssyncadd.s32 $0xFFFFFF80  }
0x112: {  	_ =	swait.ge [sflag:s26], $0x80  }
0x113: {  	[sflag:s26] =	ssyncset.done $0x0  }
0x114: {  	[sflag:s26] =	ssyncadd.s32 $0xFFFFFF80  }
0x115: {  	s18 =	simm.s32 $0x400;
	_ =	swait.ge [sflag:s26], $0x80  }
0x116: {  	s16 =	sand.u32 $0x1, s13;
	s17 =	simm.s32 $0x80;
	[sflag:s26] =	ssyncset.done $0x0  }
.LBB2_6:
0x117: {  	s22 =	sadd.s32 s17, s25  }
0x118: {  	s31 =	sadd.s32 s17, s15;
	[sflag:s26] =	ssyncadd.s32 $0xFFFFFF80;
	s17 =	smov.u32 s18  }
0x119: {  	[tilespmem:s22], [sflag:$0x1] =	stream.indirect.gather [spmem:s2], $0x1, s31, s29, $0xb8;
	[tilespmem:$0x1C000] =	vst v63  }
0x11a: {  	s19 =	sadd.s32 $0x200, s18;
	s9 =	sadd.s32 $0x400, s22;
	s12 =	sadd.s32 $0x400, s31  }
0x11b: {  	[tilespmem:s9], [sflag:$0x1] =	stream.indirect.gather [spmem:s3], $0x1, s12, s29, $0xb8;
	[tilespmem:$0x1C000] =	vst v63  }
0x11c: {  	p4 =	sne.s32 s18, $0xE00;
	s9 =	sadd.s32 $0x800, s22;
	s12 =	sadd.s32 $0x800, s31  }
0x11d: {  	[tilespmem:s9], [sflag:$0x1] =	stream.indirect.gather [spmem:s4], $0x1, s12, s29, $0xb8;
	[tilespmem:$0x1C000] =	vst v63  }
0x11e: {  	s9 =	sadd.s32 $0xC00, s22;
	s12 =	sadd.s32 $0xC00, s31  }
0x11f: {  	[tilespmem:s9], [sflag:$0x1] =	stream.indirect.gather [spmem:s5], $0x1, s12, s29, $0xb8;
	[tilespmem:$0x1C000] =	vst v63  }
0x120: {  	s9 =	sadd.s32 $0x1000, s22;
	s12 =	sadd.s32 $0x1000, s31  }
0x121: {  	[tilespmem:s9], [sflag:$0x1] =	stream.indirect.gather [spmem:s6], $0x1, s12, s29, $0xb8;
	[tilespmem:$0x1C000] =	vst v63  }
0x122: {  	s9 =	sadd.s32 $0x1400, s22;
	s12 =	sadd.s32 $0x1400, s31  }
0x123: {  	[tilespmem:s9], [sflag:$0x1] =	stream.indirect.gather [spmem:s7], $0x1, s12, s29, $0xb8;
	[tilespmem:$0x1C000] =	vst v63  }
0x124: {  	s9 =	sadd.s32 $0x1800, s22;
	s12 =	sadd.s32 $0x1800, s31  }
0x125: {  	[tilespmem:s9], [sflag:$0x1] =	stream.indirect.gather [spmem:s8], $0x1, s12, s29, $0xb8;
	[tilespmem:$0x1C000] =	vst v63  }
0x126: {  	s9 =	sadd.s32 $0x1C00, s22;
	s12 =	sadd.s32 $0x1C00, s31  }
0x127: {  	[tilespmem:s9], [sflag:$0x1] =	stream.indirect.gather [spmem:s10], $0x1, s12, s29, $0xb8;
	[tilespmem:$0x1C000] =	vst v63  }
0x128: {  	_ =	swait.ge [sflag:s26], $0x80  }
0x129: {  	[sflag:s26] =	ssyncset.done $0x0  }
0x12a: {  	[sflag:s26] =	ssyncadd.s32 $0xFFFFFF80  }
0x12b: {  	_ =	swait.ge [sflag:s26], $0x80  }
0x12c: {  	[sflag:s26] =	ssyncset.done $0x0  }
0x12d: {  	[sflag:s26] =	ssyncadd.s32 $0xFFFFFF80  }
0x12e: {  	_ =	swait.ge [sflag:s26], $0x80  }
0x12f: {  	[sflag:s26] =	ssyncset.done $0x0  }
0x130: {  	[sflag:s26] =	ssyncadd.s32 $0xFFFFFF80  }
0x131: {  	_ =	swait.ge [sflag:s26], $0x80  }
0x132: {  	[sflag:s26] =	ssyncset.done $0x0  }
0x133: {  	[sflag:s26] =	ssyncadd.s32 $0xFFFFFF80  }
0x134: {  	_ =	swait.ge [sflag:s26], $0x80  }
0x135: {  	[sflag:s26] =	ssyncset.done $0x0  }
0x136: {  	[sflag:s26] =	ssyncadd.s32 $0xFFFFFF80  }
0x137: {  	_ =	swait.ge [sflag:s26], $0x80  }
0x138: {  	[sflag:s26] =	ssyncset.done $0x0  }
0x139: {  	[sflag:s26] =	ssyncadd.s32 $0xFFFFFF80  }
.Ltmp2:
0x13a: {  	_ =	swait.ge [sflag:s26], $0x80;
	(pc) =	sbr.rel @p4 .LBB2_6-.Ltmp2, $4  }
0x13b: {  	[sflag:s26] =	ssyncset.done $0x0  }
0x13c: {  	[sflag:s26] =	ssyncadd.s32 $0xFFFFFF80  }
0x13d: {  	_ =	swait.ge [sflag:s26], $0x80  }
0x13e: {  	s17 =	sshra.s32 s17, $0x2;
	s18 =	smov.u32 s19;
	[sflag:s26] =	ssyncset.done $0x0  }
0x13f: {  	s9 =	sadd.s32 s17, s25;
	s12 =	sadd.s32 s17, s15;
	[sflag:s26] =	ssyncadd.s32 $0xFFFFFF80  }
0x140: {  	[tilespmem:s9], [sflag:$0x1] =	stream.indirect.gather [spmem:s2], $0x1, s12, s29, $0xb8;
	[tilespmem:$0x1C000] =	vst v63  }
0x141: {  	s31 =	sadd.s32 $0x400, s9;
	s17 =	sadd.s32 $0x400, s12  }
0x142: {  	[tilespmem:s31], [sflag:$0x1] =	stream.indirect.gather [spmem:s3], $0x1, s17, s29, $0xb8;
	[tilespmem:$0x1C000] =	vst v63  }
0x143: {  	s18 =	sadd.s32 $0x800, s12;
	s17 =	sadd.s32 $0x800, s9  }
0x144: {  	[tilespmem:s17], [sflag:$0x1] =	stream.indirect.gather [spmem:s4], $0x1, s18, s29, $0xb8;
	[tilespmem:$0x1C000] =	vst v63  }
0x145: {  	s19 =	sadd.s32 $0xC00, s9;
	s22 =	sadd.s32 $0xC00, s12  }
0x146: {  	[tilespmem:s19], [sflag:$0x1] =	stream.indirect.gather [spmem:s5], $0x1, s22, s29, $0xb8;
	[tilespmem:$0x1C000] =	vst v63  }
0x147: {  	s25 =	sadd.s32 $0x1000, s9;
	s31 =	sadd.s32 $0x1000, s12  }
0x148: {  	[tilespmem:s25], [sflag:$0x1] =	stream.indirect.gather [spmem:s6], $0x1, s31, s29, $0xb8;
	[tilespmem:$0x1C000] =	vst v63  }
0x149: {  	s17 =	sadd.s32 $0x1400, s9;
	s18 =	sadd.s32 $0x1400, s12  }
0x14a: {  	[tilespmem:s17], [sflag:$0x1] =	stream.indirect.gather [spmem:s7], $0x1, s18, s29, $0xb8;
	[tilespmem:$0x1C000] =	vst v63  }
0x14b: {  	s19 =	sadd.s32 $0x1800, s9;
	s22 =	sadd.s32 $0x1800, s12  }
0x14c: {  	[tilespmem:s19], [sflag:$0x1] =	stream.indirect.gather [spmem:s8], $0x1, s22, s29, $0xb8;
	[tilespmem:$0x1C000] =	vst v63  }
0x14d: {  	s9 =	sadd.s32 $0x1C00, s9;
	s12 =	sadd.s32 $0x1C00, s12  }
0x14e: {  	[tilespmem:s9], [sflag:$0x1] =	stream.indirect.gather [spmem:s10], $0x1, s12, s29, $0xb8;
	[tilespmem:$0x1C000] =	vst v63  }
0x14f: {  	_ =	swait.ge [sflag:s26], $0x80  }
0x150: {  	[sflag:s26] =	ssyncset.done $0x0  }
0x151: {  	[sflag:s26] =	ssyncadd.s32 $0xFFFFFF80  }
0x152: {  	_ =	swait.ge [sflag:s26], $0x80  }
0x153: {  	[sflag:s26] =	ssyncset.done $0x0  }
0x154: {  	[sflag:s26] =	ssyncadd.s32 $0xFFFFFF80  }
0x155: {  	_ =	swait.ge [sflag:s26], $0x80  }
0x156: {  	[sflag:s26] =	ssyncset.done $0x0  }
0x157: {  	[sflag:s26] =	ssyncadd.s32 $0xFFFFFF80  }
0x158: {  	_ =	swait.ge [sflag:s26], $0x80  }
0x159: {  	[sflag:s26] =	ssyncset.done $0x0  }
0x15a: {  	[sflag:s26] =	ssyncadd.s32 $0xFFFFFF80  }
0x15b: {  	_ =	swait.ge [sflag:s26], $0x80  }
0x15c: {  	[sflag:s26] =	ssyncset.done $0x0  }
0x15d: {  	[sflag:s26] =	ssyncadd.s32 $0xFFFFFF80  }
0x15e: {  	_ =	swait.ge [sflag:s26], $0x80  }
0x15f: {  	[sflag:s26] =	ssyncset.done $0x0  }
0x160: {  	[sflag:s26] =	ssyncadd.s32 $0xFFFFFF80  }
0x161: {  	_ =	swait.ge [sflag:s26], $0x80  }
0x162: {  	p4 =	sne.s32 s14, $0x10;
	[sflag:s26] =	ssyncset.done $0x0  }
.Ltmp3:
0x163: {  	p2 =	por !p2, !p2;
	[sflag:s26] =	ssyncadd.s32 $0xFFFFFF80;
	(pc) =	sbr.rel @p4 .LBB2_5-.Ltmp3, $4  }
0x164: {  	s25 =	sadd.s32 s0, s13;
	s31 =	sshll.u32 s16, $0xD;
	_ =	swait.ge [sflag:s26], $0x80  }
0x165: {  	s13 =	smov.u32 s14;
	s9 =	sshll.u32 s25, $0x7;
	[sflag:s26] =	ssyncset.done $0x0  }
0x166: {  	s12 =	sor.u32 $0x4000, s31;
	s9 =	sadd.s32 s1, s9;
	[sflag:s26] =	ssyncadd.s32 $0xFFFFFF80  }
0x167: {  	[hbm4b:s9+s23] =	stream.strided.scatter [tilespmem:s12], [sflag:$0x3], $0x2000, s24, s23, $0x38;
	[tilespmem:$0x1C000] =	vst v63  }
0x168: {  	_ =	swait.ge [sflag:s30], $0x2000  }
0x169: {  	[sflag:s30] =	ssyncset.done $0x0  }
0x16a: {  	[sflag:s30] =	ssyncadd.s32 $0xFFFFE000  }
0x16b: {  	_ =	swait.ge [sflag:s30], $0x2000  }
0x16c: {  	s11 =	sadd.s32 $0x1, s11;
	s9 =	rddreg [dreg:$0x1d]  }
0x16d: {  	p2 =	sne.s32 s11, s9  }
.Ltmp4:
0x16e: {  	_ = 	snop;
	(pc) =	sbr.rel @p2 .LBB2_1-.Ltmp4, $3  }
0x16f: {  	_ =	sdelay $0x1  }
0x170: {  	[sflag:s30] =	ssyncset.done $0x0  }
0x171: {  	[sflag:s30] =	ssyncadd.s32 $0xFFFFE000  }
0x172: {  	_ =	sfence.sel $0x180000  }
0x173: {  	[bflag:$0x0] =	sbarrier.arrive $0xFFFF  }
0x174: {  	_ =	strace $0x90000047  }
0x175: {  	s0 =	stileid.u32;
	[bflag:$0x2] =	sbarrier.arrive $0xFFFF  }
0x176: {  	p0 =	sne.s32 s0, $0x0;
	s0 =	rddreg [dreg:$0xa]  }
0x177: {  	s0 =	sadd.s32 @!p0 $0x100000, s0  }
0x178: {  	[sflag:s0] =	ssyncadd.tile.s32 @!p0 $0x1;
	_ =	shalt  }
.Lfunc_end2:
_tile_overlayer_lowered:
.L_overlay_start_2:
0x179: {  	(tag) =	ssettag $0x2  }
0x17a: {  	s0 =	rddreg [dreg:$0x0];
	s2 =	stileid.u32  }
0x17b: {  	s1 =	rddreg [dreg:$0x1];
	p0 =	sne.s32 s2, $0x0  }
0x17c: {  	s3 =	rddreg [dreg:$0x2];
	[bflag:$0x3] =	sbarrier.arrive $0xFFFF;
	s2 =	simm.s32 @!p0 $0x1C04  }
0x17d: {  	[timem:s3], [sflag:s2] =	dma.local @!p0 [hbm:s0], s1  }
0x17e: {  	s0 =	simm.s32 @!p0 $0x4  }
0x17f: {  	_ =	swait.ge @!p0 [sflag:s0], s1  }
0x180: {  	s1 =	ssub.s32 @!p0 $0x0, s1;
	[sflag:s0] =	ssyncset.done @!p0 $0x0  }
0x181: {  	[sflag:s0] =	ssyncadd.s32 @!p0 s1  }
0x182: {  	[bflag:$0x3] =	sbarrier.arrive $0xFFFF  }
0x183: {  	_ =	shalt  }

// kernel: kernel.9.cloned.1.call-start
scs
__scs_entry_jumppad:
0x0: {  	(pc) =	sbr.rel $0x88, $3  }
0x1: {  	(tag) =	ssettag $0x0;
	lr =	simm.s32 $0x1  }
0x2: {  	[smem:$0x3F9D] =	sst lr;
	_ =	strace $0xD0000000  }
0x3: {  	_ = 	snop  }
0x4: {  	_ = 	snop  }
0x5: {  	_ = 	snop  }
0x6: {  	_ = 	snop  }
0x7: {  	_ = 	snop  }
__scs_overlays_trampoline_lowered:
0x8: {  	[smem:$0x3FAC] =	sst s0  }
0x9: {  	[smem:$0x3FAD] =	sst s1  }
0xa: {  	[smem:$0x3FAE] =	sst s2  }
0xb: {  	[smem:$0x3FAF] =	sst s3  }
0xc: {  	[smem:$0x3FB0] =	sst s4  }
0xd: {  	[smem:$0x3FB1] =	sst s5  }
0xe: {  	[smem:$0x3FB2] =	sst s6  }
0xf: {  	[smem:$0x3FB3] =	sst s7  }
0x10: {  	[smem:$0x3FB4] =	sst s8  }
0x11: {  	[smem:$0x3FB5] =	sst s9;
	s0 =	simm.s32 @!p0 $0x0  }
0x12: {  	s1 =	sld [smem:$0x3F9B];
	s0 =	simm.s32 @p0 $0x1  }
0x13: {  	[smem:$0x3FB6] =	sst s0;
	s0 =	simm.s32 @!p1 $0x0  }
0x14: {  	s2 =	sld [smem:$0x3F9A];
	s0 =	simm.s32 @p1 $0x1  }
0x15: {  	[smem:$0x3FB7] =	sst s0;
	s0 =	simm.s32 @!p2 $0x0  }
0x16: {  	s3 =	sld [smem:$0x3FDB];
	s0 =	simm.s32 @p2 $0x1  }
0x17: {  	s4 =	simm.s32 $0x1BF5;
	[smem:$0x3FB9] =	sst s0  }
0x18: {  	s0 =	sld [smem:$0x3F9C];
	_ =	swait.ge [sflag:s4], $0x0  }
0x19: {  	s7 =	sld [smem:$0x3F9D]  }
0x1a: {  	s8 =	sadd.s32 $0xFFFFE003, lr  }
0x1b: {  	s9 =	sadd.s32 $0xFFFFFEF7, lr;
	s5 =	simm.s32 $0xFFFFFFFF;
	p2 =	slt.u32 s8, $0xFFFFF086  }
0x1c: {  	p1 =	slt.u32 s9, $0xF7A;
	s5 =	simm.s32 @!p2 $0x0  }
0x1d: {  	s5 =	simm.s32 @p1 $0x1;
	p0 =	seq.s32 s7, s2  }
0x1e: {  	s7 =	smul.u32 @!p0 $0xF7A, s2;
	p2 =	seq.s32 @!p0 s5, $0x0  }
0x1f: {  	s9 =	smul.u32 $0xF7A, s1;
	s8 =	simm.s32 @!p0 $0x1BF5;
	p2 =	por !p2, p0  }
0x20: {  	[sflag:s8] =	ssyncset.s32 @!p0 $0xFFFFF086;
	s6 =	sadd.s32 @!p0 s3, s7;
	s7 =	simm.s32 @!p0 $0x108  }
0x21: {  	s3 =	sadd.s32 s3, s9;
	s6 =	sadd.s32 @!p0 $0x88, s6;
	s7 =	simm.s32 @p2 $0x1082  }
0x22: {  	[simem:s7], [sflag:s8] =	dma.local @!p0 [hbm:s6], $0xF7A  }
0x23: {  	s9 =	sor.u32 $0xD0000000, s2;
	s6 =	simm.s32 $0x108;
	_ =	swait.ge @!p0 [sflag:s8], $0x0  }
0x24: {  	s3 =	sadd.s32 $0x88, s3;
	s6 =	simm.s32 @!p1 $0x1082;
	[sflag:s4] =	ssyncset.s32 $0xFFFFF086  }
0x25: {  	[simem:s6], [sflag:s4] =	dma.local [hbm:s3], $0xF7A  }
0x26: {  	[smem:$0x3F9D] =	sst s1;
	(tag) =	ssettag s2;
	_ =	strace s9  }
0x27: {  	s1 =	sld [smem:$0x3FAD]  }
0x28: {  	s2 =	sld [smem:$0x3FAE]  }
0x29: {  	s4 =	sld [smem:$0x3FB0]  }
0x2a: {  	p0 =	seq.s32 s5, $0x0;
	s5 =	sld [smem:$0x3FB1]  }
0x2b: {  	s6 =	sld [smem:$0x3FB2]  }
0x2c: {  	s7 =	sld [smem:$0x3FB3]  }
0x2d: {  	s3 =	simm.s32 $0x108;
	s8 =	sld [smem:$0x3FB4]  }
0x2e: {  	s3 =	simm.s32 @!p0 $0x1082;
	s9 =	sld [smem:$0x3FB5]  }
0x2f: {  	lr =	sadd.s32 s0, s3;
	s0 =	sld [smem:$0x3FAC]  }
0x30: {  	s3 =	sld [smem:$0x3FAF]  }
0x31: {  	[smem:$0x3FB8] =	sst s10  }
0x32: {  	s10 =	sld [smem:$0x3FB6];
	_ =	sdelay $0x3  }
0x33: {  	p0 =	seq.s32 s10, $0x1;
	s10 =	sld [smem:$0x3FB8];
	_ =	sdelay $0x3  }
0x34: {  	[smem:$0x3FB8] =	sst s10  }
0x35: {  	s10 =	sld [smem:$0x3FB7];
	_ =	sdelay $0x3  }
0x36: {  	p1 =	seq.s32 s10, $0x1;
	s10 =	sld [smem:$0x3FB8];
	_ =	sdelay $0x3  }
0x37: {  	[smem:$0x3FB8] =	sst s10  }
0x38: {  	s10 =	sld [smem:$0x3FB9]  }
0x39: {  	_ = 	snop;
	(pc) =	sbr.ind lr, $3  }
0x3a: {  	_ = 	snop  }
0x3b: {  	_ = 	snop  }
0x3c: {  	p2 =	seq.s32 s10, $0x1;
	s10 =	sld [smem:$0x3FB8]  }
0x3d: {  	_ =	shalt  }
0x3e: {  	_ =	shalt  }
0x3f: {  	_ =	shalt  }
0x40: {  	_ =	shalt  }
0x41: {  	_ =	shalt  }
0x42: {  	_ =	shalt  }
0x43: {  	_ =	shalt  }
0x44: {  	_ =	shalt  }
0x45: {  	_ =	shalt  }
0x46: {  	_ =	shalt  }
0x47: {  	_ =	shalt  }
0x48: {  	_ =	shalt  }
0x49: {  	_ =	shalt  }
0x4a: {  	_ =	shalt  }
0x4b: {  	_ =	shalt  }
0x4c: {  	_ =	shalt  }
0x4d: {  	_ =	shalt  }
0x4e: {  	_ =	shalt  }
0x4f: {  	_ =	shalt  }
0x50: {  	_ =	shalt  }
0x51: {  	_ =	shalt  }
0x52: {  	_ =	shalt  }
0x53: {  	_ =	shalt  }
0x54: {  	_ =	shalt  }
0x55: {  	_ =	shalt  }
0x56: {  	_ =	shalt  }
0x57: {  	_ =	shalt  }
0x58: {  	_ =	shalt  }
0x59: {  	_ =	shalt  }
0x5a: {  	_ =	shalt  }
0x5b: {  	_ =	shalt  }
0x5c: {  	_ =	shalt  }
0x5d: {  	_ =	shalt  }
0x5e: {  	_ =	shalt  }
0x5f: {  	_ =	shalt  }
0x60: {  	_ =	shalt  }
0x61: {  	_ =	shalt  }
0x62: {  	_ =	shalt  }
0x63: {  	_ =	shalt  }
0x64: {  	_ =	shalt  }
0x65: {  	_ =	shalt  }
0x66: {  	_ =	shalt  }
0x67: {  	_ =	shalt  }
0x68: {  	_ =	shalt  }
0x69: {  	_ =	shalt  }
0x6a: {  	_ =	shalt  }
0x6b: {  	_ =	shalt  }
0x6c: {  	_ =	shalt  }
0x6d: {  	_ =	shalt  }
0x6e: {  	_ =	shalt  }
0x6f: {  	_ =	shalt  }
0x70: {  	_ =	shalt  }
0x71: {  	_ =	shalt  }
0x72: {  	_ =	shalt  }
0x73: {  	_ =	shalt  }
0x74: {  	_ =	shalt  }
0x75: {  	_ =	shalt  }
0x76: {  	_ =	shalt  }
0x77: {  	_ =	shalt  }
0x78: {  	_ =	shalt  }
0x79: {  	_ =	shalt  }
0x7a: {  	_ =	shalt  }
0x7b: {  	_ =	shalt  }
0x7c: {  	_ =	shalt  }
0x7d: {  	_ =	shalt  }
0x7e: {  	_ =	shalt  }
0x7f: {  	_ =	shalt  }
0x80: {  	_ =	shalt  }
0x81: {  	_ =	shalt  }
0x82: {  	_ =	shalt  }
0x83: {  	_ =	shalt  }
0x84: {  	_ =	shalt  }
0x85: {  	_ =	shalt  }
0x86: {  	_ =	shalt  }
0x87: {  	_ =	shalt  }
.Lfunc_end0:
.L_simem_size_0:
called_computation.1_lowered:
.L_overlay_start_0:
0x88: {  	s2 =	sld [smem:$0x3FD9]  }
0x89: {  	s3 =	sld [smem:$0x3FFE];
	_ =	sdelay $0x1  }
0x8a: {  	s1 =	srdreg.scid  }
0x8b: {  	s0 =	sand.u32 $0x1, s1  }
0x8c: {  	s17 =	sshll.u32 s0, $0xA;
	s2 =	sadd.s32 s3, s2  }
0x8d: {  	s2 =	sadd.s32 s2, s17  }
0x8e: {  	[smem:$0x3FC4] =	sst s2  }
0x8f: {  	_ = 	snop  }
0x90: {  	(tm) =	ssettm $0x1  }
0x91: {  	s18 =	sld [smem:$0x3FFB];
	_ =	sdelay $0x3  }
0x92: {  	_ =	strace s18  }
0x93: {  	s2 =	sld [smem:$0x3FFC];
	_ =	sdelay $0x3  }
0x94: {  	_ =	strace s2  }
0x95: {  	s2 =	sld [smem:$0x3FFD];
	_ =	sdelay $0x3  }
0x96: {  	_ =	strace s2  }
0x97: {  	_ =	strace $0x8FFFFFFF  }
0x98: {  	s19 =	sld [smem:$0x3FDB];
	_ =	sdelay $0x1  }
0x99: {  	s20 =	simm.s32 $_scs_section_size  }
0x9a: {  	s4 =	simm.s32 $_size__tile_overlayer_lowered;
	s5 =	simm.s32 $_tile_overlayer_lowered  }
0x9b: {  	s6 =	simm.s32 $0x1BFF;
	s21 =	sshll.u32 s5, $0x1;
	s3 =	sadd.s32 s20, s19  }
0x9c: {  	s22 =	simm.s32 $0x0;
	s4 =	sshll.u32 s4, $0x1;
	s5 =	sadd.s32 s21, s3  }
0x9d: {  	[timem:s22], [sflag:s6] =	dma.local [hbm:s5], s4  }
0x9e: {  	_ =	swait.ge [sflag:s6], s4  }
0x9f: {  	s4 =	ssub.s32 $0x0, s4;
	[sflag:s6] =	ssyncset.done $0x0  }
0xa0: {  	[sflag:s6] =	ssyncadd.s32 s4;
	_ =	sdelay $0x1  }
0xa1: {  	s23 =	simm.s32 $0x1B8B  }
0xa2: {  	_ =	swait.ge [sflag:s23], $0x1  }
0xa3: {  	[sflag:s23] =	ssyncset.done $0x0  }
0xa4: {  	[sflag:s23] =	ssyncadd.s32 $0xFFFFFFFF  }
0xa5: {  	s4 =	sld [smem:$0x0]  }
0xa6: {  	s5 =	sand.u32 $0xFFFFFFFE, s1  }
0xa7: {  	p0 =	sne.s32 s1, s5  }
0xa8: {  	s5 =	sshll.u32 @p0 s5, $0xE  }
0xa9: {  	s5 =	sadd.s32 @p0 $0x11B8D, s5;
	s6 =	sshll.u32 @p0 s4, $0x11  }
0xaa: {  	s5 =	sor.u32 @p0 s6, s5  }
0xab: {  	[sflag:s5] =	ssyncadd.remote.s32 @p0 $0x1;
	_ =	sdelay $0x1  }
0xac: {  	s5 =	simm.s32 @p0 $0x1B8D  }
0xad: {  	_ =	swait.eq @p0 [sflag:s5], $0x1  }
0xae: {  	[sflag:s5] =	ssyncadd.s32 @p0 $0xFFFFFFFF  }
0xaf: {  	s6 =	sshll.u32 @!p0 s1, $0xE  }
0xb0: {  	s6 =	sor.u32 @!p0 $0x4000, s6;
	s5 =	simm.s32 @!p0 $0x1B8D  }
0xb1: {  	s4 =	sshll.u32 @!p0 s4, $0x11;
	s6 =	sadd.s32 @!p0 $0x11B8D, s6;
	_ =	swait.eq @!p0 [sflag:s5], $0x1  }
0xb2: {  	s4 =	sor.u32 @!p0 s4, s6;
	[sflag:s5] =	ssyncadd.s32 @!p0 $0xFFFFFFFF  }
0xb3: {  	s25 =	simm.s32 $0x1B8E;
	s24 =	sld [smem:$0x3FFE];
	[sflag:s4] =	ssyncadd.remote.s32 @!p0 $0x1  }
0xb4: {  	s26 =	simm.s32 $execute0_lowered;
	[smem:$0x3FD2] =	sst s25  }
0xb5: {  	s5 =	sshll.u32 s26, $0x1;
	_ =	strace $0x80000049;
	[dreg:$0x1] =	wrdreg $0xFFFFFFFF  }
0xb6: {  	s28 =	simm.s32 $_size_execute0_lowered;
	s3 =	sadd.s32 s3, s5;
	[dreg:$0x0] =	wrdreg $0x0  }
0xb7: {  	s5 =	sshll.u32 s28, $0x1;
	[dreg:$0x2] =	wrdreg s3  }
0xb8: {  	[dreg:$0x3] =	wrdreg s5  }
0xb9: {  	[dreg:$0x4] =	wrdreg $0xC0  }
0xba: {  	_ =	task [dreg:s22], $0x5FFFF  }
0xbb: {  	[dreg:$0x1] =	wrdreg $0xFFFFFFFF  }
0xbc: {  	[dreg:$0x0] =	wrdreg $0x60  }
0xbd: {  	[dreg:$0x2] =	wrdreg s24  }
0xbe: {  	[dreg:$0x3] =	wrdreg $0x80000  }
0xbf: {  	[dreg:$0x4] =	wrdreg $0x90000  }
0xc0: {  	[dreg:$0x5] =	wrdreg $0xA0000  }
0xc1: {  	[dreg:$0x6] =	wrdreg $0xB0000  }
0xc2: {  	[dreg:$0x7] =	wrdreg $0xC0000  }
0xc3: {  	[dreg:$0x8] =	wrdreg $0x100000  }
0xc4: {  	[dreg:$0x9] =	wrdreg $0x140000  }
0xc5: {  	[dreg:$0xa] =	wrdreg $0x180000  }
0xc6: {  	[dreg:$0xb] =	wrdreg $0xA  }
0xc7: {  	_ =	task.clear_ibuf [dreg:s22], $0xCFFFF;
	_ =	strace $0x90000049  }
0xc8: {  	s29 =	simm.s32 $0xA;
	_ =	strace $0x8000004B  }
0xc9: {  	_ =	swait.ge [sflag:s29], $0x1  }
0xca: {  	[sflag:s29] =	ssyncadd.s32 $0xFFFFFFFF  }
0xcb: {  	_ =	strace $0x9000004B  }
0xcc: {  	_ =	sfence  }
0xcd: {  	s30 =	sld [smem:$0x0];
	_ =	sdelay $0x2  }
0xce: {  	s31 =	sshll.u32 s1, $0xD;
	s1 =	sshrl.u32 s1, $0x2  }
0xcf: {  	s4 =	sand.u32 $0x4000, s31;
	s1 =	sadd.s32 s1, s30  }
0xd0: {  	s0 =	sor.u32 s4, s0;
	s1 =	sshll.u32 s1, $0x11  }
0xd1: {  	s0 =	sor.u32 s1, s0  }
0xd2: {  	s0 =	sadd.s32 $0x8F2B, s0  }
0xd3: {  	[sflag:s0] =	ssyncadd.remote.s32 $0x1  }
0xd4: {  	_ =	sfence.sel $0xFFFF  }
0xd5: {  	[dreg:$0x0] =	wrdreg $0xFFFFFFFF;
	(pc) =	sbr.abs _section_cstart, $3  }
0xd6: {  	[dreg:$0x1] =	wrdreg $0xFFFFFFFF  }
0xd7: {  	_ =	task.clear_ibuf [dreg:s22], $0x2FFFF;
	_ =	strace $0x9FFFFFFF  }
0xd8: {  	(tm) =	ssettm $0x7FFFFFFF  }
0xd9: {  	_ =	shalt  }
tec
execute0_lowered:
.L_overlay_start_1:
0x0: {  	(tag) =	ssettag $0x1  }
0x1: {  	s14 =	stileid.u32  }
0x2: {  	p0 =	sgt.s32 s14, $0x3  }
0x3: {  	p4 =	sgt.s32 @p0 s14, $0x5  }
0x4: {  	p1 =	por !p4, !p0  }
0x5: {  	p2 =	seq.s32 @!p1 s14, $0x6  }
0x6: {  	p1 =	por @p0 !p2, !p4  }
0x7: {  	s0 =	simm.s32 @!p1 $0x0  }
0x8: {  	p3 =	por p4, !p0;
	s0 =	simm.s32 @p1 $0x1;
	p1 =	por @p0 p2, !p4  }
0x9: {  	p5 =	seq.s32 @!p3 s14, $0x4;
	[smem:$0x7E0] =	sst s0;
	s0 =	simm.s32 @!p1 $0x0  }
0xa: {  	p6 =	sgt.s32 @!p0 s14, $0x1;
	s0 =	simm.s32 @p1 $0x1;
	p1 =	por @p0 !p5, p4  }
0xb: {  	p4 =	por @p0 p5, p4;
	p5 =	por !p6, p0;
	s3 =	sld [smem:$0x7E0]  }
0xc: {  	[smem:$0x7E1] =	sst s0;
	s0 =	simm.s32 @!p1 $0x0;
	p5 =	seq.s32 @!p5 s14, $0x2  }
0xd: {  	s0 =	simm.s32 @p1 $0x1;
	p1 =	por p6, p0;
	p3 =	por @!p0 !p5, !p6  }
0xe: {  	p5 =	por @!p0 p5, !p6;
	s10 =	sld [smem:$0x7E1];
	p1 =	seq.s32 @!p1 s14, $0x0  }
0xf: {  	p2 =	por @!p0 !p1, p6;
	p1 =	por @!p0 p1, p6;
	p6 =	seq.s32 s3, $0x1  }
0x10: {  	p6 =	por p6, !p0  }
0x11: {  	[smem:$0x7E3] =	sst s0;
	s3 =	simm.s32 @!p6 $0x0  }
0x12: {  	s11 =	sld [smem:$0x7E3];
	s3 =	simm.s32 @p6 $0x1;
	p6 =	seq.s32 s10, $0x1  }
0x13: {  	p6 =	por p6, !p0  }
0x14: {  	[smem:$0x7F0] =	sst s3;
	s3 =	simm.s32 @!p6 $0x0  }
0x15: {  	s3 =	simm.s32 @p6 $0x1;
	p6 =	seq.s32 s11, $0x1  }
0x16: {  	p6 =	por p6, !p0  }
0x17: {  	p4 =	por p4, !p0;
	[smem:$0x7E2] =	sst s3;
	s3 =	simm.s32 @!p6 $0x0  }
0x18: {  	p3 =	por p3, p0;
	p5 =	por p5, p0;
	s3 =	simm.s32 @p6 $0x1  }
0x19: {  	p6 =	por p2, p0;
	p2 =	sgt.s32 s14, $0xB;
	p0 =	por p1, p0  }
0x1a: {  	[smem:$0x7E4] =	sst s3;
	s3 =	simm.s32 @!p4 $0x0;
	p1 =	sgt.s32 @p2 s14, $0xD  }
0x1b: {  	s3 =	simm.s32 @p4 $0x1;
	p4 =	por p1, !p2  }
0x1c: {  	p4 =	seq.s32 @!p4 s14, $0xC  }
0x1d: {  	[smem:$0x7F1] =	sst s3;
	s3 =	simm.s32 @!p3 $0x0;
	s6 =	simm.s32 @!p4 $0x0  }
0x1e: {  	s3 =	simm.s32 @p3 $0x1;
	p3 =	por !p1, !p2;
	s6 =	simm.s32 @p4 $0x1  }
0x1f: {  	p3 =	seq.s32 @!p3 s14, $0xE;
	[smem:$0x7E6] =	sst s6  }
0x20: {  	p4 =	por @p2 !p3, !p1;
	s12 =	sld [smem:$0x7E6]  }
0x21: {  	s6 =	simm.s32 @!p4 $0x0  }
0x22: {  	s1 =	rddreg [dreg:$0x1];
	p3 =	por @p2 p3, !p1;
	s6 =	simm.s32 @p4 $0x1  }
0x23: {  	[smem:$0x7E8] =	sst s6;
	s6 =	simm.s32 @!p3 $0x0;
	p4 =	seq.s32 s12, $0x1  }
0x24: {  	s2 =	rddreg [dreg:$0x2];
	s6 =	simm.s32 @p3 $0x1;
	p3 =	por @p2 !p4, p1  }
0x25: {  	[smem:$0x7E9] =	sst s6;
	s6 =	simm.s32 @!p3 $0x0  }
0x26: {  	s4 =	rddreg [dreg:$0x4];
	p1 =	por @p2 p4, p1;
	s6 =	simm.s32 @p3 $0x1  }
0x27: {  	[smem:$0x7EA] =	sst s6;
	s6 =	simm.s32 @!p1 $0x0  }
0x28: {  	s5 =	rddreg [dreg:$0x5];
	s6 =	simm.s32 @p1 $0x1;
	p1 =	sgt.s32 @!p2 s14, $0x9  }
0x29: {  	s7 =	rddreg [dreg:$0x7];
	p3 =	por p1, p2  }
0x2a: {  	s8 =	rddreg [dreg:$0x8];
	p3 =	seq.s32 @!p3 s14, $0x8  }
0x2b: {  	s0 =	rddreg [dreg:$0x0];
	s10 =	simm.s32 $0x0;
	s9 =	simm.s32 @!p3 $0x0  }
0x2c: {  	[smem:$0x7FF] =	sst s10;
	p4 =	por !p1, p2;
	s9 =	simm.s32 @p3 $0x1  }
0x2d: {  	p4 =	seq.s32 @!p4 s14, $0xA;
	[smem:$0x7E7] =	sst s9  }
0x2e: {  	p3 =	por @!p2 !p4, !p1;
	s13 =	sld [smem:$0x7E7]  }
0x2f: {  	s15 =	sld [smem:$0x7E8];
	s9 =	simm.s32 @!p3 $0x0  }
0x30: {  	s16 =	sld [smem:$0x7E9];
	s9 =	simm.s32 @p3 $0x1;
	p3 =	por @!p2 p4, !p1  }
0x31: {  	[smem:$0x7EC] =	sst s9;
	s9 =	simm.s32 @!p3 $0x0;
	p4 =	seq.s32 s13, $0x1  }
0x32: {  	s17 =	sld [smem:$0x7EA];
	s9 =	simm.s32 @p3 $0x1;
	p3 =	por @!p2 !p4, p1  }
0x33: {  	[smem:$0x7ED] =	sst s9;
	s9 =	simm.s32 @!p3 $0x0  }
0x34: {  	[smem:$0x7EB] =	sst s6;
	p1 =	por @!p2 p4, p1;
	s9 =	simm.s32 @p3 $0x1  }
0x35: {  	p4 =	seq.s32 s15, $0x1;
	[smem:$0x7EE] =	sst s9;
	s9 =	simm.s32 @!p1 $0x0  }
0x36: {  	s19 =	sld [smem:$0x7EC];
	s9 =	simm.s32 @p1 $0x1;
	p1 =	por p4, !p2  }
0x37: {  	p3 =	seq.s32 s16, $0x1;
	[smem:$0x7EF] =	sst s9;
	s9 =	simm.s32 @!p1 $0x0  }
0x38: {  	s20 =	sld [smem:$0x7ED];
	s9 =	simm.s32 @p1 $0x1;
	p1 =	por p3, !p2  }
0x39: {  	p4 =	seq.s32 s17, $0x1;
	[smem:$0x7F2] =	sst s9;
	s9 =	simm.s32 @!p1 $0x0  }
0x3a: {  	s21 =	sld [smem:$0x7EE];
	s9 =	simm.s32 @p1 $0x1;
	p1 =	por p4, !p2  }
0x3b: {  	p4 =	seq.s32 s19, $0x1;
	[smem:$0x7F3] =	sst s9;
	s9 =	simm.s32 @!p1 $0x0  }
0x3c: {  	s9 =	simm.s32 @p1 $0x1;
	p1 =	por p4, p2;
	p4 =	seq.s32 s20, $0x1  }
0x3d: {  	s18 =	sld [smem:$0x7EB];
	p4 =	por p4, p2  }
0x3e: {  	[smem:$0x7F5] =	sst s9;
	s9 =	simm.s32 @!p4 $0x0  }
0x3f: {  	s22 =	sld [smem:$0x7EF];
	s9 =	simm.s32 @p4 $0x1;
	p4 =	seq.s32 s21, $0x1  }
0x40: {  	[smem:$0x7E5] =	sst s3;
	p4 =	por p4, p2  }
0x41: {  	[smem:$0x7F7] =	sst s9;
	s9 =	simm.s32 @!p4 $0x0  }
0x42: {  	p3 =	seq.s32 s18, $0x1;
	s9 =	simm.s32 @p4 $0x1;
	p4 =	seq.s32 s22, $0x1  }
0x43: {  	s3 =	rddreg [dreg:$0x3];
	p3 =	por p3, !p2;
	p2 =	por p4, p2  }
0x44: {  	[smem:$0x7F9] =	sst s9;
	s9 =	simm.s32 @!p2 $0x0  }
0x45: {  	s6 =	rddreg [dreg:$0x6];
	s9 =	simm.s32 @p2 $0x1  }
0x46: {  	s23 =	sadd.s32 $0x7A00, s0;
	[smem:$0x7FB] =	sst s9  }
0x47: {  	s24 =	sadd.s32 $0x5A00, s0;
	_ =	strace $0x8000004A;
	[dreg:$0xa] =	wrdreg s23  }
0x48: {  	s25 =	sadd.s32 $0x3A00, s0;
	[dreg:$0xb] =	wrdreg s24  }
0x49: {  	s26 =	sadd.s32 $0x1A00, s0;
	[dreg:$0xc] =	wrdreg s25  }
0x4a: {  	s11 =	sadd.s32 $0x21A00, s0;
	[dreg:$0xd] =	wrdreg s26  }
0x4b: {  	s12 =	sadd.s32 $0x19A00, s0;
	[dreg:$0xe] =	wrdreg s11  }
0x4c: {  	s13 =	sadd.s32 $0x11A00, s0;
	[dreg:$0xf] =	wrdreg s12  }
0x4d: {  	s15 =	sadd.s32 $0x9A00, s0;
	[dreg:$0x10] =	wrdreg s13  }
0x4e: {  	s18 =	sadd.s32 $0xEF60, s0;
	[dreg:$0x11] =	wrdreg s15  }
0x4f: {  	s22 =	sadd.s32 $0xC4B0, s0;
	[dreg:$0x12] =	wrdreg s18  }
0x50: {  	[dreg:$0x13] =	wrdreg s22;
	s23 =	sadd.s32 $0x16F60, s0  }
0x51: {  	s24 =	sadd.s32 $0x144B0, s0;
	[dreg:$0x14] =	wrdreg s23  }
0x52: {  	s25 =	sadd.s32 $0x1EF60, s0;
	[dreg:$0x15] =	wrdreg s24  }
0x53: {  	s19 =	sadd.s32 $0x69A00, s0;
	s26 =	sadd.s32 $0x1C4B0, s0;
	[dreg:$0x16] =	wrdreg s25  }
0x54: {  	s20 =	sadd.s32 $0xE9A00, s0;
	s13 =	sadd.s32 $0x26F60, s0;
	[dreg:$0x17] =	wrdreg s26  }
0x55: {  	s21 =	sadd.s32 $0x129A00, s0;
	s0 =	sadd.s32 $0x244B0, s0;
	[dreg:$0x18] =	wrdreg s13  }
0x56: {  	[dreg:$0x19] =	wrdreg s0  }
0x57: {  	s18 =	sld [smem:$0x7F1]  }
0x58: {  	s31 =	srdreg.scid;
	s22 =	sld [smem:$0x7F2]  }
0x59: {  	s28 =	simm.s32 $0x2;
	s9 =	sand.u32 $0x1, s31;
	s23 =	sld [smem:$0x7F3]  }
0x5a: {  	s17 =	sshll.u32 s14, $0x8;
	s16 =	ssub.s32 $0x2, s9;
	s24 =	sld [smem:$0x7F5]  }
0x5b: {  	s9 =	sshll.u32 s9, $0x7;
	s12 =	sshrl.u32 s16, $0x1;
	s25 =	sld [smem:$0x7F7]  }
0x5c: {  	s26 =	sld [smem:$0x7F9];
	s11 =	ssub.s32 s16, s12;
	s12 =	sor.u32 s9, s17  }
0x5d: {  	s17 =	sld [smem:$0x7F0];
	s31 =	sshll.u32 s12, $0x4;
	s16 =	smax.u32 s11, $0x1  }
0x5e: {  	s0 =	sshrl.u32 s12, $0x3;
	s12 =	sadd.s32 $0x2AB00, s5;
	[dreg:$0x1c] =	wrdreg s16  }
0x5f: {  	s13 =	sadd.s32 s19, s31;
	s15 =	sadd.s32 s20, s31;
	s31 =	sld [smem:$0x7FB]  }
0x60: {  	[dreg:$0x1a] =	wrdreg s13;
	p2 =	seq.s32 s17, $0x1;
	s13 =	sadd.s32 $0x15580, s8  }
0x61: {  	s9 =	sshrl.u32 @!p2 s12, $0x3;
	s12 =	sadd.s32 $0x15580, s5;
	p2 =	seq.s32 s18, $0x1  }
0x62: {  	[dreg:$0x1d] =	wrdreg s9;
	s9 =	sshrl.u32 @!p2 s12, $0x3;
	p2 =	seq.s32 s22, $0x1  }
0x63: {  	s29 =	simm.s32 $0x80;
	[dreg:$0x1e] =	wrdreg s9;
	s9 =	sshrl.u32 @!p2 s13, $0x3  }
0x64: {  	s12 =	sadd.s32 $0x2AB00, s8;
	p2 =	seq.s32 s23, $0x1;
	[dreg:$0x1f] =	wrdreg s9  }
0x65: {  	s9 =	sshrl.u32 @!p2 s12, $0x3;
	s12 =	sadd.s32 $0x2AB00, s7;
	p2 =	seq.s32 s24, $0x1  }
0x66: {  	s13 =	sadd.s32 $0x15580, s6;
	[smem:$0x7F4] =	sst s9;
	s9 =	sshrl.u32 @!p2 s12, $0x3  }
0x67: {  	s12 =	sadd.s32 $0x15580, s7;
	p2 =	seq.s32 s25, $0x1;
	[smem:$0x7F6] =	sst s9  }
0x68: {  	s9 =	sshrl.u32 @!p2 s12, $0x3;
	p2 =	seq.s32 s26, $0x1;
	s12 =	sadd.s32 $0x2AB00, s6  }
0x69: {  	[smem:$0x7F8] =	sst s9;
	s9 =	sshrl.u32 @!p2 s13, $0x3;
	p2 =	seq.s32 s31, $0x1  }
0x6a: {  	[smem:$0x7FA] =	sst s9;
	s9 =	sshrl.u32 @!p2 s12, $0x3;
	p2 =	sgt.s32 s14, $0x7  }
0x6b: {  	s30 =	simm.s32 $0x3;
	[smem:$0x7FC] =	sst s9;
	s9 =	simm.s32 @!p2 $0x0  }
0x6c: {  	[dreg:$0x1b] =	wrdreg s15;
	s23 =	simm.s32 $0x400;
	s9 =	simm.s32 @p2 $0x1  }
0x6d: {  	s24 =	simm.s32 $0x80000;
	s26 =	simm.s32 $0x1;
	[smem:$0x7FD] =	sst s9  }
.LBB2_1:
0x6e: {  	s9 =	sld [smem:$0x7FD];
	_ =	sdelay $0x2  }
0x6f: {  	p2 =	seq.s32 s9, $0x1  }
.Ltmp0:
0x70: {  	_ = 	snop;
	(pc) =	sbr.rel @p2 .LBB2_3-.Ltmp0, $1  }
0x71: {  	_ =	sdelay $0x3  }
0x72: {  	s9 =	sld [smem:$0x7F0];
	_ =	sdelay $0x2  }
0x73: {  	s11 =	rddreg [dreg:$0x1d];
	p2 =	seq.s32 s9, $0x1  }
0x74: {  	s9 =	rddreg [dreg:$0x18];
	s12 =	simm.s32 @!p2 $0x1D84  }
0x75: {  	[spmem:s11], [sflag:s12] =	dma.local @!p2 [hbm:s9], $0x2AA0  }
0x76: {  	s12 =	simm.s32 @!p2 $0x4  }
0x77: {  	_ =	swait.ge @!p2 [sflag:s12], $0x2AA0  }
0x78: {  	s18 =	sld [smem:$0x7E2];
	_ =	sdelay $0x1  }
0x79: {  	[sflag:s12] =	ssyncset.done @!p2 $0x0  }
0x7a: {  	[sflag:s12] =	ssyncadd.s32 @!p2 $0xFFFFD560;
	p2 =	seq.s32 s18, $0x1  }
0x7b: {  	s9 =	rddreg [dreg:$0xf];
	s12 =	sshrl.u32 @!p2 s6, $0x3;
	s13 =	simm.s32 @!p2 $0x1DC4  }
0x7c: {  	[spmem:s12], [sflag:s13] =	dma.local @!p2 [hbm:s9], $0x2AB0  }
0x7d: {  	s12 =	simm.s32 @!p2 $0x4  }
0x7e: {  	_ =	swait.ge @!p2 [sflag:s12], $0x2AB0  }
0x7f: {  	s22 =	sld [smem:$0x7E4];
	_ =	sdelay $0x1  }
0x80: {  	[sflag:s12] =	ssyncset.done @!p2 $0x0  }
0x81: {  	[sflag:s12] =	ssyncadd.s32 @!p2 $0xFFFFD550;
	p2 =	seq.s32 s22, $0x1  }
0x82: {  	s9 =	rddreg [dreg:$0xe];
	s12 =	sshrl.u32 @!p2 s5, $0x3;
	s13 =	simm.s32 @!p2 $0x1D04  }
0x83: {  	[spmem:s12], [sflag:s13] =	dma.local @!p2 [hbm:s9], $0x2AB0  }
0x84: {  	s12 =	simm.s32 @!p2 $0x4  }
0x85: {  	_ =	swait.ge @!p2 [sflag:s12], $0x2AB0  }
0x86: {  	s25 =	sld [smem:$0x7F1];
	_ =	sdelay $0x1  }
0x87: {  	[sflag:s12] =	ssyncset.done @!p2 $0x0  }
0x88: {  	s9 =	rddreg [dreg:$0x19];
	[sflag:s12] =	ssyncadd.s32 @!p2 $0xFFFFD550;
	p2 =	seq.s32 s25, $0x1  }
0x89: {  	s11 =	rddreg [dreg:$0x1e];
	s12 =	simm.s32 @!p2 $0x1D44  }
0x8a: {  	[spmem:s11], [sflag:s12] =	dma.local @!p2 [hbm:s9], $0x2AB0  }
0x8b: {  	s12 =	simm.s32 @!p2 $0x4  }
0x8c: {  	_ =	swait.ge @!p2 [sflag:s12], $0x2AB0  }
0x8d: {  	s31 =	sld [smem:$0x7E5];
	_ =	sdelay $0x1  }
0x8e: {  	[sflag:s12] =	ssyncset.done @!p2 $0x0  }
0x8f: {  	[sflag:s12] =	ssyncadd.s32 @!p2 $0xFFFFD550;
	p2 =	seq.s32 s31, $0x1  }
0x90: {  	s9 =	rddreg [dreg:$0xc];
	s12 =	sshrl.u32 @!p2 s3, $0x3;
	s13 =	simm.s32 @!p2 $0x1C84  }
0x91: {  	[spmem:s12], [sflag:s13] =	dma.local @!p2 [hbm:s9], $0x2000  }
0x92: {  	s12 =	simm.s32 @!p2 $0x4  }
0x93: {  	_ =	swait.ge @!p2 [sflag:s12], $0x2000  }
0x94: {  	s13 =	simm.s32 @!p5 $0x1CC4;
	[sflag:s12] =	ssyncset.done @!p2 $0x0  }
0x95: {  	s9 =	rddreg [dreg:$0xd];
	[sflag:s12] =	ssyncadd.s32 @!p2 $0xFFFFE000;
	s12 =	sshrl.u32 @!p5 s4, $0x3  }
0x96: {  	[spmem:s12], [sflag:s13] =	dma.local @!p5 [hbm:s9], $0x2000  }
0x97: {  	s12 =	simm.s32 @!p5 $0x4  }
0x98: {  	_ =	swait.ge @!p5 [sflag:s12], $0x2000  }
0x99: {  	s13 =	simm.s32 @!p6 $0x1C04;
	[sflag:s12] =	ssyncset.done @!p5 $0x0  }
0x9a: {  	s9 =	rddreg [dreg:$0xa];
	[sflag:s12] =	ssyncadd.s32 @!p5 $0xFFFFE000;
	s12 =	sshrl.u32 @!p6 s1, $0x3  }
0x9b: {  	[spmem:s12], [sflag:s13] =	dma.local @!p6 [hbm:s9], $0x2000  }
0x9c: {  	s12 =	simm.s32 @!p6 $0x4  }
0x9d: {  	_ =	swait.ge @!p6 [sflag:s12], $0x2000  }
0x9e: {  	s13 =	simm.s32 @!p0 $0x1C44;
	[sflag:s12] =	ssyncset.done @!p6 $0x0  }
0x9f: {  	s9 =	rddreg [dreg:$0xb];
	[sflag:s12] =	ssyncadd.s32 @!p6 $0xFFFFE000;
	s12 =	sshrl.u32 @!p0 s2, $0x3  }
0xa0: {  	[spmem:s12], [sflag:s13] =	dma.local @!p0 [hbm:s9], $0x2000  }
.Ltmp1:
0xa1: {  	_ = 	snop;
	(pc) =	sbr.rel .LBB2_4-.Ltmp1, $4  }
0xa2: {  	s12 =	simm.s32 @!p0 $0x4  }
0xa3: {  	_ =	swait.ge @!p0 [sflag:s12], $0x2000  }
0xa4: {  	[sflag:s12] =	ssyncset.done @!p0 $0x0  }
0xa5: {  	[sflag:s12] =	ssyncadd.s32 @!p0 $0xFFFFE000  }
.LBB2_3:
0xa6: {  	s9 =	sld [smem:$0x7F2];
	_ =	sdelay $0x2  }
0xa7: {  	s11 =	rddreg [dreg:$0x1f];
	p2 =	seq.s32 s9, $0x1  }
0xa8: {  	s9 =	rddreg [dreg:$0x13];
	s12 =	simm.s32 @!p2 $0x1F84  }
0xa9: {  	[spmem:s11], [sflag:s12] =	dma.local @!p2 [hbm:s9], $0x2AB0  }
0xaa: {  	s12 =	simm.s32 @!p2 $0x4  }
0xab: {  	_ =	swait.ge @!p2 [sflag:s12], $0x2AB0  }
0xac: {  	s17 =	sld [smem:$0x7F3];
	_ =	sdelay $0x1  }
0xad: {  	[sflag:s12] =	ssyncset.done @!p2 $0x0;
	s11 =	sld [smem:$0x7F4]  }
0xae: {  	[sflag:s12] =	ssyncadd.s32 @!p2 $0xFFFFD550;
	p2 =	seq.s32 s17, $0x1  }
0xaf: {  	s9 =	rddreg [dreg:$0x12];
	s12 =	simm.s32 @!p2 $0x1FC4  }
0xb0: {  	[spmem:s11], [sflag:s12] =	dma.local @!p2 [hbm:s9], $0x2AA0  }
0xb1: {  	s12 =	simm.s32 @!p2 $0x4  }
0xb2: {  	_ =	swait.ge @!p2 [sflag:s12], $0x2AA0  }
0xb3: {  	s18 =	sld [smem:$0x7F5];
	_ =	sdelay $0x1  }
0xb4: {  	[sflag:s12] =	ssyncset.done @!p2 $0x0;
	s11 =	sld [smem:$0x7F6]  }
0xb5: {  	[sflag:s12] =	ssyncadd.s32 @!p2 $0xFFFFD560;
	p2 =	seq.s32 s18, $0x1  }
0xb6: {  	s9 =	rddreg [dreg:$0x14];
	s12 =	simm.s32 @!p2 $0x1F04  }
0xb7: {  	[spmem:s11], [sflag:s12] =	dma.local @!p2 [hbm:s9], $0x2AA0  }
0xb8: {  	s12 =	simm.s32 @!p2 $0x4  }
0xb9: {  	_ =	swait.ge @!p2 [sflag:s12], $0x2AA0  }
0xba: {  	s13 =	simm.s32 @!p3 $0x1F44;
	[sflag:s12] =	ssyncset.done @!p2 $0x0  }
0xbb: {  	s9 =	rddreg [dreg:$0x11];
	[sflag:s12] =	ssyncadd.s32 @!p2 $0xFFFFD560;
	s12 =	sshrl.u32 @!p3 s8, $0x3  }
0xbc: {  	[spmem:s12], [sflag:s13] =	dma.local @!p3 [hbm:s9], $0x2AB0  }
0xbd: {  	s12 =	simm.s32 @!p3 $0x4  }
0xbe: {  	_ =	swait.ge @!p3 [sflag:s12], $0x2AB0  }
0xbf: {  	s13 =	simm.s32 @!p1 $0x1E84;
	[sflag:s12] =	ssyncset.done @!p3 $0x0  }
0xc0: {  	s9 =	rddreg [dreg:$0x10];
	[sflag:s12] =	ssyncadd.s32 @!p3 $0xFFFFD550;
	s12 =	sshrl.u32 @!p1 s7, $0x3  }
0xc1: {  	[spmem:s12], [sflag:s13] =	dma.local @!p1 [hbm:s9], $0x2AB0  }
0xc2: {  	s12 =	simm.s32 @!p1 $0x4  }
0xc3: {  	_ =	swait.ge @!p1 [sflag:s12], $0x2AB0  }
0xc4: {  	s22 =	sld [smem:$0x7F7];
	_ =	sdelay $0x1  }
0xc5: {  	s11 =	sld [smem:$0x7F8]  }
0xc6: {  	[sflag:s12] =	ssyncset.done @!p1 $0x0;
	p2 =	seq.s32 s22, $0x1  }
0xc7: {  	s9 =	rddreg [dreg:$0x15];
	[sflag:s12] =	ssyncadd.s32 @!p1 $0xFFFFD550;
	s12 =	simm.s32 @!p2 $0x1EC4  }
0xc8: {  	[spmem:s11], [sflag:s12] =	dma.local @!p2 [hbm:s9], $0x2AB0  }
0xc9: {  	s12 =	simm.s32 @!p2 $0x4  }
0xca: {  	_ =	swait.ge @!p2 [sflag:s12], $0x2AB0  }
0xcb: {  	s25 =	sld [smem:$0x7F9];
	_ =	sdelay $0x1  }
0xcc: {  	[sflag:s12] =	ssyncset.done @!p2 $0x0;
	s11 =	sld [smem:$0x7FA]  }
0xcd: {  	[sflag:s12] =	ssyncadd.s32 @!p2 $0xFFFFD550;
	p2 =	seq.s32 s25, $0x1  }
0xce: {  	s9 =	rddreg [dreg:$0x17];
	s12 =	simm.s32 @!p2 $0x1E04  }
0xcf: {  	[spmem:s11], [sflag:s12] =	dma.local @!p2 [hbm:s9], $0x2AB0  }
0xd0: {  	s12 =	simm.s32 @!p2 $0x4  }
0xd1: {  	_ =	swait.ge @!p2 [sflag:s12], $0x2AB0  }
0xd2: {  	s31 =	sld [smem:$0x7FB];
	_ =	sdelay $0x1  }
0xd3: {  	[sflag:s12] =	ssyncset.done @!p2 $0x0;
	s11 =	sld [smem:$0x7FC]  }
0xd4: {  	[sflag:s12] =	ssyncadd.s32 @!p2 $0xFFFFD550;
	p2 =	seq.s32 s31, $0x1  }
0xd5: {  	s9 =	rddreg [dreg:$0x16];
	s12 =	simm.s32 @!p2 $0x1E44  }
0xd6: {  	[spmem:s11], [sflag:s12] =	dma.local @!p2 [hbm:s9], $0x2AA0  }
0xd7: {  	s12 =	simm.s32 @!p2 $0x4  }
0xd8: {  	_ =	swait.ge @!p2 [sflag:s12], $0x2AA0  }
0xd9: {  	[sflag:s12] =	ssyncset.done @!p2 $0x0  }
0xda: {  	[sflag:s12] =	ssyncadd.s32 @!p2 $0xFFFFD560  }
.LBB2_4:
0xdb: {  	[bflag:$0x0] =	sbarrier.arrive $0xFFFF  }
0xdc: {  	s12 =	simm.s32 $0x0;
	s9 =	rddreg [dreg:$0x1a]  }
0xdd: {  	[tilespmem:s12], [sflag:$0x2] =	stream.strided.gather [hbm4b:s9+s23], $0x1000, s24, s23, $0x38;
	[tilespmem:$0x1C000] =	vst v63  }
0xde: {  	s11 =	simm.s32 $0x1000;
	p2 =	por $0x0, $0x0;
	s31 =	rddreg [dreg:$0x1b]  }
0xdf: {  	[tilespmem:s11], [sflag:$0x2] =	stream.strided.gather [hbm4b:s31+s23], $0x1000, s24, s23, $0x38;
	[tilespmem:$0x1C000] =	vst v63  }
.LBB2_5:
0xe0: {  	s13 =	sadd.s32 $0x1, s12;
	p4 =	seq.s32 s12, $0xF  }
0xe1: {  	s14 =	sadd.s32 @!p4 s0, s13  }
0xe2: {  	s15 =	sshll.u32 @!p4 s13, $0xD;
	s17 =	simm.s32 @!p4 $0x400;
	s14 =	sshll.u32 @!p4 s14, $0x7  }
0xe3: {  	s18 =	simm.s32 @!p4 $0x80000;
	s15 =	sand.u32 @!p4 $0x2000, s15;
	s16 =	sadd.s32 @!p4 s19, s14  }
0xe4: {  	[tilespmem:s15], [sflag:$0x2] =	stream.strided.gather @!p4 [hbm4b:s16+s17], $0x1000, s18, s17, $0x38;
	[tilespmem:$0x1C000] =	vst v63  }
0xe5: {  	s14 =	sadd.s32 @!p4 s20, s14;
	s15 =	sor.u32 @!p4 $0x1000, s15  }
0xe6: {  	[tilespmem:s15], [sflag:$0x2] =	stream.strided.gather @!p4 [hbm4b:s14+s17], $0x1000, s18, s17, $0x38;
	[tilespmem:$0x1C000] =	vst v63  }
0xe7: {  	_ =	swait.ge [sflag:s28], $0x1000  }
0xe8: {  	[sflag:s28] =	ssyncset.done $0x0  }
0xe9: {  	[sflag:s28] =	ssyncadd.s32 $0xFFFFF000  }
0xea: {  	_ =	swait.ge [sflag:s28], $0x1000  }
0xeb: {  	s14 =	simm.s32 $0x1;
	p4 =	slt.u32 s12, $0x2;
	[sflag:s28] =	ssyncset.done $0x0  }
0xec: {  	s14 =	simm.s32 @!p2 $0x0;
	s15 =	simm.s32 @!p4 $0x3;
	[sflag:s28] =	ssyncadd.s32 $0xFFFFF000  }
0xed: {  	s14 =	sshll.u32 s14, $0xD;
	_ =	swait.ge @!p4 [sflag:s15], $0x2000  }
0xee: {  	s25 =	sor.u32 $0x4000, s14;
	[sflag:s15] =	ssyncset.done @!p4 $0x0  }
0xef: {  	s16 =	sadd.s32 $0x0, s14;
	[sflag:s15] =	ssyncadd.s32 @!p4 $0xFFFFE000;
	s15 =	sadd.s32 $0x0, s25  }
0xf0: {  	[tilespmem:s15], [sflag:$0x1] =	stream.indirect.gather [spmem:s1], $0x1, s16, s29, $0xb8;
	[tilespmem:$0x1C000] =	vst v63  }
0xf1: {  	s11 =	sadd.s32 $0x400, s16;
	s9 =	sadd.s32 $0x400, s15  }
0xf2: {  	[tilespmem:s9], [sflag:$0x1] =	stream.indirect.gather [spmem:s2], $0x1, s11, s29, $0xb8;
	[tilespmem:$0x1C000] =	vst v63  }
0xf3: {  	s31 =	sadd.s32 $0x800, s16;
	s22 =	sadd.s32 $0x800, s15  }
0xf4: {  	[tilespmem:s22], [sflag:$0x1] =	stream.indirect.gather [spmem:s3], $0x1, s31, s29, $0xb8;
	[tilespmem:$0x1C000] =	vst v63  }
0xf5: {  	s9 =	sadd.s32 $0xC00, s15;
	s11 =	sadd.s32 $0xC00, s16  }
0xf6: {  	[tilespmem:s9], [sflag:$0x1] =	stream.indirect.gather [spmem:s4], $0x1, s11, s29, $0xb8;
	[tilespmem:$0x1C000] =	vst v63  }
0xf7: {  	s22 =	sadd.s32 $0x1000, s15;
	s31 =	sadd.s32 $0x1000, s16  }
0xf8: {  	[tilespmem:s22], [sflag:$0x1] =	stream.indirect.gather [spmem:s5], $0x1, s31, s29, $0xb8;
	[tilespmem:$0x1C000] =	vst v63  }
0xf9: {  	s9 =	sadd.s32 $0x1400, s15;
	s11 =	sadd.s32 $0x1400, s16  }
0xfa: {  	[tilespmem:s9], [sflag:$0x1] =	stream.indirect.gather [spmem:s6], $0x1, s11, s29, $0xb8;
	[tilespmem:$0x1C000] =	vst v63  }
0xfb: {  	s22 =	sadd.s32 $0x1800, s15;
	s31 =	sadd.s32 $0x1800, s16  }
0xfc: {  	[tilespmem:s22], [sflag:$0x1] =	stream.indirect.gather [spmem:s7], $0x1, s31, s29, $0xb8;
	[tilespmem:$0x1C000] =	vst v63  }
0xfd: {  	s15 =	sadd.s32 $0x1C00, s15;
	s16 =	sadd.s32 $0x1C00, s16  }
0xfe: {  	[tilespmem:s15], [sflag:$0x1] =	stream.indirect.gather [spmem:s8], $0x1, s16, s29, $0xb8;
	[tilespmem:$0x1C000] =	vst v63  }
0xff: {  	_ =	swait.ge [sflag:s26], $0x80  }
0x100: {  	[sflag:s26] =	ssyncset.done $0x0  }
0x101: {  	[sflag:s26] =	ssyncadd.s32 $0xFFFFFF80  }
0x102: {  	_ =	swait.ge [sflag:s26], $0x80  }
0x103: {  	[sflag:s26] =	ssyncset.done $0x0  }
0x104: {  	[sflag:s26] =	ssyncadd.s32 $0xFFFFFF80  }
0x105: {  	_ =	swait.ge [sflag:s26], $0x80  }
0x106: {  	[sflag:s26] =	ssyncset.done $0x0  }
0x107: {  	[sflag:s26] =	ssyncadd.s32 $0xFFFFFF80  }
0x108: {  	_ =	swait.ge [sflag:s26], $0x80  }
0x109: {  	[sflag:s26] =	ssyncset.done $0x0  }
0x10a: {  	[sflag:s26] =	ssyncadd.s32 $0xFFFFFF80  }
0x10b: {  	_ =	swait.ge [sflag:s26], $0x80  }
0x10c: {  	[sflag:s26] =	ssyncset.done $0x0  }
0x10d: {  	[sflag:s26] =	ssyncadd.s32 $0xFFFFFF80  }
0x10e: {  	_ =	swait.ge [sflag:s26], $0x80  }
0x10f: {  	[sflag:s26] =	ssyncset.done $0x0  }
0x110: {  	[sflag:s26] =	ssyncadd.s32 $0xFFFFFF80  }
0x111: {  	_ =	swait.ge [sflag:s26], $0x80  }
0x112: {  	[sflag:s26] =	ssyncset.done $0x0  }
0x113: {  	[sflag:s26] =	ssyncadd.s32 $0xFFFFFF80  }
0x114: {  	s17 =	simm.s32 $0x400;
	_ =	swait.ge [sflag:s26], $0x80  }
0x115: {  	s15 =	sand.u32 $0x1, s12;
	s16 =	simm.s32 $0x80;
	[sflag:s26] =	ssyncset.done $0x0  }
.LBB2_6:
0x116: {  	s22 =	sadd.s32 s16, s25  }
0x117: {  	s31 =	sadd.s32 s16, s14;
	[sflag:s26] =	ssyncadd.s32 $0xFFFFFF80;
	s16 =	smov.u32 s17  }
0x118: {  	[tilespmem:s22], [sflag:$0x1] =	stream.indirect.gather [spmem:s1], $0x1, s31, s29, $0xb8;
	[tilespmem:$0x1C000] =	vst v63  }
0x119: {  	s18 =	sadd.s32 $0x200, s17;
	s9 =	sadd.s32 $0x400, s22;
	s11 =	sadd.s32 $0x400, s31  }
0x11a: {  	[tilespmem:s9], [sflag:$0x1] =	stream.indirect.gather [spmem:s2], $0x1, s11, s29, $0xb8;
	[tilespmem:$0x1C000] =	vst v63  }
0x11b: {  	p4 =	sne.s32 s17, $0xE00;
	s9 =	sadd.s32 $0x800, s22;
	s11 =	sadd.s32 $0x800, s31  }
0x11c: {  	[tilespmem:s9], [sflag:$0x1] =	stream.indirect.gather [spmem:s3], $0x1, s11, s29, $0xb8;
	[tilespmem:$0x1C000] =	vst v63  }
0x11d: {  	s9 =	sadd.s32 $0xC00, s22;
	s11 =	sadd.s32 $0xC00, s31  }
0x11e: {  	[tilespmem:s9], [sflag:$0x1] =	stream.indirect.gather [spmem:s4], $0x1, s11, s29, $0xb8;
	[tilespmem:$0x1C000] =	vst v63  }
0x11f: {  	s9 =	sadd.s32 $0x1000, s22;
	s11 =	sadd.s32 $0x1000, s31  }
0x120: {  	[tilespmem:s9], [sflag:$0x1] =	stream.indirect.gather [spmem:s5], $0x1, s11, s29, $0xb8;
	[tilespmem:$0x1C000] =	vst v63  }
0x121: {  	s9 =	sadd.s32 $0x1400, s22;
	s11 =	sadd.s32 $0x1400, s31  }
0x122: {  	[tilespmem:s9], [sflag:$0x1] =	stream.indirect.gather [spmem:s6], $0x1, s11, s29, $0xb8;
	[tilespmem:$0x1C000] =	vst v63  }
0x123: {  	s9 =	sadd.s32 $0x1800, s22;
	s11 =	sadd.s32 $0x1800, s31  }
0x124: {  	[tilespmem:s9], [sflag:$0x1] =	stream.indirect.gather [spmem:s7], $0x1, s11, s29, $0xb8;
	[tilespmem:$0x1C000] =	vst v63  }
0x125: {  	s9 =	sadd.s32 $0x1C00, s22;
	s11 =	sadd.s32 $0x1C00, s31  }
0x126: {  	[tilespmem:s9], [sflag:$0x1] =	stream.indirect.gather [spmem:s8], $0x1, s11, s29, $0xb8;
	[tilespmem:$0x1C000] =	vst v63  }
0x127: {  	_ =	swait.ge [sflag:s26], $0x80  }
0x128: {  	[sflag:s26] =	ssyncset.done $0x0  }
0x129: {  	[sflag:s26] =	ssyncadd.s32 $0xFFFFFF80  }
0x12a: {  	_ =	swait.ge [sflag:s26], $0x80  }
0x12b: {  	[sflag:s26] =	ssyncset.done $0x0  }
0x12c: {  	[sflag:s26] =	ssyncadd.s32 $0xFFFFFF80  }
0x12d: {  	_ =	swait.ge [sflag:s26], $0x80  }
0x12e: {  	[sflag:s26] =	ssyncset.done $0x0  }
0x12f: {  	[sflag:s26] =	ssyncadd.s32 $0xFFFFFF80  }
0x130: {  	_ =	swait.ge [sflag:s26], $0x80  }
0x131: {  	[sflag:s26] =	ssyncset.done $0x0  }
0x132: {  	[sflag:s26] =	ssyncadd.s32 $0xFFFFFF80  }
0x133: {  	_ =	swait.ge [sflag:s26], $0x80  }
0x134: {  	[sflag:s26] =	ssyncset.done $0x0  }
0x135: {  	[sflag:s26] =	ssyncadd.s32 $0xFFFFFF80  }
0x136: {  	_ =	swait.ge [sflag:s26], $0x80  }
0x137: {  	[sflag:s26] =	ssyncset.done $0x0  }
0x138: {  	[sflag:s26] =	ssyncadd.s32 $0xFFFFFF80  }
.Ltmp2:
0x139: {  	_ =	swait.ge [sflag:s26], $0x80;
	(pc) =	sbr.rel @p4 .LBB2_6-.Ltmp2, $4  }
0x13a: {  	[sflag:s26] =	ssyncset.done $0x0  }
0x13b: {  	[sflag:s26] =	ssyncadd.s32 $0xFFFFFF80  }
0x13c: {  	_ =	swait.ge [sflag:s26], $0x80  }
0x13d: {  	s16 =	sshra.s32 s16, $0x2;
	s17 =	smov.u32 s18;
	[sflag:s26] =	ssyncset.done $0x0  }
0x13e: {  	s9 =	sadd.s32 s16, s25;
	s11 =	sadd.s32 s16, s14;
	[sflag:s26] =	ssyncadd.s32 $0xFFFFFF80  }
0x13f: {  	[tilespmem:s9], [sflag:$0x1] =	stream.indirect.gather [spmem:s1], $0x1, s11, s29, $0xb8;
	[tilespmem:$0x1C000] =	vst v63  }
0x140: {  	s31 =	sadd.s32 $0x400, s9;
	s16 =	sadd.s32 $0x400, s11  }
0x141: {  	[tilespmem:s31], [sflag:$0x1] =	stream.indirect.gather [spmem:s2], $0x1, s16, s29, $0xb8;
	[tilespmem:$0x1C000] =	vst v63  }
0x142: {  	s17 =	sadd.s32 $0x800, s11;
	s16 =	sadd.s32 $0x800, s9  }
0x143: {  	[tilespmem:s16], [sflag:$0x1] =	stream.indirect.gather [spmem:s3], $0x1, s17, s29, $0xb8;
	[tilespmem:$0x1C000] =	vst v63  }
0x144: {  	s18 =	sadd.s32 $0xC00, s9;
	s22 =	sadd.s32 $0xC00, s11  }
0x145: {  	[tilespmem:s18], [sflag:$0x1] =	stream.indirect.gather [spmem:s4], $0x1, s22, s29, $0xb8;
	[tilespmem:$0x1C000] =	vst v63  }
0x146: {  	s25 =	sadd.s32 $0x1000, s9;
	s31 =	sadd.s32 $0x1000, s11  }
0x147: {  	[tilespmem:s25], [sflag:$0x1] =	stream.indirect.gather [spmem:s5], $0x1, s31, s29, $0xb8;
	[tilespmem:$0x1C000] =	vst v63  }
0x148: {  	s16 =	sadd.s32 $0x1400, s9;
	s17 =	sadd.s32 $0x1400, s11  }
0x149: {  	[tilespmem:s16], [sflag:$0x1] =	stream.indirect.gather [spmem:s6], $0x1, s17, s29, $0xb8;
	[tilespmem:$0x1C000] =	vst v63  }
0x14a: {  	s18 =	sadd.s32 $0x1800, s9;
	s22 =	sadd.s32 $0x1800, s11  }
0x14b: {  	[tilespmem:s18], [sflag:$0x1] =	stream.indirect.gather [spmem:s7], $0x1, s22, s29, $0xb8;
	[tilespmem:$0x1C000] =	vst v63  }
0x14c: {  	s9 =	sadd.s32 $0x1C00, s9;
	s11 =	sadd.s32 $0x1C00, s11  }
0x14d: {  	[tilespmem:s9], [sflag:$0x1] =	stream.indirect.gather [spmem:s8], $0x1, s11, s29, $0xb8;
	[tilespmem:$0x1C000] =	vst v63  }
0x14e: {  	_ =	swait.ge [sflag:s26], $0x80  }
0x14f: {  	[sflag:s26] =	ssyncset.done $0x0  }
0x150: {  	[sflag:s26] =	ssyncadd.s32 $0xFFFFFF80  }
0x151: {  	_ =	swait.ge [sflag:s26], $0x80  }
0x152: {  	[sflag:s26] =	ssyncset.done $0x0  }
0x153: {  	[sflag:s26] =	ssyncadd.s32 $0xFFFFFF80  }
0x154: {  	_ =	swait.ge [sflag:s26], $0x80  }
0x155: {  	[sflag:s26] =	ssyncset.done $0x0  }
0x156: {  	[sflag:s26] =	ssyncadd.s32 $0xFFFFFF80  }
0x157: {  	_ =	swait.ge [sflag:s26], $0x80  }
0x158: {  	[sflag:s26] =	ssyncset.done $0x0  }
0x159: {  	[sflag:s26] =	ssyncadd.s32 $0xFFFFFF80  }
0x15a: {  	_ =	swait.ge [sflag:s26], $0x80  }
0x15b: {  	[sflag:s26] =	ssyncset.done $0x0  }
0x15c: {  	[sflag:s26] =	ssyncadd.s32 $0xFFFFFF80  }
0x15d: {  	_ =	swait.ge [sflag:s26], $0x80  }
0x15e: {  	[sflag:s26] =	ssyncset.done $0x0  }
0x15f: {  	[sflag:s26] =	ssyncadd.s32 $0xFFFFFF80  }
0x160: {  	_ =	swait.ge [sflag:s26], $0x80  }
0x161: {  	p4 =	sne.s32 s13, $0x10;
	[sflag:s26] =	ssyncset.done $0x0  }
.Ltmp3:
0x162: {  	p2 =	por !p2, !p2;
	[sflag:s26] =	ssyncadd.s32 $0xFFFFFF80;
	(pc) =	sbr.rel @p4 .LBB2_5-.Ltmp3, $4  }
0x163: {  	s25 =	sadd.s32 s0, s12;
	s31 =	sshll.u32 s15, $0xD;
	_ =	swait.ge [sflag:s26], $0x80  }
0x164: {  	s12 =	smov.u32 s13;
	s9 =	sshll.u32 s25, $0x7;
	[sflag:s26] =	ssyncset.done $0x0  }
0x165: {  	s11 =	sor.u32 $0x4000, s31;
	s9 =	sadd.s32 s21, s9;
	[sflag:s26] =	ssyncadd.s32 $0xFFFFFF80  }
0x166: {  	[hbm4b:s9+s23] =	stream.strided.scatter [tilespmem:s11], [sflag:$0x3], $0x2000, s24, s23, $0x38;
	[tilespmem:$0x1C000] =	vst v63  }
0x167: {  	_ =	swait.ge [sflag:s30], $0x2000  }
0x168: {  	[sflag:s30] =	ssyncset.done $0x0  }
0x169: {  	[sflag:s30] =	ssyncadd.s32 $0xFFFFE000  }
0x16a: {  	_ =	swait.ge [sflag:s30], $0x2000  }
0x16b: {  	s10 =	sadd.s32 $0x1, s10;
	s9 =	rddreg [dreg:$0x1c]  }
0x16c: {  	p2 =	sne.s32 s10, s9  }
.Ltmp4:
0x16d: {  	_ = 	snop;
	(pc) =	sbr.rel @p2 .LBB2_1-.Ltmp4, $3  }
0x16e: {  	_ =	sdelay $0x1  }
0x16f: {  	[sflag:s30] =	ssyncset.done $0x0  }
0x170: {  	[sflag:s30] =	ssyncadd.s32 $0xFFFFE000  }
0x171: {  	_ =	sfence.sel $0x180000  }
0x172: {  	[bflag:$0x0] =	sbarrier.arrive $0xFFFF  }
0x173: {  	_ =	strace $0x9000004A  }
0x174: {  	s0 =	stileid.u32;
	[bflag:$0x2] =	sbarrier.arrive $0xFFFF  }
0x175: {  	p0 =	sne.s32 s0, $0x0;
	s0 =	rddreg [dreg:$0x9]  }
0x176: {  	s0 =	sadd.s32 @!p0 $0x100000, s0  }
0x177: {  	[sflag:s0] =	ssyncadd.tile.s32 @!p0 $0x1;
	_ =	shalt  }
.Lfunc_end2:
_tile_overlayer_lowered:
.L_overlay_start_2:
0x178: {  	(tag) =	ssettag $0x2  }
0x179: {  	s0 =	rddreg [dreg:$0x0];
	s2 =	stileid.u32  }
0x17a: {  	s1 =	rddreg [dreg:$0x1];
	p0 =	sne.s32 s2, $0x0  }
0x17b: {  	s3 =	rddreg [dreg:$0x2];
	[bflag:$0x3] =	sbarrier.arrive $0xFFFF;
	s2 =	simm.s32 @!p0 $0x1C04  }
0x17c: {  	[timem:s3], [sflag:s2] =	dma.local @!p0 [hbm:s0], s1  }
0x17d: {  	s0 =	simm.s32 @!p0 $0x4  }
0x17e: {  	_ =	swait.ge @!p0 [sflag:s0], s1  }
0x17f: {  	s1 =	ssub.s32 @!p0 $0x0, s1;
	[sflag:s0] =	ssyncset.done @!p0 $0x0  }
0x180: {  	[sflag:s0] =	ssyncadd.s32 @!p0 s1  }
0x181: {  	[bflag:$0x3] =	sbarrier.arrive $0xFFFF  }
0x182: {  	_ =	shalt  }

</sc_bundles>
